<compile_context>
chip_gen: v7x
topology: tpu7x:2x2x1
jax: 0.10.2.dev20260603
libtpu: 0.0.44.dev20260713+nightly
codegen_flags: <defaults>
</compile_context>

<pallas_src>
import functools

import jax
import jax.numpy as jnp
import numpy as np
from jax import lax
from jax.experimental import pallas as pl
from jax.experimental.pallas import tpu as pltpu
from jax.experimental.pallas import tpu_sc as plsc

NUM_LEVELS = 16
LEVEL_DIM = 2
HSZ = 1 << 19
P1 = 2654435761 - (1 << 32)
P2 = 805459861
B_TOTAL = 262144
OUT_DIM = NUM_LEVELS * LEVEL_DIM


def _offsets():
    offs, off = [], 0
    for i in range(NUM_LEVELS):
        res = 16 << i
        offs.append(off)
        off += min(HSZ, res ** 3)
    offs.append(off)
    return offs


_OFF = _offsets()
_N_EMBED = _OFF[-1]

NC, NS = 2, 16
NW = NC * NS
LANES = 16


def _make_sc_call(batch, chunk, interpret=False):
    pts = batch // NW
    nch = pts // chunk
    nv = chunk // LANES
    mesh = plsc.VectorSubcoreMesh(core_axis_name="c", subcore_axis_name="s")

    @functools.partial(
        pl.kernel,
        out_type=jax.ShapeDtypeStruct((OUT_DIM, batch), jnp.float32),
        mesh=mesh,
        interpret=interpret,
        scratch_types=[
            pltpu.VMEM((chunk,), jnp.float32),
            pltpu.VMEM((chunk,), jnp.float32),
            pltpu.VMEM((chunk,), jnp.float32),
            pltpu.VMEM((8 * chunk,), jnp.int32),
            pltpu.VMEM((8 * chunk,), jnp.float32),
            pltpu.VMEM((8 * chunk,), jnp.float32),
            pltpu.VMEM((8 * chunk,), jnp.float32),
            pltpu.VMEM((2, chunk), jnp.float32),
            pltpu.SemaphoreType.DMA,
        ],
    )
    def sc_encode(x_hbm, y_hbm, z_hbm, tab0_hbm, tab1_hbm, out_hbm,
                  xv, yv, zv, idxv, wv, rows0, rows1, outv, sem):
        wid = lax.axis_index("s") * NC + lax.axis_index("c")
        base = wid * pts

        def do_level(scale_f, off, mask, use_hash, r_lin, col0, pt0):
            def phase_a(v, carry):
                i0 = v * LANES
                xi = xv[pl.ds(i0, LANES)]
                yi = yv[pl.ds(i0, LANES)]
                zi = zv[pl.ds(i0, LANES)]
                px = xi * scale_f + 0.5
                py = yi * scale_f + 0.5
                pz = zi * scale_f + 0.5
                gx = px.astype(jnp.int32)
                gy = py.astype(jnp.int32)
                gz = pz.astype(jnp.int32)
                fx = px - gx.astype(jnp.float32)
                fy = py - gy.astype(jnp.float32)
                fz = pz - gz.astype(jnp.float32)
                if use_hash:
                    tx0, tx1 = gx, gx + 1
                    ty0 = gy * P1
                    ty1 = ty0 + P1
                    tz0 = gz * P2
                    tz1 = tz0 + P2
                    comb = lambda a, b, c: a ^ b ^ c
                else:
                    sy, sz = r_lin, r_lin * r_lin
                    tx0, tx1 = gx, gx + 1
                    ty0 = gy * sy
                    ty1 = ty0 + sy
                    tz0 = gz * sz
                    tz1 = tz0 + sz
                    comb = lambda a, b, c: a + b + c
                txs, tys, tzs = (tx0, tx1), (ty0, ty1), (tz0, tz1)
                wxs = (1.0 - fx, fx)
                wys = (1.0 - fy, fy)
                wzs = (1.0 - fz, fz)
                for c in range(8):
                    bx, by, bz = c & 1, (c >> 1) & 1, (c >> 2) & 1
                    idx = (comb(txs[bx], tys[by], tzs[bz]) & mask) + off
                    w = wxs[bx] * wys[by] * wzs[bz]
                    idxv[pl.ds(c * chunk + i0, LANES)] = idx
                    wv[pl.ds(c * chunk + i0, LANES)] = w
                return carry

            lax.fori_loop(0, nv, phase_a, 0, unroll=False)
            d0 = pltpu.async_copy(tab0_hbm.at[idxv], rows0, sem)
            d1 = pltpu.async_copy(tab1_hbm.at[idxv], rows1, sem)
            d0.wait()
            d1.wait()

            def phase_b(v, carry):
                i0 = v * LANES
                acc0 = jnp.zeros((LANES,), jnp.float32)
                acc1 = jnp.zeros((LANES,), jnp.float32)
                for c in range(8):
                    w = wv[pl.ds(c * chunk + i0, LANES)]
                    e0 = rows0[pl.ds(c * chunk + i0, LANES)]
                    e1 = rows1[pl.ds(c * chunk + i0, LANES)]
                    acc0 = acc0 + w * e0
                    acc1 = acc1 + w * e1
                outv[0, pl.ds(i0, LANES)] = acc0
                outv[1, pl.ds(i0, LANES)] = acc1
                return carry

            lax.fori_loop(0, nv, phase_b, 0, unroll=False)
            pltpu.sync_copy(
                outv, out_hbm.at[pl.ds(col0, 2), pl.ds(pt0, chunk)]
            )

        def chunk_body(ch, carry):
            pt0 = base + ch * chunk
            pltpu.sync_copy(x_hbm.at[pl.ds(pt0, chunk)], xv)
            pltpu.sync_copy(y_hbm.at[pl.ds(pt0, chunk)], yv)
            pltpu.sync_copy(z_hbm.at[pl.ds(pt0, chunk)], zv)
            for l in range(3):
                r = 16 << l
                do_level(np.float32(r - 1), _OFF[l], r ** 3 - 1, False, r,
                         2 * l, pt0)

            def hash_level(l, c2):
                scale_f = (jnp.left_shift(16, l) - 1).astype(jnp.float32)
                off = _OFF[3] + (l - 3) * HSZ
                do_level(scale_f, off, HSZ - 1, True, 0, 2 * l, pt0)
                return c2

            lax.fori_loop(3, NUM_LEVELS, hash_level, 0, unroll=False)
            return carry

        lax.fori_loop(0, nch, chunk_body, 0, unroll=False)

    return sc_encode


_sc_call = _make_sc_call(B_TOTAL, 512)

_NB_T = 4096


def _split2_body(x_ref, o0_ref, o1_ref):
    blk = x_ref[...]
    o0_ref[...] = blk[:, 0]
    o1_ref[...] = blk[:, 1]


_split_tab = pl.pallas_call(
    _split2_body,
    grid=(_N_EMBED // _NB_T,),
    in_specs=[pl.BlockSpec((_NB_T, LEVEL_DIM), lambda i: (i, 0))],
    out_specs=[pl.BlockSpec((_NB_T,), lambda i: (i,)),
               pl.BlockSpec((_NB_T,), lambda i: (i,))],
    out_shape=[jax.ShapeDtypeStruct((_N_EMBED,), jnp.float32)] * 2,
)

_NB_P = 8192


def _split3_body(x_ref, o0_ref, o1_ref, o2_ref):
    blk = x_ref[...]
    o0_ref[...] = blk[:, 0]
    o1_ref[...] = blk[:, 1]
    o2_ref[...] = blk[:, 2]


_split_pts = pl.pallas_call(
    _split3_body,
    grid=(B_TOTAL // _NB_P,),
    in_specs=[pl.BlockSpec((_NB_P, 3), lambda i: (i, 0))],
    out_specs=[pl.BlockSpec((_NB_P,), lambda i: (i,))] * 3,
    out_shape=[jax.ShapeDtypeStruct((B_TOTAL,), jnp.float32)] * 3,
)

_TB = 4096


def _tpose_body(x_ref, o_ref):
    o_ref[...] = x_ref[...].T


_tpose = pl.pallas_call(
    _tpose_body,
    grid=(B_TOTAL // _TB,),
    in_specs=[pl.BlockSpec((OUT_DIM, _TB), lambda i: (0, i))],
    out_specs=pl.BlockSpec((_TB, OUT_DIM), lambda i: (i, 0)),
    out_shape=jax.ShapeDtypeStruct((B_TOTAL, OUT_DIM), jnp.float32),
)


@jax.jit
def kernel(inputs, embeddings):
    xs = lax.slice_in_dim(inputs, 0, 1, axis=1).reshape(-1)
    ys = lax.slice_in_dim(inputs, 1, 2, axis=1).reshape(-1)
    zs = lax.slice_in_dim(inputs, 2, 3, axis=1).reshape(-1)
    tab0 = lax.slice_in_dim(embeddings, 0, 1, axis=1).reshape(-1)
    tab1 = lax.slice_in_dim(embeddings, 1, 2, axis=1).reshape(-1)
    out_t = _sc_call(xs, ys, zs, tab0, tab1)
    return _tpose(out_t)

# --- scband reference (transcript-rebuilt; emitter-appended) ---
"""Pipeline reference for scband-hash-encoder-with-tracking-32272384262741 (READ-ONLY COPY).

The authoritative reference and input builder live on the scoring server;
editing this copy changes nothing except your own understanding.
"""

import jax, jax.numpy as jnp
import numpy as np

INPUT_DIM = 3
NUM_LEVELS = 16
LEVEL_DIM = 2
PER_LEVEL_SCALE = 2.0
BASE_RESOLUTION = 16.0
LOG2_HASHMAP_SIZE = 19
MAX_PARAMS = 2 ** LOG2_HASHMAP_SIZE
PRIMES = [1, 2654435761, 805459861]
B = 262144


def _compute_offsets():
    base = np.array([BASE_RESOLUTION] * INPUT_DIM, dtype=np.float64)
    pls = np.array([PER_LEVEL_SCALE] * INPUT_DIM, dtype=np.float64)
    offsets = []
    offset = 0
    for i in range(NUM_LEVELS):
        resolution = np.ceil(base * pls ** i)
        params_in_level = min(MAX_PARAMS, int(np.prod(resolution)))
        offsets.append(offset)
        offset += int(params_in_level)
    offsets.append(offset)
    return offsets

OFFSETS = _compute_offsets()
N_EMBED = OFFSETS[-1]


def _forward(inputs, embeddings):
    # Faithful translation of hash_encode_forward kernel (torch-ngp style,
    # anisotropic base_resolution/per_level_scale, per_level_scale passed as log2):
    #   scale = exp2(level * log2(pls)) * base_res - 1 ; res = ceil(scale) + 1
    #   pos = x * scale + 0.5 ; trilinear interp over 2^D corners
    #   index: linear if grid fits in level hashmap, else xor-prime fast_hash; mod hashmap_size
    base = np.array([BASE_RESOLUTION] * INPUT_DIM, dtype=np.float64)
    pls = np.array([PER_LEVEL_SCALE] * INPUT_DIM, dtype=np.float64)
    n = inputs.shape[0]
    outs = []
    for l in range(NUM_LEVELS):
        scale = base * (pls ** l) - 1.0
        res = [int(np.ceil(s)) + 1 for s in scale]
        hashmap_size = OFFSETS[l + 1] - OFFSETS[l]
        grid_size = 1
        for r in res:
            grid_size *= r
        use_hash = grid_size > hashmap_size
        pos = inputs * jnp.asarray(scale, dtype=inputs.dtype) + 0.5
        pos_floor = jnp.floor(pos)
        frac = pos - pos_floor
        pos_grid = pos_floor.astype(jnp.uint32)
        level_out = jnp.zeros((n, LEVEL_DIM), dtype=inputs.dtype)
        for corner in range(2 ** INPUT_DIM):
            w = jnp.ones((n,), dtype=inputs.dtype)
            idx = jnp.zeros((n,), dtype=jnp.uint32)
            stride = 1
            for d in range(INPUT_DIM):
                b = (corner >> d) & 1
                cg = pos_grid[:, d] + jnp.uint32(b)
                w = w * (frac[:, d] if b else (1.0 - frac[:, d]))
                if use_hash:
                    idx = idx ^ (cg * jnp.uint32(PRIMES[d]))
                else:
                    idx = idx + cg * jnp.uint32(stride)
                    stride *= res[d]
            idx = jnp.mod(idx, jnp.uint32(hashmap_size)).astype(jnp.int32) + OFFSETS[l]
            level_out = level_out + w[:, None] * jnp.take(embeddings, idx, axis=0)
        outs.append(level_out)
    # outputs (L,B,C) permuted to (B,L,C) then reshaped (B, L*C) == concat along features
    return jnp.concatenate(outs, axis=-1)


def setup_inputs(seed: int = 0):
    key = jax.random.key(seed)
    k1, k2 = jax.random.split(key)
    inputs = jax.random.uniform(k1, (B, INPUT_DIM), dtype=jnp.float32)
    embeddings = jax.random.uniform(k2, (N_EMBED, LEVEL_DIM), dtype=jnp.float32, minval=-0.1, maxval=0.1)
    return {"inputs": inputs, "embeddings": embeddings}


def reference(inputs, embeddings):
    return _forward(inputs, embeddings)

if __name__ == "__main__":
    import jax
    _d = setup_inputs()
    print(jax.jit(kernel)(*tuple(_d.values())))

</pallas_src>

<mosaic_0001>
#map = affine_map<(d0, d1) -> (0)>
#map1 = affine_map<(d0, d1) -> (0, 0)>
module attributes {stable_mosaic.version = 14 : i64} {
  func.func @sc_encode(%arg0: i32, %arg1: i32, %arg2: memref<262144xf32, #tpu.memory_space<hbm>>, %arg3: memref<262144xf32, #tpu.memory_space<hbm>>, %arg4: memref<262144xf32, #tpu.memory_space<hbm>>, %arg5: memref<7114752xf32, #tpu.memory_space<hbm>>, %arg6: memref<7114752xf32, #tpu.memory_space<hbm>>, %arg7: memref<32x262144xf32, #tpu.memory_space<hbm>>, %arg8: memref<512xf32, #tpu.memory_space<vmem>>, %arg9: memref<512xf32, #tpu.memory_space<vmem>>, %arg10: memref<512xf32, #tpu.memory_space<vmem>>, %arg11: memref<4096xi32, #tpu.memory_space<vmem>>, %arg12: memref<4096xf32, #tpu.memory_space<vmem>>, %arg13: memref<4096xf32, #tpu.memory_space<vmem>>, %arg14: memref<4096xf32, #tpu.memory_space<vmem>>, %arg15: memref<2x512xf32, #tpu.memory_space<vmem>>, %arg16: memref<!tpu.dma_semaphore, #tpu.memory_space<semaphore_mem>>) attributes {dimension_semantics = [#tpu.dimension_semantics<core_parallel>, #tpu.dimension_semantics<subcore_parallel>], iteration_bounds = array<i64: 2, 16>, scalar_prefetch = 0 : i64, scratch_operands = 9 : i64, tpu.core_type = #tpu.core_type<sc_vector_subcore>, window_params = [{transform_indices = #map}, {transform_indices = #map}, {transform_indices = #map}, {transform_indices = #map}, {transform_indices = #map}, {transform_indices = #map1}]} {
    %mul3A = arith.constant 2 : i32
    %mul3A_0 = arith.muli %arg1, %mul3A : i32
    %add3A = arith.addi %mul3A_0, %arg0 : i32
    %mul3A_1 = arith.constant 8192 : i32
    %mul3A_2 = arith.muli %add3A, %mul3A_1 : i32
    %scan3A = arith.constant 0 : i32
    %scan3A_3 = arith.constant 0 : i32
    %scan3A_4 = arith.constant 16 : i32
    %scan3A_5 = arith.addi %scan3A_3, %scan3A_4 : i32
    %scan3A_6 = arith.constant 1 : i32
    scf.for %scan3A_8 = %scan3A_3 to %scan3A_5 step %scan3A_6  : i32 {
      %mul3A_9 = arith.constant 512 : i32
      %mul3A_10 = arith.muli %scan3A_8, %mul3A_9 : i32
      %add3A_11 = arith.addi %mul3A_2, %mul3A_10 : i32
      "tpu.region"() ({
        %run_scoped3A = tpu.sem_alloc : memref<!tpu.dma_semaphore, #tpu.memory_space<semaphore_mem>>
        %dma_start3A_76 = tpu.memref_slice %arg2[%add3A_11] : memref<262144xf32, #tpu.memory_space<hbm>> -> memref<512xf32, #tpu.memory_space<hbm>>
        %dma_start3A_77 = tpu.memref_slice %arg2[%add3A_11] : memref<262144xf32, #tpu.memory_space<hbm>> -> memref<512xf32, #tpu.memory_space<hbm>>
        tpu.enqueue_dma source(%dma_start3A_77 : memref<512xf32, #tpu.memory_space<hbm>>) target(%arg8 : memref<512xf32, #tpu.memory_space<vmem>>) target_semaphore(%run_scoped3A : memref<!tpu.dma_semaphore, #tpu.memory_space<semaphore_mem>>)
        %dma_wait3A_78 = tpu.memref_slice %arg2[%add3A_11] : memref<262144xf32, #tpu.memory_space<hbm>> -> memref<512xf32, #tpu.memory_space<hbm>>
        %dma_wait3A_79 = tpu.memref_slice %arg2[%add3A_11] : memref<262144xf32, #tpu.memory_space<hbm>> -> memref<512xf32, #tpu.memory_space<hbm>>
        tpu.wait_dma2 semaphore(%run_scoped3A : memref<!tpu.dma_semaphore, #tpu.memory_space<semaphore_mem>>) src(%dma_wait3A_79 : memref<512xf32, #tpu.memory_space<hbm>>) dst(%arg8 : memref<512xf32, #tpu.memory_space<vmem>>)
        tpu.yield
      }) : () -> ()
      "tpu.region"() ({
        %run_scoped3A = tpu.sem_alloc : memref<!tpu.dma_semaphore, #tpu.memory_space<semaphore_mem>>
        %dma_start3A_76 = tpu.memref_slice %arg3[%add3A_11] : memref<262144xf32, #tpu.memory_space<hbm>> -> memref<512xf32, #tpu.memory_space<hbm>>
        %dma_start3A_77 = tpu.memref_slice %arg3[%add3A_11] : memref<262144xf32, #tpu.memory_space<hbm>> -> memref<512xf32, #tpu.memory_space<hbm>>
        tpu.enqueue_dma source(%dma_start3A_77 : memref<512xf32, #tpu.memory_space<hbm>>) target(%arg9 : memref<512xf32, #tpu.memory_space<vmem>>) target_semaphore(%run_scoped3A : memref<!tpu.dma_semaphore, #tpu.memory_space<semaphore_mem>>)
        %dma_wait3A_78 = tpu.memref_slice %arg3[%add3A_11] : memref<262144xf32, #tpu.memory_space<hbm>> -> memref<512xf32, #tpu.memory_space<hbm>>
        %dma_wait3A_79 = tpu.memref_slice %arg3[%add3A_11] : memref<262144xf32, #tpu.memory_space<hbm>> -> memref<512xf32, #tpu.memory_space<hbm>>
        tpu.wait_dma2 semaphore(%run_scoped3A : memref<!tpu.dma_semaphore, #tpu.memory_space<semaphore_mem>>) src(%dma_wait3A_79 : memref<512xf32, #tpu.memory_space<hbm>>) dst(%arg9 : memref<512xf32, #tpu.memory_space<vmem>>)
        tpu.yield
      }) : () -> ()
      "tpu.region"() ({
        %run_scoped3A = tpu.sem_alloc : memref<!tpu.dma_semaphore, #tpu.memory_space<semaphore_mem>>
        %dma_start3A_76 = tpu.memref_slice %arg4[%add3A_11] : memref<262144xf32, #tpu.memory_space<hbm>> -> memref<512xf32, #tpu.memory_space<hbm>>
        %dma_start3A_77 = tpu.memref_slice %arg4[%add3A_11] : memref<262144xf32, #tpu.memory_space<hbm>> -> memref<512xf32, #tpu.memory_space<hbm>>
        tpu.enqueue_dma source(%dma_start3A_77 : memref<512xf32, #tpu.memory_space<hbm>>) target(%arg10 : memref<512xf32, #tpu.memory_space<vmem>>) target_semaphore(%run_scoped3A : memref<!tpu.dma_semaphore, #tpu.memory_space<semaphore_mem>>)
        %dma_wait3A_78 = tpu.memref_slice %arg4[%add3A_11] : memref<262144xf32, #tpu.memory_space<hbm>> -> memref<512xf32, #tpu.memory_space<hbm>>
        %dma_wait3A_79 = tpu.memref_slice %arg4[%add3A_11] : memref<262144xf32, #tpu.memory_space<hbm>> -> memref<512xf32, #tpu.memory_space<hbm>>
        tpu.wait_dma2 semaphore(%run_scoped3A : memref<!tpu.dma_semaphore, #tpu.memory_space<semaphore_mem>>) src(%dma_wait3A_79 : memref<512xf32, #tpu.memory_space<hbm>>) dst(%arg10 : memref<512xf32, #tpu.memory_space<vmem>>)
        tpu.yield
      }) : () -> ()
      %scan3A_12 = arith.constant 0 : i32
      %scan3A_13 = arith.constant 0 : i32
      %scan3A_14 = arith.constant 32 : i32
      %scan3A_15 = arith.addi %scan3A_13, %scan3A_14 : i32
      %scan3A_16 = arith.constant 1 : i32
      scf.for %scan3A_76 = %scan3A_13 to %scan3A_15 step %scan3A_16  : i32 {
        %mul3A_77 = arith.constant 16 : i32
        %mul3A_78 = arith.muli %scan3A_76, %mul3A_77 : i32
        %get3A = arith.index_cast %mul3A_78 : i32 to index
        %get3A_79 = tpu.vector_load %arg8[%get3A] {strides = array<i32>} : memref<512xf32, #tpu.memory_space<vmem>>, vector<16xf32>,
        %get3A_80 = vector.shape_cast %get3A_79 : vector<16xf32> to vector<16xf32>
        %get3A_81 = arith.index_cast %mul3A_78 : i32 to index
        %get3A_82 = tpu.vector_load %arg9[%get3A_81] {strides = array<i32>} : memref<512xf32, #tpu.memory_space<vmem>>, vector<16xf32>,
        %get3A_83 = vector.shape_cast %get3A_82 : vector<16xf32> to vector<16xf32>
        %get3A_84 = arith.index_cast %mul3A_78 : i32 to index
        %get3A_85 = tpu.vector_load %arg10[%get3A_84] {strides = array<i32>} : memref<512xf32, #tpu.memory_space<vmem>>, vector<16xf32>,
        %get3A_86 = vector.shape_cast %get3A_85 : vector<16xf32> to vector<16xf32>
        %mul3A_87 = arith.constant 1.500000e+01 : f32
        %mul3A_88 = vector.broadcast %mul3A_87 : f32 to vector<16xf32>
        %mul3A_89 = arith.mulf %get3A_80, %mul3A_88 : vector<16xf32>
        %add3A_90 = arith.constant 5.000000e-01 : f32
        %add3A_91 = vector.broadcast %add3A_90 : f32 to vector<16xf32>
        %add3A_92 = arith.addf %mul3A_89, %add3A_91 : vector<16xf32>
        %mul3A_93 = arith.constant 1.500000e+01 : f32
        %mul3A_94 = vector.broadcast %mul3A_93 : f32 to vector<16xf32>
        %mul3A_95 = arith.mulf %get3A_83, %mul3A_94 : vector<16xf32>
        %add3A_96 = arith.constant 5.000000e-01 : f32
        %add3A_97 = vector.broadcast %add3A_96 : f32 to vector<16xf32>
        %add3A_98 = arith.addf %mul3A_95, %add3A_97 : vector<16xf32>
        %mul3A_99 = arith.constant 1.500000e+01 : f32
        %mul3A_100 = vector.broadcast %mul3A_99 : f32 to vector<16xf32>
        %mul3A_101 = arith.mulf %get3A_86, %mul3A_100 : vector<16xf32>
        %add3A_102 = arith.constant 5.000000e-01 : f32
        %add3A_103 = vector.broadcast %add3A_102 : f32 to vector<16xf32>
        %add3A_104 = arith.addf %mul3A_101, %add3A_103 : vector<16xf32>
        %convert_element_type3A = arith.fptosi %add3A_92 : vector<16xf32> to vector<16xi32>
        %convert_element_type3A_105 = arith.fptosi %add3A_98 : vector<16xf32> to vector<16xi32>
        %convert_element_type3A_106 = arith.fptosi %add3A_104 : vector<16xf32> to vector<16xi32>
        %convert_element_type3A_107 = arith.sitofp %convert_element_type3A : vector<16xi32> to vector<16xf32>
        %sub3A = arith.subf %add3A_92, %convert_element_type3A_107 : vector<16xf32>
        %convert_element_type3A_108 = arith.sitofp %convert_element_type3A_105 : vector<16xi32> to vector<16xf32>
        %sub3A_109 = arith.subf %add3A_98, %convert_element_type3A_108 : vector<16xf32>
        %convert_element_type3A_110 = arith.sitofp %convert_element_type3A_106 : vector<16xi32> to vector<16xf32>
        %sub3A_111 = arith.subf %add3A_104, %convert_element_type3A_110 : vector<16xf32>
        %add3A_112 = arith.constant 1 : i32
        %add3A_113 = vector.broadcast %add3A_112 : i32 to vector<16xi32>
        %add3A_114 = arith.addi %convert_element_type3A, %add3A_113 : vector<16xi32>
        %mul3A_115 = arith.constant 16 : i32
        %mul3A_116 = vector.broadcast %mul3A_115 : i32 to vector<16xi32>
        %mul3A_117 = arith.muli %convert_element_type3A_105, %mul3A_116 : vector<16xi32>
        %add3A_118 = arith.constant 16 : i32
        %add3A_119 = vector.broadcast %add3A_118 : i32 to vector<16xi32>
        %add3A_120 = arith.addi %mul3A_117, %add3A_119 : vector<16xi32>
        %mul3A_121 = arith.constant 256 : i32
        %mul3A_122 = vector.broadcast %mul3A_121 : i32 to vector<16xi32>
        %mul3A_123 = arith.muli %convert_element_type3A_106, %mul3A_122 : vector<16xi32>
        %add3A_124 = arith.constant 256 : i32
        %add3A_125 = vector.broadcast %add3A_124 : i32 to vector<16xi32>
        %add3A_126 = arith.addi %mul3A_123, %add3A_125 : vector<16xi32>
        %sub3A_127 = arith.constant 1.000000e+00 : f32
        %sub3A_128 = vector.broadcast %sub3A_127 : f32 to vector<16xf32>
        %sub3A_129 = arith.subf %sub3A_128, %sub3A : vector<16xf32>
        %sub3A_130 = arith.constant 1.000000e+00 : f32
        %sub3A_131 = vector.broadcast %sub3A_130 : f32 to vector<16xf32>
        %sub3A_132 = arith.subf %sub3A_131, %sub3A_109 : vector<16xf32>
        %sub3A_133 = arith.constant 1.000000e+00 : f32
        %sub3A_134 = vector.broadcast %sub3A_133 : f32 to vector<16xf32>
        %sub3A_135 = arith.subf %sub3A_134, %sub3A_111 : vector<16xf32>
        %add3A_136 = arith.addi %convert_element_type3A, %mul3A_117 : vector<16xi32>
        %add3A_137 = arith.addi %add3A_136, %mul3A_123 : vector<16xi32>
        %and3A = arith.constant 4095 : i32
        %and3A_138 = vector.broadcast %and3A : i32 to vector<16xi32>
        %and3A_139 = arith.andi %add3A_137, %and3A_138 : vector<16xi32>
        %add3A_140 = arith.constant 0 : i32
        %add3A_141 = vector.broadcast %add3A_140 : i32 to vector<16xi32>
        %add3A_142 = arith.addi %and3A_139, %add3A_141 : vector<16xi32>
        %mul3A_143 = arith.mulf %sub3A_129, %sub3A_132 : vector<16xf32>
        %mul3A_144 = arith.mulf %mul3A_143, %sub3A_135 : vector<16xf32>
        %add3A_145 = arith.constant 0 : i32
        %add3A_146 = arith.addi %add3A_145, %mul3A_78 : i32
        %swap3A = arith.index_cast %add3A_146 : i32 to index
        %swap3A_147 = tpu.vector_load %arg11[%swap3A] {strides = array<i32>} : memref<4096xi32, #tpu.memory_space<vmem>>, vector<16xi32>,
        %swap3A_148 = vector.shape_cast %swap3A_147 : vector<16xi32> to vector<16xi32>
        %swap3A_149 = vector.shape_cast %add3A_142 : vector<16xi32> to vector<16xi32>
        tpu.vector_store %arg11[%swap3A], %swap3A_149 {strides = array<i32>} : memref<4096xi32, #tpu.memory_space<vmem>>, vector<16xi32>,
        %add3A_150 = arith.constant 0 : i32
        %add3A_151 = arith.addi %add3A_150, %mul3A_78 : i32
        %swap3A_152 = arith.index_cast %add3A_151 : i32 to index
        %swap3A_153 = tpu.vector_load %arg12[%swap3A_152] {strides = array<i32>} : memref<4096xf32, #tpu.memory_space<vmem>>, vector<16xf32>,
        %swap3A_154 = vector.shape_cast %swap3A_153 : vector<16xf32> to vector<16xf32>
        %swap3A_155 = vector.shape_cast %mul3A_144 : vector<16xf32> to vector<16xf32>
        tpu.vector_store %arg12[%swap3A_152], %swap3A_155 {strides = array<i32>} : memref<4096xf32, #tpu.memory_space<vmem>>, vector<16xf32>,
        %add3A_156 = arith.addi %add3A_114, %mul3A_117 : vector<16xi32>
        %add3A_157 = arith.addi %add3A_156, %mul3A_123 : vector<16xi32>
        %and3A_158 = arith.constant 4095 : i32
        %and3A_159 = vector.broadcast %and3A_158 : i32 to vector<16xi32>
        %and3A_160 = arith.andi %add3A_157, %and3A_159 : vector<16xi32>
        %add3A_161 = arith.constant 0 : i32
        %add3A_162 = vector.broadcast %add3A_161 : i32 to vector<16xi32>
        %add3A_163 = arith.addi %and3A_160, %add3A_162 : vector<16xi32>
        %mul3A_164 = arith.mulf %sub3A, %sub3A_132 : vector<16xf32>
        %mul3A_165 = arith.mulf %mul3A_164, %sub3A_135 : vector<16xf32>
        %add3A_166 = arith.constant 512 : i32
        %add3A_167 = arith.addi %add3A_166, %mul3A_78 : i32
        %swap3A_168 = arith.index_cast %add3A_167 : i32 to index
        %swap3A_169 = tpu.vector_load %arg11[%swap3A_168] {strides = array<i32>} : memref<4096xi32, #tpu.memory_space<vmem>>, vector<16xi32>,
        %swap3A_170 = vector.shape_cast %swap3A_169 : vector<16xi32> to vector<16xi32>
        %swap3A_171 = vector.shape_cast %add3A_163 : vector<16xi32> to vector<16xi32>
        tpu.vector_store %arg11[%swap3A_168], %swap3A_171 {strides = array<i32>} : memref<4096xi32, #tpu.memory_space<vmem>>, vector<16xi32>,
        %add3A_172 = arith.constant 512 : i32
        %add3A_173 = arith.addi %add3A_172, %mul3A_78 : i32
        %swap3A_174 = arith.index_cast %add3A_173 : i32 to index
        %swap3A_175 = tpu.vector_load %arg12[%swap3A_174] {strides = array<i32>} : memref<4096xf32, #tpu.memory_space<vmem>>, vector<16xf32>,
        %swap3A_176 = vector.shape_cast %swap3A_175 : vector<16xf32> to vector<16xf32>
        %swap3A_177 = vector.shape_cast %mul3A_165 : vector<16xf32> to vector<16xf32>
        tpu.vector_store %arg12[%swap3A_174], %swap3A_177 {strides = array<i32>} : memref<4096xf32, #tpu.memory_space<vmem>>, vector<16xf32>,
        %add3A_178 = arith.addi %convert_element_type3A, %add3A_120 : vector<16xi32>
        %add3A_179 = arith.addi %add3A_178, %mul3A_123 : vector<16xi32>
        %and3A_180 = arith.constant 4095 : i32
        %and3A_181 = vector.broadcast %and3A_180 : i32 to vector<16xi32>
        %and3A_182 = arith.andi %add3A_179, %and3A_181 : vector<16xi32>
        %add3A_183 = arith.constant 0 : i32
        %add3A_184 = vector.broadcast %add3A_183 : i32 to vector<16xi32>
        %add3A_185 = arith.addi %and3A_182, %add3A_184 : vector<16xi32>
        %mul3A_186 = arith.mulf %sub3A_129, %sub3A_109 : vector<16xf32>
        %mul3A_187 = arith.mulf %mul3A_186, %sub3A_135 : vector<16xf32>
        %add3A_188 = arith.constant 1024 : i32
        %add3A_189 = arith.addi %add3A_188, %mul3A_78 : i32
        %swap3A_190 = arith.index_cast %add3A_189 : i32 to index
        %swap3A_191 = tpu.vector_load %arg11[%swap3A_190] {strides = array<i32>} : memref<4096xi32, #tpu.memory_space<vmem>>, vector<16xi32>,
        %swap3A_192 = vector.shape_cast %swap3A_191 : vector<16xi32> to vector<16xi32>
        %swap3A_193 = vector.shape_cast %add3A_185 : vector<16xi32> to vector<16xi32>
        tpu.vector_store %arg11[%swap3A_190], %swap3A_193 {strides = array<i32>} : memref<4096xi32, #tpu.memory_space<vmem>>, vector<16xi32>,
        %add3A_194 = arith.constant 1024 : i32
        %add3A_195 = arith.addi %add3A_194, %mul3A_78 : i32
        %swap3A_196 = arith.index_cast %add3A_195 : i32 to index
        %swap3A_197 = tpu.vector_load %arg12[%swap3A_196] {strides = array<i32>} : memref<4096xf32, #tpu.memory_space<vmem>>, vector<16xf32>,
        %swap3A_198 = vector.shape_cast %swap3A_197 : vector<16xf32> to vector<16xf32>
        %swap3A_199 = vector.shape_cast %mul3A_187 : vector<16xf32> to vector<16xf32>
        tpu.vector_store %arg12[%swap3A_196], %swap3A_199 {strides = array<i32>} : memref<4096xf32, #tpu.memory_space<vmem>>, vector<16xf32>,
        %add3A_200 = arith.addi %add3A_114, %add3A_120 : vector<16xi32>
        %add3A_201 = arith.addi %add3A_200, %mul3A_123 : vector<16xi32>
        %and3A_202 = arith.constant 4095 : i32
        %and3A_203 = vector.broadcast %and3A_202 : i32 to vector<16xi32>
        %and3A_204 = arith.andi %add3A_201, %and3A_203 : vector<16xi32>
        %add3A_205 = arith.constant 0 : i32
        %add3A_206 = vector.broadcast %add3A_205 : i32 to vector<16xi32>
        %add3A_207 = arith.addi %and3A_204, %add3A_206 : vector<16xi32>
        %mul3A_208 = arith.mulf %sub3A, %sub3A_109 : vector<16xf32>
        %mul3A_209 = arith.mulf %mul3A_208, %sub3A_135 : vector<16xf32>
        %add3A_210 = arith.constant 1536 : i32
        %add3A_211 = arith.addi %add3A_210, %mul3A_78 : i32
        %swap3A_212 = arith.index_cast %add3A_211 : i32 to index
        %swap3A_213 = tpu.vector_load %arg11[%swap3A_212] {strides = array<i32>} : memref<4096xi32, #tpu.memory_space<vmem>>, vector<16xi32>,
        %swap3A_214 = vector.shape_cast %swap3A_213 : vector<16xi32> to vector<16xi32>
        %swap3A_215 = vector.shape_cast %add3A_207 : vector<16xi32> to vector<16xi32>
        tpu.vector_store %arg11[%swap3A_212], %swap3A_215 {strides = array<i32>} : memref<4096xi32, #tpu.memory_space<vmem>>, vector<16xi32>,
        %add3A_216 = arith.constant 1536 : i32
        %add3A_217 = arith.addi %add3A_216, %mul3A_78 : i32
        %swap3A_218 = arith.index_cast %add3A_217 : i32 to index
        %swap3A_219 = tpu.vector_load %arg12[%swap3A_218] {strides = array<i32>} : memref<4096xf32, #tpu.memory_space<vmem>>, vector<16xf32>,
        %swap3A_220 = vector.shape_cast %swap3A_219 : vector<16xf32> to vector<16xf32>
        %swap3A_221 = vector.shape_cast %mul3A_209 : vector<16xf32> to vector<16xf32>
        tpu.vector_store %arg12[%swap3A_218], %swap3A_221 {strides = array<i32>} : memref<4096xf32, #tpu.memory_space<vmem>>, vector<16xf32>,
        %add3A_222 = arith.addi %convert_element_type3A, %mul3A_117 : vector<16xi32>
        %add3A_223 = arith.addi %add3A_222, %add3A_126 : vector<16xi32>
        %and3A_224 = arith.constant 4095 : i32
        %and3A_225 = vector.broadcast %and3A_224 : i32 to vector<16xi32>
        %and3A_226 = arith.andi %add3A_223, %and3A_225 : vector<16xi32>
        %add3A_227 = arith.constant 0 : i32
        %add3A_228 = vector.broadcast %add3A_227 : i32 to vector<16xi32>
        %add3A_229 = arith.addi %and3A_226, %add3A_228 : vector<16xi32>
        %mul3A_230 = arith.mulf %sub3A_129, %sub3A_132 : vector<16xf32>
        %mul3A_231 = arith.mulf %mul3A_230, %sub3A_111 : vector<16xf32>
        %add3A_232 = arith.constant 2048 : i32
        %add3A_233 = arith.addi %add3A_232, %mul3A_78 : i32
        %swap3A_234 = arith.index_cast %add3A_233 : i32 to index
        %swap3A_235 = tpu.vector_load %arg11[%swap3A_234] {strides = array<i32>} : memref<4096xi32, #tpu.memory_space<vmem>>, vector<16xi32>,
        %swap3A_236 = vector.shape_cast %swap3A_235 : vector<16xi32> to vector<16xi32>
        %swap3A_237 = vector.shape_cast %add3A_229 : vector<16xi32> to vector<16xi32>
        tpu.vector_store %arg11[%swap3A_234], %swap3A_237 {strides = array<i32>} : memref<4096xi32, #tpu.memory_space<vmem>>, vector<16xi32>,
        %add3A_238 = arith.constant 2048 : i32
        %add3A_239 = arith.addi %add3A_238, %mul3A_78 : i32
        %swap3A_240 = arith.index_cast %add3A_239 : i32 to index
        %swap3A_241 = tpu.vector_load %arg12[%swap3A_240] {strides = array<i32>} : memref<4096xf32, #tpu.memory_space<vmem>>, vector<16xf32>,
        %swap3A_242 = vector.shape_cast %swap3A_241 : vector<16xf32> to vector<16xf32>
        %swap3A_243 = vector.shape_cast %mul3A_231 : vector<16xf32> to vector<16xf32>
        tpu.vector_store %arg12[%swap3A_240], %swap3A_243 {strides = array<i32>} : memref<4096xf32, #tpu.memory_space<vmem>>, vector<16xf32>,
        %add3A_244 = arith.addi %add3A_114, %mul3A_117 : vector<16xi32>
        %add3A_245 = arith.addi %add3A_244, %add3A_126 : vector<16xi32>
        %and3A_246 = arith.constant 4095 : i32
        %and3A_247 = vector.broadcast %and3A_246 : i32 to vector<16xi32>
        %and3A_248 = arith.andi %add3A_245, %and3A_247 : vector<16xi32>
        %add3A_249 = arith.constant 0 : i32
        %add3A_250 = vector.broadcast %add3A_249 : i32 to vector<16xi32>
        %add3A_251 = arith.addi %and3A_248, %add3A_250 : vector<16xi32>
        %mul3A_252 = arith.mulf %sub3A, %sub3A_132 : vector<16xf32>
        %mul3A_253 = arith.mulf %mul3A_252, %sub3A_111 : vector<16xf32>
        %add3A_254 = arith.constant 2560 : i32
        %add3A_255 = arith.addi %add3A_254, %mul3A_78 : i32
        %swap3A_256 = arith.index_cast %add3A_255 : i32 to index
        %swap3A_257 = tpu.vector_load %arg11[%swap3A_256] {strides = array<i32>} : memref<4096xi32, #tpu.memory_space<vmem>>, vector<16xi32>,
        %swap3A_258 = vector.shape_cast %swap3A_257 : vector<16xi32> to vector<16xi32>
        %swap3A_259 = vector.shape_cast %add3A_251 : vector<16xi32> to vector<16xi32>
        tpu.vector_store %arg11[%swap3A_256], %swap3A_259 {strides = array<i32>} : memref<4096xi32, #tpu.memory_space<vmem>>, vector<16xi32>,
        %add3A_260 = arith.constant 2560 : i32
        %add3A_261 = arith.addi %add3A_260, %mul3A_78 : i32
        %swap3A_262 = arith.index_cast %add3A_261 : i32 to index
        %swap3A_263 = tpu.vector_load %arg12[%swap3A_262] {strides = array<i32>} : memref<4096xf32, #tpu.memory_space<vmem>>, vector<16xf32>,
        %swap3A_264 = vector.shape_cast %swap3A_263 : vector<16xf32> to vector<16xf32>
        %swap3A_265 = vector.shape_cast %mul3A_253 : vector<16xf32> to vector<16xf32>
        tpu.vector_store %arg12[%swap3A_262], %swap3A_265 {strides = array<i32>} : memref<4096xf32, #tpu.memory_space<vmem>>, vector<16xf32>,
        %add3A_266 = arith.addi %convert_element_type3A, %add3A_120 : vector<16xi32>
        %add3A_267 = arith.addi %add3A_266, %add3A_126 : vector<16xi32>
        %and3A_268 = arith.constant 4095 : i32
        %and3A_269 = vector.broadcast %and3A_268 : i32 to vector<16xi32>
        %and3A_270 = arith.andi %add3A_267, %and3A_269 : vector<16xi32>
        %add3A_271 = arith.constant 0 : i32
        %add3A_272 = vector.broadcast %add3A_271 : i32 to vector<16xi32>
        %add3A_273 = arith.addi %and3A_270, %add3A_272 : vector<16xi32>
        %mul3A_274 = arith.mulf %sub3A_129, %sub3A_109 : vector<16xf32>
        %mul3A_275 = arith.mulf %mul3A_274, %sub3A_111 : vector<16xf32>
        %add3A_276 = arith.constant 3072 : i32
        %add3A_277 = arith.addi %add3A_276, %mul3A_78 : i32
        %swap3A_278 = arith.index_cast %add3A_277 : i32 to index
        %swap3A_279 = tpu.vector_load %arg11[%swap3A_278] {strides = array<i32>} : memref<4096xi32, #tpu.memory_space<vmem>>, vector<16xi32>,
        %swap3A_280 = vector.shape_cast %swap3A_279 : vector<16xi32> to vector<16xi32>
        %swap3A_281 = vector.shape_cast %add3A_273 : vector<16xi32> to vector<16xi32>
        tpu.vector_store %arg11[%swap3A_278], %swap3A_281 {strides = array<i32>} : memref<4096xi32, #tpu.memory_space<vmem>>, vector<16xi32>,
        %add3A_282 = arith.constant 3072 : i32
        %add3A_283 = arith.addi %add3A_282, %mul3A_78 : i32
        %swap3A_284 = arith.index_cast %add3A_283 : i32 to index
        %swap3A_285 = tpu.vector_load %arg12[%swap3A_284] {strides = array<i32>} : memref<4096xf32, #tpu.memory_space<vmem>>, vector<16xf32>,
        %swap3A_286 = vector.shape_cast %swap3A_285 : vector<16xf32> to vector<16xf32>
        %swap3A_287 = vector.shape_cast %mul3A_275 : vector<16xf32> to vector<16xf32>
        tpu.vector_store %arg12[%swap3A_284], %swap3A_287 {strides = array<i32>} : memref<4096xf32, #tpu.memory_space<vmem>>, vector<16xf32>,
        %add3A_288 = arith.addi %add3A_114, %add3A_120 : vector<16xi32>
        %add3A_289 = arith.addi %add3A_288, %add3A_126 : vector<16xi32>
        %and3A_290 = arith.constant 4095 : i32
        %and3A_291 = vector.broadcast %and3A_290 : i32 to vector<16xi32>
        %and3A_292 = arith.andi %add3A_289, %and3A_291 : vector<16xi32>
        %add3A_293 = arith.constant 0 : i32
        %add3A_294 = vector.broadcast %add3A_293 : i32 to vector<16xi32>
        %add3A_295 = arith.addi %and3A_292, %add3A_294 : vector<16xi32>
        %mul3A_296 = arith.mulf %sub3A, %sub3A_109 : vector<16xf32>
        %mul3A_297 = arith.mulf %mul3A_296, %sub3A_111 : vector<16xf32>
        %add3A_298 = arith.constant 3584 : i32
        %add3A_299 = arith.addi %add3A_298, %mul3A_78 : i32
        %swap3A_300 = arith.index_cast %add3A_299 : i32 to index
        %swap3A_301 = tpu.vector_load %arg11[%swap3A_300] {strides = array<i32>} : memref<4096xi32, #tpu.memory_space<vmem>>, vector<16xi32>,
        %swap3A_302 = vector.shape_cast %swap3A_301 : vector<16xi32> to vector<16xi32>
        %swap3A_303 = vector.shape_cast %add3A_295 : vector<16xi32> to vector<16xi32>
        tpu.vector_store %arg11[%swap3A_300], %swap3A_303 {strides = array<i32>} : memref<4096xi32, #tpu.memory_space<vmem>>, vector<16xi32>,
        %add3A_304 = arith.constant 3584 : i32
        %add3A_305 = arith.addi %add3A_304, %mul3A_78 : i32
        %swap3A_306 = arith.index_cast %add3A_305 : i32 to index
        %swap3A_307 = tpu.vector_load %arg12[%swap3A_306] {strides = array<i32>} : memref<4096xf32, #tpu.memory_space<vmem>>, vector<16xf32>,
        %swap3A_308 = vector.shape_cast %swap3A_307 : vector<16xf32> to vector<16xf32>
        %swap3A_309 = vector.shape_cast %mul3A_297 : vector<16xf32> to vector<16xf32>
        tpu.vector_store %arg12[%swap3A_306], %swap3A_309 {strides = array<i32>} : memref<4096xf32, #tpu.memory_space<vmem>>, vector<16xf32>,
      }
      %scan3A_17 = arith.constant 32 : i32
      %dma_start3A = arith.constant 0 : i32
      %dma_start3A_18 = tpu.memref_slice %arg5[%dma_start3A] : memref<7114752xf32, #tpu.memory_space<hbm>> -> memref<7114752xf32, #tpu.memory_space<hbm>>
      tpu.enqueue_indirect_dma source(%dma_start3A_18 : memref<7114752xf32, #tpu.memory_space<hbm>>) target(%arg13 : memref<4096xf32, #tpu.memory_space<vmem>>) offsets(%arg11 : memref<4096xi32, #tpu.memory_space<vmem>>) semaphore(%arg16 : memref<!tpu.dma_semaphore, #tpu.memory_space<semaphore_mem>>)
      %dma_start3A_19 = arith.constant 0 : i32
      %dma_start3A_20 = tpu.memref_slice %arg6[%dma_start3A_19] : memref<7114752xf32, #tpu.memory_space<hbm>> -> memref<7114752xf32, #tpu.memory_space<hbm>>
      tpu.enqueue_indirect_dma source(%dma_start3A_20 : memref<7114752xf32, #tpu.memory_space<hbm>>) target(%arg14 : memref<4096xf32, #tpu.memory_space<vmem>>) offsets(%arg11 : memref<4096xi32, #tpu.memory_space<vmem>>) semaphore(%arg16 : memref<!tpu.dma_semaphore, #tpu.memory_space<semaphore_mem>>)
      %dma_wait3A = arith.constant 0 : i32
      %dma_wait3A_21 = tpu.memref_slice %arg5[%dma_wait3A] : memref<7114752xf32, #tpu.memory_space<hbm>> -> memref<7114752xf32, #tpu.memory_space<hbm>>
      tpu.wait_indirect_dma semaphore(%arg16 : memref<!tpu.dma_semaphore, #tpu.memory_space<semaphore_mem>>) src(%dma_wait3A_21 : memref<7114752xf32, #tpu.memory_space<hbm>>) dst(%arg13 : memref<4096xf32, #tpu.memory_space<vmem>>)
      %dma_wait3A_22 = arith.constant 0 : i32
      %dma_wait3A_23 = tpu.memref_slice %arg6[%dma_wait3A_22] : memref<7114752xf32, #tpu.memory_space<hbm>> -> memref<7114752xf32, #tpu.memory_space<hbm>>
      tpu.wait_indirect_dma semaphore(%arg16 : memref<!tpu.dma_semaphore, #tpu.memory_space<semaphore_mem>>) src(%dma_wait3A_23 : memref<7114752xf32, #tpu.memory_space<hbm>>) dst(%arg14 : memref<4096xf32, #tpu.memory_space<vmem>>)
      %scan3A_24 = arith.constant 0 : i32
      %scan3A_25 = arith.constant 0 : i32
      %scan3A_26 = arith.constant 32 : i32
      %scan3A_27 = arith.addi %scan3A_25, %scan3A_26 : i32
      %scan3A_28 = arith.constant 1 : i32
      scf.for %scan3A_76 = %scan3A_25 to %scan3A_27 step %scan3A_28  : i32 {
        %mul3A_77 = arith.constant 16 : i32
        %mul3A_78 = arith.muli %scan3A_76, %mul3A_77 : i32
        %broadcast_in_dim3A = arith.constant 0.000000e+00 : f32
        %broadcast_in_dim3A_79 = vector.broadcast %broadcast_in_dim3A : f32 to vector<16xf32>
        %broadcast_in_dim3A_80 = arith.constant 0.000000e+00 : f32
        %broadcast_in_dim3A_81 = vector.broadcast %broadcast_in_dim3A_80 : f32 to vector<16xf32>
        %add3A_82 = arith.constant 0 : i32
        %add3A_83 = arith.addi %add3A_82, %mul3A_78 : i32
        %get3A = arith.index_cast %add3A_83 : i32 to index
        %get3A_84 = tpu.vector_load %arg12[%get3A] {strides = array<i32>} : memref<4096xf32, #tpu.memory_space<vmem>>, vector<16xf32>,
        %get3A_85 = vector.shape_cast %get3A_84 : vector<16xf32> to vector<16xf32>
        %add3A_86 = arith.constant 0 : i32
        %add3A_87 = arith.addi %add3A_86, %mul3A_78 : i32
        %get3A_88 = arith.index_cast %add3A_87 : i32 to index
        %get3A_89 = tpu.vector_load %arg13[%get3A_88] {strides = array<i32>} : memref<4096xf32, #tpu.memory_space<vmem>>, vector<16xf32>,
        %get3A_90 = vector.shape_cast %get3A_89 : vector<16xf32> to vector<16xf32>
        %add3A_91 = arith.constant 0 : i32
        %add3A_92 = arith.addi %add3A_91, %mul3A_78 : i32
        %get3A_93 = arith.index_cast %add3A_92 : i32 to index
        %get3A_94 = tpu.vector_load %arg14[%get3A_93] {strides = array<i32>} : memref<4096xf32, #tpu.memory_space<vmem>>, vector<16xf32>,
        %get3A_95 = vector.shape_cast %get3A_94 : vector<16xf32> to vector<16xf32>
        %mul3A_96 = arith.mulf %get3A_85, %get3A_90 : vector<16xf32>
        %add3A_97 = arith.addf %broadcast_in_dim3A_79, %mul3A_96 : vector<16xf32>
        %mul3A_98 = arith.mulf %get3A_85, %get3A_95 : vector<16xf32>
        %add3A_99 = arith.addf %broadcast_in_dim3A_81, %mul3A_98 : vector<16xf32>
        %add3A_100 = arith.constant 512 : i32
        %add3A_101 = arith.addi %add3A_100, %mul3A_78 : i32
        %get3A_102 = arith.index_cast %add3A_101 : i32 to index
        %get3A_103 = tpu.vector_load %arg12[%get3A_102] {strides = array<i32>} : memref<4096xf32, #tpu.memory_space<vmem>>, vector<16xf32>,
        %get3A_104 = vector.shape_cast %get3A_103 : vector<16xf32> to vector<16xf32>
        %add3A_105 = arith.constant 512 : i32
        %add3A_106 = arith.addi %add3A_105, %mul3A_78 : i32
        %get3A_107 = arith.index_cast %add3A_106 : i32 to index
        %get3A_108 = tpu.vector_load %arg13[%get3A_107] {strides = array<i32>} : memref<4096xf32, #tpu.memory_space<vmem>>, vector<16xf32>,
        %get3A_109 = vector.shape_cast %get3A_108 : vector<16xf32> to vector<16xf32>
        %add3A_110 = arith.constant 512 : i32
        %add3A_111 = arith.addi %add3A_110, %mul3A_78 : i32
        %get3A_112 = arith.index_cast %add3A_111 : i32 to index
        %get3A_113 = tpu.vector_load %arg14[%get3A_112] {strides = array<i32>} : memref<4096xf32, #tpu.memory_space<vmem>>, vector<16xf32>,
        %get3A_114 = vector.shape_cast %get3A_113 : vector<16xf32> to vector<16xf32>
        %mul3A_115 = arith.mulf %get3A_104, %get3A_109 : vector<16xf32>
        %add3A_116 = arith.addf %add3A_97, %mul3A_115 : vector<16xf32>
        %mul3A_117 = arith.mulf %get3A_104, %get3A_114 : vector<16xf32>
        %add3A_118 = arith.addf %add3A_99, %mul3A_117 : vector<16xf32>
        %add3A_119 = arith.constant 1024 : i32
        %add3A_120 = arith.addi %add3A_119, %mul3A_78 : i32
        %get3A_121 = arith.index_cast %add3A_120 : i32 to index
        %get3A_122 = tpu.vector_load %arg12[%get3A_121] {strides = array<i32>} : memref<4096xf32, #tpu.memory_space<vmem>>, vector<16xf32>,
        %get3A_123 = vector.shape_cast %get3A_122 : vector<16xf32> to vector<16xf32>
        %add3A_124 = arith.constant 1024 : i32
        %add3A_125 = arith.addi %add3A_124, %mul3A_78 : i32
        %get3A_126 = arith.index_cast %add3A_125 : i32 to index
        %get3A_127 = tpu.vector_load %arg13[%get3A_126] {strides = array<i32>} : memref<4096xf32, #tpu.memory_space<vmem>>, vector<16xf32>,
        %get3A_128 = vector.shape_cast %get3A_127 : vector<16xf32> to vector<16xf32>
        %add3A_129 = arith.constant 1024 : i32
        %add3A_130 = arith.addi %add3A_129, %mul3A_78 : i32
        %get3A_131 = arith.index_cast %add3A_130 : i32 to index
        %get3A_132 = tpu.vector_load %arg14[%get3A_131] {strides = array<i32>} : memref<4096xf32, #tpu.memory_space<vmem>>, vector<16xf32>,
        %get3A_133 = vector.shape_cast %get3A_132 : vector<16xf32> to vector<16xf32>
        %mul3A_134 = arith.mulf %get3A_123, %get3A_128 : vector<16xf32>
        %add3A_135 = arith.addf %add3A_116, %mul3A_134 : vector<16xf32>
        %mul3A_136 = arith.mulf %get3A_123, %get3A_133 : vector<16xf32>
        %add3A_137 = arith.addf %add3A_118, %mul3A_136 : vector<16xf32>
        %add3A_138 = arith.constant 1536 : i32
        %add3A_139 = arith.addi %add3A_138, %mul3A_78 : i32
        %get3A_140 = arith.index_cast %add3A_139 : i32 to index
        %get3A_141 = tpu.vector_load %arg12[%get3A_140] {strides = array<i32>} : memref<4096xf32, #tpu.memory_space<vmem>>, vector<16xf32>,
        %get3A_142 = vector.shape_cast %get3A_141 : vector<16xf32> to vector<16xf32>
        %add3A_143 = arith.constant 1536 : i32
        %add3A_144 = arith.addi %add3A_143, %mul3A_78 : i32
        %get3A_145 = arith.index_cast %add3A_144 : i32 to index
        %get3A_146 = tpu.vector_load %arg13[%get3A_145] {strides = array<i32>} : memref<4096xf32, #tpu.memory_space<vmem>>, vector<16xf32>,
        %get3A_147 = vector.shape_cast %get3A_146 : vector<16xf32> to vector<16xf32>
        %add3A_148 = arith.constant 1536 : i32
        %add3A_149 = arith.addi %add3A_148, %mul3A_78 : i32
        %get3A_150 = arith.index_cast %add3A_149 : i32 to index
        %get3A_151 = tpu.vector_load %arg14[%get3A_150] {strides = array<i32>} : memref<4096xf32, #tpu.memory_space<vmem>>, vector<16xf32>,
        %get3A_152 = vector.shape_cast %get3A_151 : vector<16xf32> to vector<16xf32>
        %mul3A_153 = arith.mulf %get3A_142, %get3A_147 : vector<16xf32>
        %add3A_154 = arith.addf %add3A_135, %mul3A_153 : vector<16xf32>
        %mul3A_155 = arith.mulf %get3A_142, %get3A_152 : vector<16xf32>
        %add3A_156 = arith.addf %add3A_137, %mul3A_155 : vector<16xf32>
        %add3A_157 = arith.constant 2048 : i32
        %add3A_158 = arith.addi %add3A_157, %mul3A_78 : i32
        %get3A_159 = arith.index_cast %add3A_158 : i32 to index
        %get3A_160 = tpu.vector_load %arg12[%get3A_159] {strides = array<i32>} : memref<4096xf32, #tpu.memory_space<vmem>>, vector<16xf32>,
        %get3A_161 = vector.shape_cast %get3A_160 : vector<16xf32> to vector<16xf32>
        %add3A_162 = arith.constant 2048 : i32
        %add3A_163 = arith.addi %add3A_162, %mul3A_78 : i32
        %get3A_164 = arith.index_cast %add3A_163 : i32 to index
        %get3A_165 = tpu.vector_load %arg13[%get3A_164] {strides = array<i32>} : memref<4096xf32, #tpu.memory_space<vmem>>, vector<16xf32>,
        %get3A_166 = vector.shape_cast %get3A_165 : vector<16xf32> to vector<16xf32>
        %add3A_167 = arith.constant 2048 : i32
        %add3A_168 = arith.addi %add3A_167, %mul3A_78 : i32
        %get3A_169 = arith.index_cast %add3A_168 : i32 to index
        %get3A_170 = tpu.vector_load %arg14[%get3A_169] {strides = array<i32>} : memref<4096xf32, #tpu.memory_space<vmem>>, vector<16xf32>,
        %get3A_171 = vector.shape_cast %get3A_170 : vector<16xf32> to vector<16xf32>
        %mul3A_172 = arith.mulf %get3A_161, %get3A_166 : vector<16xf32>
        %add3A_173 = arith.addf %add3A_154, %mul3A_172 : vector<16xf32>
        %mul3A_174 = arith.mulf %get3A_161, %get3A_171 : vector<16xf32>
        %add3A_175 = arith.addf %add3A_156, %mul3A_174 : vector<16xf32>
        %add3A_176 = arith.constant 2560 : i32
        %add3A_177 = arith.addi %add3A_176, %mul3A_78 : i32
        %get3A_178 = arith.index_cast %add3A_177 : i32 to index
        %get3A_179 = tpu.vector_load %arg12[%get3A_178] {strides = array<i32>} : memref<4096xf32, #tpu.memory_space<vmem>>, vector<16xf32>,
        %get3A_180 = vector.shape_cast %get3A_179 : vector<16xf32> to vector<16xf32>
        %add3A_181 = arith.constant 2560 : i32
        %add3A_182 = arith.addi %add3A_181, %mul3A_78 : i32
        %get3A_183 = arith.index_cast %add3A_182 : i32 to index
        %get3A_184 = tpu.vector_load %arg13[%get3A_183] {strides = array<i32>} : memref<4096xf32, #tpu.memory_space<vmem>>, vector<16xf32>,
        %get3A_185 = vector.shape_cast %get3A_184 : vector<16xf32> to vector<16xf32>
        %add3A_186 = arith.constant 2560 : i32
        %add3A_187 = arith.addi %add3A_186, %mul3A_78 : i32
        %get3A_188 = arith.index_cast %add3A_187 : i32 to index
        %get3A_189 = tpu.vector_load %arg14[%get3A_188] {strides = array<i32>} : memref<4096xf32, #tpu.memory_space<vmem>>, vector<16xf32>,
        %get3A_190 = vector.shape_cast %get3A_189 : vector<16xf32> to vector<16xf32>
        %mul3A_191 = arith.mulf %get3A_180, %get3A_185 : vector<16xf32>
        %add3A_192 = arith.addf %add3A_173, %mul3A_191 : vector<16xf32>
        %mul3A_193 = arith.mulf %get3A_180, %get3A_190 : vector<16xf32>
        %add3A_194 = arith.addf %add3A_175, %mul3A_193 : vector<16xf32>
        %add3A_195 = arith.constant 3072 : i32
        %add3A_196 = arith.addi %add3A_195, %mul3A_78 : i32
        %get3A_197 = arith.index_cast %add3A_196 : i32 to index
        %get3A_198 = tpu.vector_load %arg12[%get3A_197] {strides = array<i32>} : memref<4096xf32, #tpu.memory_space<vmem>>, vector<16xf32>,
        %get3A_199 = vector.shape_cast %get3A_198 : vector<16xf32> to vector<16xf32>
        %add3A_200 = arith.constant 3072 : i32
        %add3A_201 = arith.addi %add3A_200, %mul3A_78 : i32
        %get3A_202 = arith.index_cast %add3A_201 : i32 to index
        %get3A_203 = tpu.vector_load %arg13[%get3A_202] {strides = array<i32>} : memref<4096xf32, #tpu.memory_space<vmem>>, vector<16xf32>,
        %get3A_204 = vector.shape_cast %get3A_203 : vector<16xf32> to vector<16xf32>
        %add3A_205 = arith.constant 3072 : i32
        %add3A_206 = arith.addi %add3A_205, %mul3A_78 : i32
        %get3A_207 = arith.index_cast %add3A_206 : i32 to index
        %get3A_208 = tpu.vector_load %arg14[%get3A_207] {strides = array<i32>} : memref<4096xf32, #tpu.memory_space<vmem>>, vector<16xf32>,
        %get3A_209 = vector.shape_cast %get3A_208 : vector<16xf32> to vector<16xf32>
        %mul3A_210 = arith.mulf %get3A_199, %get3A_204 : vector<16xf32>
        %add3A_211 = arith.addf %add3A_192, %mul3A_210 : vector<16xf32>
        %mul3A_212 = arith.mulf %get3A_199, %get3A_209 : vector<16xf32>
        %add3A_213 = arith.addf %add3A_194, %mul3A_212 : vector<16xf32>
        %add3A_214 = arith.constant 3584 : i32
        %add3A_215 = arith.addi %add3A_214, %mul3A_78 : i32
        %get3A_216 = arith.index_cast %add3A_215 : i32 to index
        %get3A_217 = tpu.vector_load %arg12[%get3A_216] {strides = array<i32>} : memref<4096xf32, #tpu.memory_space<vmem>>, vector<16xf32>,
        %get3A_218 = vector.shape_cast %get3A_217 : vector<16xf32> to vector<16xf32>
        %add3A_219 = arith.constant 3584 : i32
        %add3A_220 = arith.addi %add3A_219, %mul3A_78 : i32
        %get3A_221 = arith.index_cast %add3A_220 : i32 to index
        %get3A_222 = tpu.vector_load %arg13[%get3A_221] {strides = array<i32>} : memref<4096xf32, #tpu.memory_space<vmem>>, vector<16xf32>,
        %get3A_223 = vector.shape_cast %get3A_222 : vector<16xf32> to vector<16xf32>
        %add3A_224 = arith.constant 3584 : i32
        %add3A_225 = arith.addi %add3A_224, %mul3A_78 : i32
        %get3A_226 = arith.index_cast %add3A_225 : i32 to index
        %get3A_227 = tpu.vector_load %arg14[%get3A_226] {strides = array<i32>} : memref<4096xf32, #tpu.memory_space<vmem>>, vector<16xf32>,
        %get3A_228 = vector.shape_cast %get3A_227 : vector<16xf32> to vector<16xf32>
        %mul3A_229 = arith.mulf %get3A_218, %get3A_223 : vector<16xf32>
        %add3A_230 = arith.addf %add3A_211, %mul3A_229 : vector<16xf32>
        %mul3A_231 = arith.mulf %get3A_218, %get3A_228 : vector<16xf32>
        %add3A_232 = arith.addf %add3A_213, %mul3A_231 : vector<16xf32>
        %swap3A = arith.constant 0 : i32
        %swap3A_233 = arith.index_cast %swap3A : i32 to index
        %swap3A_234 = arith.index_cast %mul3A_78 : i32 to index
        %swap3A_235 = tpu.vector_load %arg15[%swap3A_233, %swap3A_234] {strides = array<i32>} : memref<2x512xf32, #tpu.memory_space<vmem>>, vector<1x16xf32>,
        %swap3A_236 = vector.shape_cast %swap3A_235 : vector<1x16xf32> to vector<16xf32>
        %swap3A_237 = vector.shape_cast %add3A_230 : vector<16xf32> to vector<1x16xf32>
        tpu.vector_store %arg15[%swap3A_233, %swap3A_234], %swap3A_237 {strides = array<i32>} : memref<2x512xf32, #tpu.memory_space<vmem>>, vector<1x16xf32>,
        %swap3A_238 = arith.constant 1 : i32
        %swap3A_239 = arith.index_cast %swap3A_238 : i32 to index
        %swap3A_240 = arith.index_cast %mul3A_78 : i32 to index
        %swap3A_241 = tpu.vector_load %arg15[%swap3A_239, %swap3A_240] {strides = array<i32>} : memref<2x512xf32, #tpu.memory_space<vmem>>, vector<1x16xf32>,
        %swap3A_242 = vector.shape_cast %swap3A_241 : vector<1x16xf32> to vector<16xf32>
        %swap3A_243 = vector.shape_cast %add3A_232 : vector<16xf32> to vector<1x16xf32>
        tpu.vector_store %arg15[%swap3A_239, %swap3A_240], %swap3A_243 {strides = array<i32>} : memref<2x512xf32, #tpu.memory_space<vmem>>, vector<1x16xf32>,
      }
      %scan3A_29 = arith.constant 32 : i32
      "tpu.region"() ({
        %run_scoped3A = tpu.sem_alloc : memref<!tpu.dma_semaphore, #tpu.memory_space<semaphore_mem>>
        %dma_start3A_76 = arith.constant 0 : i32
        %dma_start3A_77 = tpu.memref_slice %arg7[%dma_start3A_76, %add3A_11] : memref<32x262144xf32, #tpu.memory_space<hbm>> -> memref<2x512xf32, #tpu.memory_space<hbm>>
        %dma_start3A_78 = arith.constant 0 : i32
        %dma_start3A_79 = tpu.memref_slice %arg7[%dma_start3A_78, %add3A_11] : memref<32x262144xf32, #tpu.memory_space<hbm>> -> memref<2x512xf32, #tpu.memory_space<hbm>>
        tpu.enqueue_dma source(%arg15 : memref<2x512xf32, #tpu.memory_space<vmem>>) target(%dma_start3A_79 : memref<2x512xf32, #tpu.memory_space<hbm>>) target_semaphore(%run_scoped3A : memref<!tpu.dma_semaphore, #tpu.memory_space<semaphore_mem>>)
        %dma_wait3A_80 = arith.constant 0 : i32
        %dma_wait3A_81 = tpu.memref_slice %arg7[%dma_wait3A_80, %add3A_11] : memref<32x262144xf32, #tpu.memory_space<hbm>> -> memref<2x512xf32, #tpu.memory_space<hbm>>
        %dma_wait3A_82 = arith.constant 0 : i32
        %dma_wait3A_83 = tpu.memref_slice %arg7[%dma_wait3A_82, %add3A_11] : memref<32x262144xf32, #tpu.memory_space<hbm>> -> memref<2x512xf32, #tpu.memory_space<hbm>>
        tpu.wait_dma2 semaphore(%run_scoped3A : memref<!tpu.dma_semaphore, #tpu.memory_space<semaphore_mem>>) src(%arg15 : memref<2x512xf32, #tpu.memory_space<vmem>>) dst(%dma_wait3A_83 : memref<2x512xf32, #tpu.memory_space<hbm>>)
        tpu.yield
      }) : () -> ()
      %scan3A_30 = arith.constant 0 : i32
      %scan3A_31 = arith.constant 0 : i32
      %scan3A_32 = arith.constant 32 : i32
      %scan3A_33 = arith.addi %scan3A_31, %scan3A_32 : i32
      %scan3A_34 = arith.constant 1 : i32
      scf.for %scan3A_76 = %scan3A_31 to %scan3A_33 step %scan3A_34  : i32 {
        %mul3A_77 = arith.constant 16 : i32
        %mul3A_78 = arith.muli %scan3A_76, %mul3A_77 : i32
        %get3A = arith.index_cast %mul3A_78 : i32 to index
        %get3A_79 = tpu.vector_load %arg8[%get3A] {strides = array<i32>} : memref<512xf32, #tpu.memory_space<vmem>>, vector<16xf32>,
        %get3A_80 = vector.shape_cast %get3A_79 : vector<16xf32> to vector<16xf32>
        %get3A_81 = arith.index_cast %mul3A_78 : i32 to index
        %get3A_82 = tpu.vector_load %arg9[%get3A_81] {strides = array<i32>} : memref<512xf32, #tpu.memory_space<vmem>>, vector<16xf32>,
        %get3A_83 = vector.shape_cast %get3A_82 : vector<16xf32> to vector<16xf32>
        %get3A_84 = arith.index_cast %mul3A_78 : i32 to index
        %get3A_85 = tpu.vector_load %arg10[%get3A_84] {strides = array<i32>} : memref<512xf32, #tpu.memory_space<vmem>>, vector<16xf32>,
        %get3A_86 = vector.shape_cast %get3A_85 : vector<16xf32> to vector<16xf32>
        %mul3A_87 = arith.constant 3.100000e+01 : f32
        %mul3A_88 = vector.broadcast %mul3A_87 : f32 to vector<16xf32>
        %mul3A_89 = arith.mulf %get3A_80, %mul3A_88 : vector<16xf32>
        %add3A_90 = arith.constant 5.000000e-01 : f32
        %add3A_91 = vector.broadcast %add3A_90 : f32 to vector<16xf32>
        %add3A_92 = arith.addf %mul3A_89, %add3A_91 : vector<16xf32>
        %mul3A_93 = arith.constant 3.100000e+01 : f32
        %mul3A_94 = vector.broadcast %mul3A_93 : f32 to vector<16xf32>
        %mul3A_95 = arith.mulf %get3A_83, %mul3A_94 : vector<16xf32>
        %add3A_96 = arith.constant 5.000000e-01 : f32
        %add3A_97 = vector.broadcast %add3A_96 : f32 to vector<16xf32>
        %add3A_98 = arith.addf %mul3A_95, %add3A_97 : vector<16xf32>
        %mul3A_99 = arith.constant 3.100000e+01 : f32
        %mul3A_100 = vector.broadcast %mul3A_99 : f32 to vector<16xf32>
        %mul3A_101 = arith.mulf %get3A_86, %mul3A_100 : vector<16xf32>
        %add3A_102 = arith.constant 5.000000e-01 : f32
        %add3A_103 = vector.broadcast %add3A_102 : f32 to vector<16xf32>
        %add3A_104 = arith.addf %mul3A_101, %add3A_103 : vector<16xf32>
        %convert_element_type3A = arith.fptosi %add3A_92 : vector<16xf32> to vector<16xi32>
        %convert_element_type3A_105 = arith.fptosi %add3A_98 : vector<16xf32> to vector<16xi32>
        %convert_element_type3A_106 = arith.fptosi %add3A_104 : vector<16xf32> to vector<16xi32>
        %convert_element_type3A_107 = arith.sitofp %convert_element_type3A : vector<16xi32> to vector<16xf32>
        %sub3A = arith.subf %add3A_92, %convert_element_type3A_107 : vector<16xf32>
        %convert_element_type3A_108 = arith.sitofp %convert_element_type3A_105 : vector<16xi32> to vector<16xf32>
        %sub3A_109 = arith.subf %add3A_98, %convert_element_type3A_108 : vector<16xf32>
        %convert_element_type3A_110 = arith.sitofp %convert_element_type3A_106 : vector<16xi32> to vector<16xf32>
        %sub3A_111 = arith.subf %add3A_104, %convert_element_type3A_110 : vector<16xf32>
        %add3A_112 = arith.constant 1 : i32
        %add3A_113 = vector.broadcast %add3A_112 : i32 to vector<16xi32>
        %add3A_114 = arith.addi %convert_element_type3A, %add3A_113 : vector<16xi32>
        %mul3A_115 = arith.constant 32 : i32
        %mul3A_116 = vector.broadcast %mul3A_115 : i32 to vector<16xi32>
        %mul3A_117 = arith.muli %convert_element_type3A_105, %mul3A_116 : vector<16xi32>
        %add3A_118 = arith.constant 32 : i32
        %add3A_119 = vector.broadcast %add3A_118 : i32 to vector<16xi32>
        %add3A_120 = arith.addi %mul3A_117, %add3A_119 : vector<16xi32>
        %mul3A_121 = arith.constant 1024 : i32
        %mul3A_122 = vector.broadcast %mul3A_121 : i32 to vector<16xi32>
        %mul3A_123 = arith.muli %convert_element_type3A_106, %mul3A_122 : vector<16xi32>
        %add3A_124 = arith.constant 1024 : i32
        %add3A_125 = vector.broadcast %add3A_124 : i32 to vector<16xi32>
        %add3A_126 = arith.addi %mul3A_123, %add3A_125 : vector<16xi32>
        %sub3A_127 = arith.constant 1.000000e+00 : f32
        %sub3A_128 = vector.broadcast %sub3A_127 : f32 to vector<16xf32>
        %sub3A_129 = arith.subf %sub3A_128, %sub3A : vector<16xf32>
        %sub3A_130 = arith.constant 1.000000e+00 : f32
        %sub3A_131 = vector.broadcast %sub3A_130 : f32 to vector<16xf32>
        %sub3A_132 = arith.subf %sub3A_131, %sub3A_109 : vector<16xf32>
        %sub3A_133 = arith.constant 1.000000e+00 : f32
        %sub3A_134 = vector.broadcast %sub3A_133 : f32 to vector<16xf32>
        %sub3A_135 = arith.subf %sub3A_134, %sub3A_111 : vector<16xf32>
        %add3A_136 = arith.addi %convert_element_type3A, %mul3A_117 : vector<16xi32>
        %add3A_137 = arith.addi %add3A_136, %mul3A_123 : vector<16xi32>
        %and3A = arith.constant 32767 : i32
        %and3A_138 = vector.broadcast %and3A : i32 to vector<16xi32>
        %and3A_139 = arith.andi %add3A_137, %and3A_138 : vector<16xi32>
        %add3A_140 = arith.constant 4096 : i32
        %add3A_141 = vector.broadcast %add3A_140 : i32 to vector<16xi32>
        %add3A_142 = arith.addi %and3A_139, %add3A_141 : vector<16xi32>
        %mul3A_143 = arith.mulf %sub3A_129, %sub3A_132 : vector<16xf32>
        %mul3A_144 = arith.mulf %mul3A_143, %sub3A_135 : vector<16xf32>
        %add3A_145 = arith.constant 0 : i32
        %add3A_146 = arith.addi %add3A_145, %mul3A_78 : i32
        %swap3A = arith.index_cast %add3A_146 : i32 to index
        %swap3A_147 = tpu.vector_load %arg11[%swap3A] {strides = array<i32>} : memref<4096xi32, #tpu.memory_space<vmem>>, vector<16xi32>,
        %swap3A_148 = vector.shape_cast %swap3A_147 : vector<16xi32> to vector<16xi32>
        %swap3A_149 = vector.shape_cast %add3A_142 : vector<16xi32> to vector<16xi32>
        tpu.vector_store %arg11[%swap3A], %swap3A_149 {strides = array<i32>} : memref<4096xi32, #tpu.memory_space<vmem>>, vector<16xi32>,
        %add3A_150 = arith.constant 0 : i32
        %add3A_151 = arith.addi %add3A_150, %mul3A_78 : i32
        %swap3A_152 = arith.index_cast %add3A_151 : i32 to index
        %swap3A_153 = tpu.vector_load %arg12[%swap3A_152] {strides = array<i32>} : memref<4096xf32, #tpu.memory_space<vmem>>, vector<16xf32>,
        %swap3A_154 = vector.shape_cast %swap3A_153 : vector<16xf32> to vector<16xf32>
        %swap3A_155 = vector.shape_cast %mul3A_144 : vector<16xf32> to vector<16xf32>
        tpu.vector_store %arg12[%swap3A_152], %swap3A_155 {strides = array<i32>} : memref<4096xf32, #tpu.memory_space<vmem>>, vector<16xf32>,
        %add3A_156 = arith.addi %add3A_114, %mul3A_117 : vector<16xi32>
        %add3A_157 = arith.addi %add3A_156, %mul3A_123 : vector<16xi32>
        %and3A_158 = arith.constant 32767 : i32
        %and3A_159 = vector.broadcast %and3A_158 : i32 to vector<16xi32>
        %and3A_160 = arith.andi %add3A_157, %and3A_159 : vector<16xi32>
        %add3A_161 = arith.constant 4096 : i32
        %add3A_162 = vector.broadcast %add3A_161 : i32 to vector<16xi32>
        %add3A_163 = arith.addi %and3A_160, %add3A_162 : vector<16xi32>
        %mul3A_164 = arith.mulf %sub3A, %sub3A_132 : vector<16xf32>
        %mul3A_165 = arith.mulf %mul3A_164, %sub3A_135 : vector<16xf32>
        %add3A_166 = arith.constant 512 : i32
        %add3A_167 = arith.addi %add3A_166, %mul3A_78 : i32
        %swap3A_168 = arith.index_cast %add3A_167 : i32 to index
        %swap3A_169 = tpu.vector_load %arg11[%swap3A_168] {strides = array<i32>} : memref<4096xi32, #tpu.memory_space<vmem>>, vector<16xi32>,
        %swap3A_170 = vector.shape_cast %swap3A_169 : vector<16xi32> to vector<16xi32>
        %swap3A_171 = vector.shape_cast %add3A_163 : vector<16xi32> to vector<16xi32>
        tpu.vector_store %arg11[%swap3A_168], %swap3A_171 {strides = array<i32>} : memref<4096xi32, #tpu.memory_space<vmem>>, vector<16xi32>,
        %add3A_172 = arith.constant 512 : i32
        %add3A_173 = arith.addi %add3A_172, %mul3A_78 : i32
        %swap3A_174 = arith.index_cast %add3A_173 : i32 to index
        %swap3A_175 = tpu.vector_load %arg12[%swap3A_174] {strides = array<i32>} : memref<4096xf32, #tpu.memory_space<vmem>>, vector<16xf32>,
        %swap3A_176 = vector.shape_cast %swap3A_175 : vector<16xf32> to vector<16xf32>
        %swap3A_177 = vector.shape_cast %mul3A_165 : vector<16xf32> to vector<16xf32>
        tpu.vector_store %arg12[%swap3A_174], %swap3A_177 {strides = array<i32>} : memref<4096xf32, #tpu.memory_space<vmem>>, vector<16xf32>,
        %add3A_178 = arith.addi %convert_element_type3A, %add3A_120 : vector<16xi32>
        %add3A_179 = arith.addi %add3A_178, %mul3A_123 : vector<16xi32>
        %and3A_180 = arith.constant 32767 : i32
        %and3A_181 = vector.broadcast %and3A_180 : i32 to vector<16xi32>
        %and3A_182 = arith.andi %add3A_179, %and3A_181 : vector<16xi32>
        %add3A_183 = arith.constant 4096 : i32
        %add3A_184 = vector.broadcast %add3A_183 : i32 to vector<16xi32>
        %add3A_185 = arith.addi %and3A_182, %add3A_184 : vector<16xi32>
        %mul3A_186 = arith.mulf %sub3A_129, %sub3A_109 : vector<16xf32>
        %mul3A_187 = arith.mulf %mul3A_186, %sub3A_135 : vector<16xf32>
        %add3A_188 = arith.constant 1024 : i32
        %add3A_189 = arith.addi %add3A_188, %mul3A_78 : i32
        %swap3A_190 = arith.index_cast %add3A_189 : i32 to index
        %swap3A_191 = tpu.vector_load %arg11[%swap3A_190] {strides = array<i32>} : memref<4096xi32, #tpu.memory_space<vmem>>, vector<16xi32>,
        %swap3A_192 = vector.shape_cast %swap3A_191 : vector<16xi32> to vector<16xi32>
        %swap3A_193 = vector.shape_cast %add3A_185 : vector<16xi32> to vector<16xi32>
        tpu.vector_store %arg11[%swap3A_190], %swap3A_193 {strides = array<i32>} : memref<4096xi32, #tpu.memory_space<vmem>>, vector<16xi32>,
        %add3A_194 = arith.constant 1024 : i32
        %add3A_195 = arith.addi %add3A_194, %mul3A_78 : i32
        %swap3A_196 = arith.index_cast %add3A_195 : i32 to index
        %swap3A_197 = tpu.vector_load %arg12[%swap3A_196] {strides = array<i32>} : memref<4096xf32, #tpu.memory_space<vmem>>, vector<16xf32>,
        %swap3A_198 = vector.shape_cast %swap3A_197 : vector<16xf32> to vector<16xf32>
        %swap3A_199 = vector.shape_cast %mul3A_187 : vector<16xf32> to vector<16xf32>
        tpu.vector_store %arg12[%swap3A_196], %swap3A_199 {strides = array<i32>} : memref<4096xf32, #tpu.memory_space<vmem>>, vector<16xf32>,
        %add3A_200 = arith.addi %add3A_114, %add3A_120 : vector<16xi32>
        %add3A_201 = arith.addi %add3A_200, %mul3A_123 : vector<16xi32>
        %and3A_202 = arith.constant 32767 : i32
        %and3A_203 = vector.broadcast %and3A_202 : i32 to vector<16xi32>
        %and3A_204 = arith.andi %add3A_201, %and3A_203 : vector<16xi32>
        %add3A_205 = arith.constant 4096 : i32
        %add3A_206 = vector.broadcast %add3A_205 : i32 to vector<16xi32>
        %add3A_207 = arith.addi %and3A_204, %add3A_206 : vector<16xi32>
        %mul3A_208 = arith.mulf %sub3A, %sub3A_109 : vector<16xf32>
        %mul3A_209 = arith.mulf %mul3A_208, %sub3A_135 : vector<16xf32>
        %add3A_210 = arith.constant 1536 : i32
        %add3A_211 = arith.addi %add3A_210, %mul3A_78 : i32
        %swap3A_212 = arith.index_cast %add3A_211 : i32 to index
        %swap3A_213 = tpu.vector_load %arg11[%swap3A_212] {strides = array<i32>} : memref<4096xi32, #tpu.memory_space<vmem>>, vector<16xi32>,
        %swap3A_214 = vector.shape_cast %swap3A_213 : vector<16xi32> to vector<16xi32>
        %swap3A_215 = vector.shape_cast %add3A_207 : vector<16xi32> to vector<16xi32>
        tpu.vector_store %arg11[%swap3A_212], %swap3A_215 {strides = array<i32>} : memref<4096xi32, #tpu.memory_space<vmem>>, vector<16xi32>,
        %add3A_216 = arith.constant 1536 : i32
        %add3A_217 = arith.addi %add3A_216, %mul3A_78 : i32
        %swap3A_218 = arith.index_cast %add3A_217 : i32 to index
        %swap3A_219 = tpu.vector_load %arg12[%swap3A_218] {strides = array<i32>} : memref<4096xf32, #tpu.memory_space<vmem>>, vector<16xf32>,
        %swap3A_220 = vector.shape_cast %swap3A_219 : vector<16xf32> to vector<16xf32>
        %swap3A_221 = vector.shape_cast %mul3A_209 : vector<16xf32> to vector<16xf32>
        tpu.vector_store %arg12[%swap3A_218], %swap3A_221 {strides = array<i32>} : memref<4096xf32, #tpu.memory_space<vmem>>, vector<16xf32>,
        %add3A_222 = arith.addi %convert_element_type3A, %mul3A_117 : vector<16xi32>
        %add3A_223 = arith.addi %add3A_222, %add3A_126 : vector<16xi32>
        %and3A_224 = arith.constant 32767 : i32
        %and3A_225 = vector.broadcast %and3A_224 : i32 to vector<16xi32>
        %and3A_226 = arith.andi %add3A_223, %and3A_225 : vector<16xi32>
        %add3A_227 = arith.constant 4096 : i32
        %add3A_228 = vector.broadcast %add3A_227 : i32 to vector<16xi32>
        %add3A_229 = arith.addi %and3A_226, %add3A_228 : vector<16xi32>
        %mul3A_230 = arith.mulf %sub3A_129, %sub3A_132 : vector<16xf32>
        %mul3A_231 = arith.mulf %mul3A_230, %sub3A_111 : vector<16xf32>
        %add3A_232 = arith.constant 2048 : i32
        %add3A_233 = arith.addi %add3A_232, %mul3A_78 : i32
        %swap3A_234 = arith.index_cast %add3A_233 : i32 to index
        %swap3A_235 = tpu.vector_load %arg11[%swap3A_234] {strides = array<i32>} : memref<4096xi32, #tpu.memory_space<vmem>>, vector<16xi32>,
        %swap3A_236 = vector.shape_cast %swap3A_235 : vector<16xi32> to vector<16xi32>
        %swap3A_237 = vector.shape_cast %add3A_229 : vector<16xi32> to vector<16xi32>
        tpu.vector_store %arg11[%swap3A_234], %swap3A_237 {strides = array<i32>} : memref<4096xi32, #tpu.memory_space<vmem>>, vector<16xi32>,
        %add3A_238 = arith.constant 2048 : i32
        %add3A_239 = arith.addi %add3A_238, %mul3A_78 : i32
        %swap3A_240 = arith.index_cast %add3A_239 : i32 to index
        %swap3A_241 = tpu.vector_load %arg12[%swap3A_240] {strides = array<i32>} : memref<4096xf32, #tpu.memory_space<vmem>>, vector<16xf32>,
        %swap3A_242 = vector.shape_cast %swap3A_241 : vector<16xf32> to vector<16xf32>
        %swap3A_243 = vector.shape_cast %mul3A_231 : vector<16xf32> to vector<16xf32>
        tpu.vector_store %arg12[%swap3A_240], %swap3A_243 {strides = array<i32>} : memref<4096xf32, #tpu.memory_space<vmem>>, vector<16xf32>,
        %add3A_244 = arith.addi %add3A_114, %mul3A_117 : vector<16xi32>
        %add3A_245 = arith.addi %add3A_244, %add3A_126 : vector<16xi32>
        %and3A_246 = arith.constant 32767 : i32
        %and3A_247 = vector.broadcast %and3A_246 : i32 to vector<16xi32>
        %and3A_248 = arith.andi %add3A_245, %and3A_247 : vector<16xi32>
        %add3A_249 = arith.constant 4096 : i32
        %add3A_250 = vector.broadcast %add3A_249 : i32 to vector<16xi32>
        %add3A_251 = arith.addi %and3A_248, %add3A_250 : vector<16xi32>
        %mul3A_252 = arith.mulf %sub3A, %sub3A_132 : vector<16xf32>
        %mul3A_253 = arith.mulf %mul3A_252, %sub3A_111 : vector<16xf32>
        %add3A_254 = arith.constant 2560 : i32
        %add3A_255 = arith.addi %add3A_254, %mul3A_78 : i32
        %swap3A_256 = arith.index_cast %add3A_255 : i32 to index
        %swap3A_257 = tpu.vector_load %arg11[%swap3A_256] {strides = array<i32>} : memref<4096xi32, #tpu.memory_space<vmem>>, vector<16xi32>,
        %swap3A_258 = vector.shape_cast %swap3A_257 : vector<16xi32> to vector<16xi32>
        %swap3A_259 = vector.shape_cast %add3A_251 : vector<16xi32> to vector<16xi32>
        tpu.vector_store %arg11[%swap3A_256], %swap3A_259 {strides = array<i32>} : memref<4096xi32, #tpu.memory_space<vmem>>, vector<16xi32>,
        %add3A_260 = arith.constant 2560 : i32
        %add3A_261 = arith.addi %add3A_260, %mul3A_78 : i32
        %swap3A_262 = arith.index_cast %add3A_261 : i32 to index
        %swap3A_263 = tpu.vector_load %arg12[%swap3A_262] {strides = array<i32>} : memref<4096xf32, #tpu.memory_space<vmem>>, vector<16xf32>,
        %swap3A_264 = vector.shape_cast %swap3A_263 : vector<16xf32> to vector<16xf32>
        %swap3A_265 = vector.shape_cast %mul3A_253 : vector<16xf32> to vector<16xf32>
        tpu.vector_store %arg12[%swap3A_262], %swap3A_265 {strides = array<i32>} : memref<4096xf32, #tpu.memory_space<vmem>>, vector<16xf32>,
        %add3A_266 = arith.addi %convert_element_type3A, %add3A_120 : vector<16xi32>
        %add3A_267 = arith.addi %add3A_266, %add3A_126 : vector<16xi32>
        %and3A_268 = arith.constant 32767 : i32
        %and3A_269 = vector.broadcast %and3A_268 : i32 to vector<16xi32>
        %and3A_270 = arith.andi %add3A_267, %and3A_269 : vector<16xi32>
        %add3A_271 = arith.constant 4096 : i32
        %add3A_272 = vector.broadcast %add3A_271 : i32 to vector<16xi32>
        %add3A_273 = arith.addi %and3A_270, %add3A_272 : vector<16xi32>
        %mul3A_274 = arith.mulf %sub3A_129, %sub3A_109 : vector<16xf32>
        %mul3A_275 = arith.mulf %mul3A_274, %sub3A_111 : vector<16xf32>
        %add3A_276 = arith.constant 3072 : i32
        %add3A_277 = arith.addi %add3A_276, %mul3A_78 : i32
        %swap3A_278 = arith.index_cast %add3A_277 : i32 to index
        %swap3A_279 = tpu.vector_load %arg11[%swap3A_278] {strides = array<i32>} : memref<4096xi32, #tpu.memory_space<vmem>>, vector<16xi32>,
        %swap3A_280 = vector.shape_cast %swap3A_279 : vector<16xi32> to vector<16xi32>
        %swap3A_281 = vector.shape_cast %add3A_273 : vector<16xi32> to vector<16xi32>
        tpu.vector_store %arg11[%swap3A_278], %swap3A_281 {strides = array<i32>} : memref<4096xi32, #tpu.memory_space<vmem>>, vector<16xi32>,
        %add3A_282 = arith.constant 3072 : i32
        %add3A_283 = arith.addi %add3A_282, %mul3A_78 : i32
        %swap3A_284 = arith.index_cast %add3A_283 : i32 to index
        %swap3A_285 = tpu.vector_load %arg12[%swap3A_284] {strides = array<i32>} : memref<4096xf32, #tpu.memory_space<vmem>>, vector<16xf32>,
        %swap3A_286 = vector.shape_cast %swap3A_285 : vector<16xf32> to vector<16xf32>
        %swap3A_287 = vector.shape_cast %mul3A_275 : vector<16xf32> to vector<16xf32>
        tpu.vector_store %arg12[%swap3A_284], %swap3A_287 {strides = array<i32>} : memref<4096xf32, #tpu.memory_space<vmem>>, vector<16xf32>,
        %add3A_288 = arith.addi %add3A_114, %add3A_120 : vector<16xi32>
        %add3A_289 = arith.addi %add3A_288, %add3A_126 : vector<16xi32>
        %and3A_290 = arith.constant 32767 : i32
        %and3A_291 = vector.broadcast %and3A_290 : i32 to vector<16xi32>
        %and3A_292 = arith.andi %add3A_289, %and3A_291 : vector<16xi32>
        %add3A_293 = arith.constant 4096 : i32
        %add3A_294 = vector.broadcast %add3A_293 : i32 to vector<16xi32>
        %add3A_295 = arith.addi %and3A_292, %add3A_294 : vector<16xi32>
        %mul3A_296 = arith.mulf %sub3A, %sub3A_109 : vector<16xf32>
        %mul3A_297 = arith.mulf %mul3A_296, %sub3A_111 : vector<16xf32>
        %add3A_298 = arith.constant 3584 : i32
        %add3A_299 = arith.addi %add3A_298, %mul3A_78 : i32
        %swap3A_300 = arith.index_cast %add3A_299 : i32 to index
        %swap3A_301 = tpu.vector_load %arg11[%swap3A_300] {strides = array<i32>} : memref<4096xi32, #tpu.memory_space<vmem>>, vector<16xi32>,
        %swap3A_302 = vector.shape_cast %swap3A_301 : vector<16xi32> to vector<16xi32>
        %swap3A_303 = vector.shape_cast %add3A_295 : vector<16xi32> to vector<16xi32>
        tpu.vector_store %arg11[%swap3A_300], %swap3A_303 {strides = array<i32>} : memref<4096xi32, #tpu.memory_space<vmem>>, vector<16xi32>,
        %add3A_304 = arith.constant 3584 : i32
        %add3A_305 = arith.addi %add3A_304, %mul3A_78 : i32
        %swap3A_306 = arith.index_cast %add3A_305 : i32 to index
        %swap3A_307 = tpu.vector_load %arg12[%swap3A_306] {strides = array<i32>} : memref<4096xf32, #tpu.memory_space<vmem>>, vector<16xf32>,
        %swap3A_308 = vector.shape_cast %swap3A_307 : vector<16xf32> to vector<16xf32>
        %swap3A_309 = vector.shape_cast %mul3A_297 : vector<16xf32> to vector<16xf32>
        tpu.vector_store %arg12[%swap3A_306], %swap3A_309 {strides = array<i32>} : memref<4096xf32, #tpu.memory_space<vmem>>, vector<16xf32>,
      }
      %scan3A_35 = arith.constant 32 : i32
      %dma_start3A_36 = arith.constant 0 : i32
      %dma_start3A_37 = tpu.memref_slice %arg5[%dma_start3A_36] : memref<7114752xf32, #tpu.memory_space<hbm>> -> memref<7114752xf32, #tpu.memory_space<hbm>>
      tpu.enqueue_indirect_dma source(%dma_start3A_37 : memref<7114752xf32, #tpu.memory_space<hbm>>) target(%arg13 : memref<4096xf32, #tpu.memory_space<vmem>>) offsets(%arg11 : memref<4096xi32, #tpu.memory_space<vmem>>) semaphore(%arg16 : memref<!tpu.dma_semaphore, #tpu.memory_space<semaphore_mem>>)
      %dma_start3A_38 = arith.constant 0 : i32
      %dma_start3A_39 = tpu.memref_slice %arg6[%dma_start3A_38] : memref<7114752xf32, #tpu.memory_space<hbm>> -> memref<7114752xf32, #tpu.memory_space<hbm>>
      tpu.enqueue_indirect_dma source(%dma_start3A_39 : memref<7114752xf32, #tpu.memory_space<hbm>>) target(%arg14 : memref<4096xf32, #tpu.memory_space<vmem>>) offsets(%arg11 : memref<4096xi32, #tpu.memory_space<vmem>>) semaphore(%arg16 : memref<!tpu.dma_semaphore, #tpu.memory_space<semaphore_mem>>)
      %dma_wait3A_40 = arith.constant 0 : i32
      %dma_wait3A_41 = tpu.memref_slice %arg5[%dma_wait3A_40] : memref<7114752xf32, #tpu.memory_space<hbm>> -> memref<7114752xf32, #tpu.memory_space<hbm>>
      tpu.wait_indirect_dma semaphore(%arg16 : memref<!tpu.dma_semaphore, #tpu.memory_space<semaphore_mem>>) src(%dma_wait3A_41 : memref<7114752xf32, #tpu.memory_space<hbm>>) dst(%arg13 : memref<4096xf32, #tpu.memory_space<vmem>>)
      %dma_wait3A_42 = arith.constant 0 : i32
      %dma_wait3A_43 = tpu.memref_slice %arg6[%dma_wait3A_42] : memref<7114752xf32, #tpu.memory_space<hbm>> -> memref<7114752xf32, #tpu.memory_space<hbm>>
      tpu.wait_indirect_dma semaphore(%arg16 : memref<!tpu.dma_semaphore, #tpu.memory_space<semaphore_mem>>) src(%dma_wait3A_43 : memref<7114752xf32, #tpu.memory_space<hbm>>) dst(%arg14 : memref<4096xf32, #tpu.memory_space<vmem>>)
      %scan3A_44 = arith.constant 0 : i32
      %scan3A_45 = arith.constant 0 : i32
      %scan3A_46 = arith.constant 32 : i32
      %scan3A_47 = arith.addi %scan3A_45, %scan3A_46 : i32
      %scan3A_48 = arith.constant 1 : i32
      scf.for %scan3A_76 = %scan3A_45 to %scan3A_47 step %scan3A_48  : i32 {
        %mul3A_77 = arith.constant 16 : i32
        %mul3A_78 = arith.muli %scan3A_76, %mul3A_77 : i32
        %broadcast_in_dim3A = arith.constant 0.000000e+00 : f32
        %broadcast_in_dim3A_79 = vector.broadcast %broadcast_in_dim3A : f32 to vector<16xf32>
        %broadcast_in_dim3A_80 = arith.constant 0.000000e+00 : f32
        %broadcast_in_dim3A_81 = vector.broadcast %broadcast_in_dim3A_80 : f32 to vector<16xf32>
        %add3A_82 = arith.constant 0 : i32
        %add3A_83 = arith.addi %add3A_82, %mul3A_78 : i32
        %get3A = arith.index_cast %add3A_83 : i32 to index
        %get3A_84 = tpu.vector_load %arg12[%get3A] {strides = array<i32>} : memref<4096xf32, #tpu.memory_space<vmem>>, vector<16xf32>,
        %get3A_85 = vector.shape_cast %get3A_84 : vector<16xf32> to vector<16xf32>
        %add3A_86 = arith.constant 0 : i32
        %add3A_87 = arith.addi %add3A_86, %mul3A_78 : i32
        %get3A_88 = arith.index_cast %add3A_87 : i32 to index
        %get3A_89 = tpu.vector_load %arg13[%get3A_88] {strides = array<i32>} : memref<4096xf32, #tpu.memory_space<vmem>>, vector<16xf32>,
        %get3A_90 = vector.shape_cast %get3A_89 : vector<16xf32> to vector<16xf32>
        %add3A_91 = arith.constant 0 : i32
        %add3A_92 = arith.addi %add3A_91, %mul3A_78 : i32
        %get3A_93 = arith.index_cast %add3A_92 : i32 to index
        %get3A_94 = tpu.vector_load %arg14[%get3A_93] {strides = array<i32>} : memref<4096xf32, #tpu.memory_space<vmem>>, vector<16xf32>,
        %get3A_95 = vector.shape_cast %get3A_94 : vector<16xf32> to vector<16xf32>
        %mul3A_96 = arith.mulf %get3A_85, %get3A_90 : vector<16xf32>
        %add3A_97 = arith.addf %broadcast_in_dim3A_79, %mul3A_96 : vector<16xf32>
        %mul3A_98 = arith.mulf %get3A_85, %get3A_95 : vector<16xf32>
        %add3A_99 = arith.addf %broadcast_in_dim3A_81, %mul3A_98 : vector<16xf32>
        %add3A_100 = arith.constant 512 : i32
        %add3A_101 = arith.addi %add3A_100, %mul3A_78 : i32
        %get3A_102 = arith.index_cast %add3A_101 : i32 to index
        %get3A_103 = tpu.vector_load %arg12[%get3A_102] {strides = array<i32>} : memref<4096xf32, #tpu.memory_space<vmem>>, vector<16xf32>,
        %get3A_104 = vector.shape_cast %get3A_103 : vector<16xf32> to vector<16xf32>
        %add3A_105 = arith.constant 512 : i32
        %add3A_106 = arith.addi %add3A_105, %mul3A_78 : i32
        %get3A_107 = arith.index_cast %add3A_106 : i32 to index
        %get3A_108 = tpu.vector_load %arg13[%get3A_107] {strides = array<i32>} : memref<4096xf32, #tpu.memory_space<vmem>>, vector<16xf32>,
        %get3A_109 = vector.shape_cast %get3A_108 : vector<16xf32> to vector<16xf32>
        %add3A_110 = arith.constant 512 : i32
        %add3A_111 = arith.addi %add3A_110, %mul3A_78 : i32
        %get3A_112 = arith.index_cast %add3A_111 : i32 to index
        %get3A_113 = tpu.vector_load %arg14[%get3A_112] {strides = array<i32>} : memref<4096xf32, #tpu.memory_space<vmem>>, vector<16xf32>,
        %get3A_114 = vector.shape_cast %get3A_113 : vector<16xf32> to vector<16xf32>
        %mul3A_115 = arith.mulf %get3A_104, %get3A_109 : vector<16xf32>
        %add3A_116 = arith.addf %add3A_97, %mul3A_115 : vector<16xf32>
        %mul3A_117 = arith.mulf %get3A_104, %get3A_114 : vector<16xf32>
        %add3A_118 = arith.addf %add3A_99, %mul3A_117 : vector<16xf32>
        %add3A_119 = arith.constant 1024 : i32
        %add3A_120 = arith.addi %add3A_119, %mul3A_78 : i32
        %get3A_121 = arith.index_cast %add3A_120 : i32 to index
        %get3A_122 = tpu.vector_load %arg12[%get3A_121] {strides = array<i32>} : memref<4096xf32, #tpu.memory_space<vmem>>, vector<16xf32>,
        %get3A_123 = vector.shape_cast %get3A_122 : vector<16xf32> to vector<16xf32>
        %add3A_124 = arith.constant 1024 : i32
        %add3A_125 = arith.addi %add3A_124, %mul3A_78 : i32
        %get3A_126 = arith.index_cast %add3A_125 : i32 to index
        %get3A_127 = tpu.vector_load %arg13[%get3A_126] {strides = array<i32>} : memref<4096xf32, #tpu.memory_space<vmem>>, vector<16xf32>,
        %get3A_128 = vector.shape_cast %get3A_127 : vector<16xf32> to vector<16xf32>
        %add3A_129 = arith.constant 1024 : i32
        %add3A_130 = arith.addi %add3A_129, %mul3A_78 : i32
        %get3A_131 = arith.index_cast %add3A_130 : i32 to index
        %get3A_132 = tpu.vector_load %arg14[%get3A_131] {strides = array<i32>} : memref<4096xf32, #tpu.memory_space<vmem>>, vector<16xf32>,
        %get3A_133 = vector.shape_cast %get3A_132 : vector<16xf32> to vector<16xf32>
        %mul3A_134 = arith.mulf %get3A_123, %get3A_128 : vector<16xf32>
        %add3A_135 = arith.addf %add3A_116, %mul3A_134 : vector<16xf32>
        %mul3A_136 = arith.mulf %get3A_123, %get3A_133 : vector<16xf32>
        %add3A_137 = arith.addf %add3A_118, %mul3A_136 : vector<16xf32>
        %add3A_138 = arith.constant 1536 : i32
        %add3A_139 = arith.addi %add3A_138, %mul3A_78 : i32
        %get3A_140 = arith.index_cast %add3A_139 : i32 to index
        %get3A_141 = tpu.vector_load %arg12[%get3A_140] {strides = array<i32>} : memref<4096xf32, #tpu.memory_space<vmem>>, vector<16xf32>,
        %get3A_142 = vector.shape_cast %get3A_141 : vector<16xf32> to vector<16xf32>
        %add3A_143 = arith.constant 1536 : i32
        %add3A_144 = arith.addi %add3A_143, %mul3A_78 : i32
        %get3A_145 = arith.index_cast %add3A_144 : i32 to index
        %get3A_146 = tpu.vector_load %arg13[%get3A_145] {strides = array<i32>} : memref<4096xf32, #tpu.memory_space<vmem>>, vector<16xf32>,
        %get3A_147 = vector.shape_cast %get3A_146 : vector<16xf32> to vector<16xf32>
        %add3A_148 = arith.constant 1536 : i32
        %add3A_149 = arith.addi %add3A_148, %mul3A_78 : i32
        %get3A_150 = arith.index_cast %add3A_149 : i32 to index
        %get3A_151 = tpu.vector_load %arg14[%get3A_150] {strides = array<i32>} : memref<4096xf32, #tpu.memory_space<vmem>>, vector<16xf32>,
        %get3A_152 = vector.shape_cast %get3A_151 : vector<16xf32> to vector<16xf32>
        %mul3A_153 = arith.mulf %get3A_142, %get3A_147 : vector<16xf32>
        %add3A_154 = arith.addf %add3A_135, %mul3A_153 : vector<16xf32>
        %mul3A_155 = arith.mulf %get3A_142, %get3A_152 : vector<16xf32>
        %add3A_156 = arith.addf %add3A_137, %mul3A_155 : vector<16xf32>
        %add3A_157 = arith.constant 2048 : i32
        %add3A_158 = arith.addi %add3A_157, %mul3A_78 : i32
        %get3A_159 = arith.index_cast %add3A_158 : i32 to index
        %get3A_160 = tpu.vector_load %arg12[%get3A_159] {strides = array<i32>} : memref<4096xf32, #tpu.memory_space<vmem>>, vector<16xf32>,
        %get3A_161 = vector.shape_cast %get3A_160 : vector<16xf32> to vector<16xf32>
        %add3A_162 = arith.constant 2048 : i32
        %add3A_163 = arith.addi %add3A_162, %mul3A_78 : i32
        %get3A_164 = arith.index_cast %add3A_163 : i32 to index
        %get3A_165 = tpu.vector_load %arg13[%get3A_164] {strides = array<i32>} : memref<4096xf32, #tpu.memory_space<vmem>>, vector<16xf32>,
        %get3A_166 = vector.shape_cast %get3A_165 : vector<16xf32> to vector<16xf32>
        %add3A_167 = arith.constant 2048 : i32
        %add3A_168 = arith.addi %add3A_167, %mul3A_78 : i32
        %get3A_169 = arith.index_cast %add3A_168 : i32 to index
        %get3A_170 = tpu.vector_load %arg14[%get3A_169] {strides = array<i32>} : memref<4096xf32, #tpu.memory_space<vmem>>, vector<16xf32>,
        %get3A_171 = vector.shape_cast %get3A_170 : vector<16xf32> to vector<16xf32>
        %mul3A_172 = arith.mulf %get3A_161, %get3A_166 : vector<16xf32>
        %add3A_173 = arith.addf %add3A_154, %mul3A_172 : vector<16xf32>
        %mul3A_174 = arith.mulf %get3A_161, %get3A_171 : vector<16xf32>
        %add3A_175 = arith.addf %add3A_156, %mul3A_174 : vector<16xf32>
        %add3A_176 = arith.constant 2560 : i32
        %add3A_177 = arith.addi %add3A_176, %mul3A_78 : i32
        %get3A_178 = arith.index_cast %add3A_177 : i32 to index
        %get3A_179 = tpu.vector_load %arg12[%get3A_178] {strides = array<i32>} : memref<4096xf32, #tpu.memory_space<vmem>>, vector<16xf32>,
        %get3A_180 = vector.shape_cast %get3A_179 : vector<16xf32> to vector<16xf32>
        %add3A_181 = arith.constant 2560 : i32
        %add3A_182 = arith.addi %add3A_181, %mul3A_78 : i32
        %get3A_183 = arith.index_cast %add3A_182 : i32 to index
        %get3A_184 = tpu.vector_load %arg13[%get3A_183] {strides = array<i32>} : memref<4096xf32, #tpu.memory_space<vmem>>, vector<16xf32>,
        %get3A_185 = vector.shape_cast %get3A_184 : vector<16xf32> to vector<16xf32>
        %add3A_186 = arith.constant 2560 : i32
        %add3A_187 = arith.addi %add3A_186, %mul3A_78 : i32
        %get3A_188 = arith.index_cast %add3A_187 : i32 to index
        %get3A_189 = tpu.vector_load %arg14[%get3A_188] {strides = array<i32>} : memref<4096xf32, #tpu.memory_space<vmem>>, vector<16xf32>,
        %get3A_190 = vector.shape_cast %get3A_189 : vector<16xf32> to vector<16xf32>
        %mul3A_191 = arith.mulf %get3A_180, %get3A_185 : vector<16xf32>
        %add3A_192 = arith.addf %add3A_173, %mul3A_191 : vector<16xf32>
        %mul3A_193 = arith.mulf %get3A_180, %get3A_190 : vector<16xf32>
        %add3A_194 = arith.addf %add3A_175, %mul3A_193 : vector<16xf32>
        %add3A_195 = arith.constant 3072 : i32
        %add3A_196 = arith.addi %add3A_195, %mul3A_78 : i32
        %get3A_197 = arith.index_cast %add3A_196 : i32 to index
        %get3A_198 = tpu.vector_load %arg12[%get3A_197] {strides = array<i32>} : memref<4096xf32, #tpu.memory_space<vmem>>, vector<16xf32>,
        %get3A_199 = vector.shape_cast %get3A_198 : vector<16xf32> to vector<16xf32>
        %add3A_200 = arith.constant 3072 : i32
        %add3A_201 = arith.addi %add3A_200, %mul3A_78 : i32
        %get3A_202 = arith.index_cast %add3A_201 : i32 to index
        %get3A_203 = tpu.vector_load %arg13[%get3A_202] {strides = array<i32>} : memref<4096xf32, #tpu.memory_space<vmem>>, vector<16xf32>,
        %get3A_204 = vector.shape_cast %get3A_203 : vector<16xf32> to vector<16xf32>
        %add3A_205 = arith.constant 3072 : i32
        %add3A_206 = arith.addi %add3A_205, %mul3A_78 : i32
        %get3A_207 = arith.index_cast %add3A_206 : i32 to index
        %get3A_208 = tpu.vector_load %arg14[%get3A_207] {strides = array<i32>} : memref<4096xf32, #tpu.memory_space<vmem>>, vector<16xf32>,
        %get3A_209 = vector.shape_cast %get3A_208 : vector<16xf32> to vector<16xf32>
        %mul3A_210 = arith.mulf %get3A_199, %get3A_204 : vector<16xf32>
        %add3A_211 = arith.addf %add3A_192, %mul3A_210 : vector<16xf32>
        %mul3A_212 = arith.mulf %get3A_199, %get3A_209 : vector<16xf32>
        %add3A_213 = arith.addf %add3A_194, %mul3A_212 : vector<16xf32>
        %add3A_214 = arith.constant 3584 : i32
        %add3A_215 = arith.addi %add3A_214, %mul3A_78 : i32
        %get3A_216 = arith.index_cast %add3A_215 : i32 to index
        %get3A_217 = tpu.vector_load %arg12[%get3A_216] {strides = array<i32>} : memref<4096xf32, #tpu.memory_space<vmem>>, vector<16xf32>,
        %get3A_218 = vector.shape_cast %get3A_217 : vector<16xf32> to vector<16xf32>
        %add3A_219 = arith.constant 3584 : i32
        %add3A_220 = arith.addi %add3A_219, %mul3A_78 : i32
        %get3A_221 = arith.index_cast %add3A_220 : i32 to index
        %get3A_222 = tpu.vector_load %arg13[%get3A_221] {strides = array<i32>} : memref<4096xf32, #tpu.memory_space<vmem>>, vector<16xf32>,
        %get3A_223 = vector.shape_cast %get3A_222 : vector<16xf32> to vector<16xf32>
        %add3A_224 = arith.constant 3584 : i32
        %add3A_225 = arith.addi %add3A_224, %mul3A_78 : i32
        %get3A_226 = arith.index_cast %add3A_225 : i32 to index
        %get3A_227 = tpu.vector_load %arg14[%get3A_226] {strides = array<i32>} : memref<4096xf32, #tpu.memory_space<vmem>>, vector<16xf32>,
        %get3A_228 = vector.shape_cast %get3A_227 : vector<16xf32> to vector<16xf32>
        %mul3A_229 = arith.mulf %get3A_218, %get3A_223 : vector<16xf32>
        %add3A_230 = arith.addf %add3A_211, %mul3A_229 : vector<16xf32>
        %mul3A_231 = arith.mulf %get3A_218, %get3A_228 : vector<16xf32>
        %add3A_232 = arith.addf %add3A_213, %mul3A_231 : vector<16xf32>
        %swap3A = arith.constant 0 : i32
        %swap3A_233 = arith.index_cast %swap3A : i32 to index
        %swap3A_234 = arith.index_cast %mul3A_78 : i32 to index
        %swap3A_235 = tpu.vector_load %arg15[%swap3A_233, %swap3A_234] {strides = array<i32>} : memref<2x512xf32, #tpu.memory_space<vmem>>, vector<1x16xf32>,
        %swap3A_236 = vector.shape_cast %swap3A_235 : vector<1x16xf32> to vector<16xf32>
        %swap3A_237 = vector.shape_cast %add3A_230 : vector<16xf32> to vector<1x16xf32>
        tpu.vector_store %arg15[%swap3A_233, %swap3A_234], %swap3A_237 {strides = array<i32>} : memref<2x512xf32, #tpu.memory_space<vmem>>, vector<1x16xf32>,
        %swap3A_238 = arith.constant 1 : i32
        %swap3A_239 = arith.index_cast %swap3A_238 : i32 to index
        %swap3A_240 = arith.index_cast %mul3A_78 : i32 to index
        %swap3A_241 = tpu.vector_load %arg15[%swap3A_239, %swap3A_240] {strides = array<i32>} : memref<2x512xf32, #tpu.memory_space<vmem>>, vector<1x16xf32>,
        %swap3A_242 = vector.shape_cast %swap3A_241 : vector<1x16xf32> to vector<16xf32>
        %swap3A_243 = vector.shape_cast %add3A_232 : vector<16xf32> to vector<1x16xf32>
        tpu.vector_store %arg15[%swap3A_239, %swap3A_240], %swap3A_243 {strides = array<i32>} : memref<2x512xf32, #tpu.memory_space<vmem>>, vector<1x16xf32>,
      }
      %scan3A_49 = arith.constant 32 : i32
      "tpu.region"() ({
        %run_scoped3A = tpu.sem_alloc : memref<!tpu.dma_semaphore, #tpu.memory_space<semaphore_mem>>
        %dma_start3A_76 = arith.constant 2 : i32
        %dma_start3A_77 = tpu.memref_slice %arg7[%dma_start3A_76, %add3A_11] : memref<32x262144xf32, #tpu.memory_space<hbm>> -> memref<2x512xf32, #tpu.memory_space<hbm>>
        %dma_start3A_78 = arith.constant 2 : i32
        %dma_start3A_79 = tpu.memref_slice %arg7[%dma_start3A_78, %add3A_11] : memref<32x262144xf32, #tpu.memory_space<hbm>> -> memref<2x512xf32, #tpu.memory_space<hbm>>
        tpu.enqueue_dma source(%arg15 : memref<2x512xf32, #tpu.memory_space<vmem>>) target(%dma_start3A_79 : memref<2x512xf32, #tpu.memory_space<hbm>>) target_semaphore(%run_scoped3A : memref<!tpu.dma_semaphore, #tpu.memory_space<semaphore_mem>>)
        %dma_wait3A_80 = arith.constant 2 : i32
        %dma_wait3A_81 = tpu.memref_slice %arg7[%dma_wait3A_80, %add3A_11] : memref<32x262144xf32, #tpu.memory_space<hbm>> -> memref<2x512xf32, #tpu.memory_space<hbm>>
        %dma_wait3A_82 = arith.constant 2 : i32
        %dma_wait3A_83 = tpu.memref_slice %arg7[%dma_wait3A_82, %add3A_11] : memref<32x262144xf32, #tpu.memory_space<hbm>> -> memref<2x512xf32, #tpu.memory_space<hbm>>
        tpu.wait_dma2 semaphore(%run_scoped3A : memref<!tpu.dma_semaphore, #tpu.memory_space<semaphore_mem>>) src(%arg15 : memref<2x512xf32, #tpu.memory_space<vmem>>) dst(%dma_wait3A_83 : memref<2x512xf32, #tpu.memory_space<hbm>>)
        tpu.yield
      }) : () -> ()
      %scan3A_50 = arith.constant 0 : i32
      %scan3A_51 = arith.constant 0 : i32
      %scan3A_52 = arith.constant 32 : i32
      %scan3A_53 = arith.addi %scan3A_51, %scan3A_52 : i32
      %scan3A_54 = arith.constant 1 : i32
      scf.for %scan3A_76 = %scan3A_51 to %scan3A_53 step %scan3A_54  : i32 {
        %mul3A_77 = arith.constant 16 : i32
        %mul3A_78 = arith.muli %scan3A_76, %mul3A_77 : i32
        %get3A = arith.index_cast %mul3A_78 : i32 to index
        %get3A_79 = tpu.vector_load %arg8[%get3A] {strides = array<i32>} : memref<512xf32, #tpu.memory_space<vmem>>, vector<16xf32>,
        %get3A_80 = vector.shape_cast %get3A_79 : vector<16xf32> to vector<16xf32>
        %get3A_81 = arith.index_cast %mul3A_78 : i32 to index
        %get3A_82 = tpu.vector_load %arg9[%get3A_81] {strides = array<i32>} : memref<512xf32, #tpu.memory_space<vmem>>, vector<16xf32>,
        %get3A_83 = vector.shape_cast %get3A_82 : vector<16xf32> to vector<16xf32>
        %get3A_84 = arith.index_cast %mul3A_78 : i32 to index
        %get3A_85 = tpu.vector_load %arg10[%get3A_84] {strides = array<i32>} : memref<512xf32, #tpu.memory_space<vmem>>, vector<16xf32>,
        %get3A_86 = vector.shape_cast %get3A_85 : vector<16xf32> to vector<16xf32>
        %mul3A_87 = arith.constant 6.300000e+01 : f32
        %mul3A_88 = vector.broadcast %mul3A_87 : f32 to vector<16xf32>
        %mul3A_89 = arith.mulf %get3A_80, %mul3A_88 : vector<16xf32>
        %add3A_90 = arith.constant 5.000000e-01 : f32
        %add3A_91 = vector.broadcast %add3A_90 : f32 to vector<16xf32>
        %add3A_92 = arith.addf %mul3A_89, %add3A_91 : vector<16xf32>
        %mul3A_93 = arith.constant 6.300000e+01 : f32
        %mul3A_94 = vector.broadcast %mul3A_93 : f32 to vector<16xf32>
        %mul3A_95 = arith.mulf %get3A_83, %mul3A_94 : vector<16xf32>
        %add3A_96 = arith.constant 5.000000e-01 : f32
        %add3A_97 = vector.broadcast %add3A_96 : f32 to vector<16xf32>
        %add3A_98 = arith.addf %mul3A_95, %add3A_97 : vector<16xf32>
        %mul3A_99 = arith.constant 6.300000e+01 : f32
        %mul3A_100 = vector.broadcast %mul3A_99 : f32 to vector<16xf32>
        %mul3A_101 = arith.mulf %get3A_86, %mul3A_100 : vector<16xf32>
        %add3A_102 = arith.constant 5.000000e-01 : f32
        %add3A_103 = vector.broadcast %add3A_102 : f32 to vector<16xf32>
        %add3A_104 = arith.addf %mul3A_101, %add3A_103 : vector<16xf32>
        %convert_element_type3A = arith.fptosi %add3A_92 : vector<16xf32> to vector<16xi32>
        %convert_element_type3A_105 = arith.fptosi %add3A_98 : vector<16xf32> to vector<16xi32>
        %convert_element_type3A_106 = arith.fptosi %add3A_104 : vector<16xf32> to vector<16xi32>
        %convert_element_type3A_107 = arith.sitofp %convert_element_type3A : vector<16xi32> to vector<16xf32>
        %sub3A = arith.subf %add3A_92, %convert_element_type3A_107 : vector<16xf32>
        %convert_element_type3A_108 = arith.sitofp %convert_element_type3A_105 : vector<16xi32> to vector<16xf32>
        %sub3A_109 = arith.subf %add3A_98, %convert_element_type3A_108 : vector<16xf32>
        %convert_element_type3A_110 = arith.sitofp %convert_element_type3A_106 : vector<16xi32> to vector<16xf32>
        %sub3A_111 = arith.subf %add3A_104, %convert_element_type3A_110 : vector<16xf32>
        %add3A_112 = arith.constant 1 : i32
        %add3A_113 = vector.broadcast %add3A_112 : i32 to vector<16xi32>
        %add3A_114 = arith.addi %convert_element_type3A, %add3A_113 : vector<16xi32>
        %mul3A_115 = arith.constant 64 : i32
        %mul3A_116 = vector.broadcast %mul3A_115 : i32 to vector<16xi32>
        %mul3A_117 = arith.muli %convert_element_type3A_105, %mul3A_116 : vector<16xi32>
        %add3A_118 = arith.constant 64 : i32
        %add3A_119 = vector.broadcast %add3A_118 : i32 to vector<16xi32>
        %add3A_120 = arith.addi %mul3A_117, %add3A_119 : vector<16xi32>
        %mul3A_121 = arith.constant 4096 : i32
        %mul3A_122 = vector.broadcast %mul3A_121 : i32 to vector<16xi32>
        %mul3A_123 = arith.muli %convert_element_type3A_106, %mul3A_122 : vector<16xi32>
        %add3A_124 = arith.constant 4096 : i32
        %add3A_125 = vector.broadcast %add3A_124 : i32 to vector<16xi32>
        %add3A_126 = arith.addi %mul3A_123, %add3A_125 : vector<16xi32>
        %sub3A_127 = arith.constant 1.000000e+00 : f32
        %sub3A_128 = vector.broadcast %sub3A_127 : f32 to vector<16xf32>
        %sub3A_129 = arith.subf %sub3A_128, %sub3A : vector<16xf32>
        %sub3A_130 = arith.constant 1.000000e+00 : f32
        %sub3A_131 = vector.broadcast %sub3A_130 : f32 to vector<16xf32>
        %sub3A_132 = arith.subf %sub3A_131, %sub3A_109 : vector<16xf32>
        %sub3A_133 = arith.constant 1.000000e+00 : f32
        %sub3A_134 = vector.broadcast %sub3A_133 : f32 to vector<16xf32>
        %sub3A_135 = arith.subf %sub3A_134, %sub3A_111 : vector<16xf32>
        %add3A_136 = arith.addi %convert_element_type3A, %mul3A_117 : vector<16xi32>
        %add3A_137 = arith.addi %add3A_136, %mul3A_123 : vector<16xi32>
        %and3A = arith.constant 262143 : i32
        %and3A_138 = vector.broadcast %and3A : i32 to vector<16xi32>
        %and3A_139 = arith.andi %add3A_137, %and3A_138 : vector<16xi32>
        %add3A_140 = arith.constant 36864 : i32
        %add3A_141 = vector.broadcast %add3A_140 : i32 to vector<16xi32>
        %add3A_142 = arith.addi %and3A_139, %add3A_141 : vector<16xi32>
        %mul3A_143 = arith.mulf %sub3A_129, %sub3A_132 : vector<16xf32>
        %mul3A_144 = arith.mulf %mul3A_143, %sub3A_135 : vector<16xf32>
        %add3A_145 = arith.constant 0 : i32
        %add3A_146 = arith.addi %add3A_145, %mul3A_78 : i32
        %swap3A = arith.index_cast %add3A_146 : i32 to index
        %swap3A_147 = tpu.vector_load %arg11[%swap3A] {strides = array<i32>} : memref<4096xi32, #tpu.memory_space<vmem>>, vector<16xi32>,
        %swap3A_148 = vector.shape_cast %swap3A_147 : vector<16xi32> to vector<16xi32>
        %swap3A_149 = vector.shape_cast %add3A_142 : vector<16xi32> to vector<16xi32>
        tpu.vector_store %arg11[%swap3A], %swap3A_149 {strides = array<i32>} : memref<4096xi32, #tpu.memory_space<vmem>>, vector<16xi32>,
        %add3A_150 = arith.constant 0 : i32
        %add3A_151 = arith.addi %add3A_150, %mul3A_78 : i32
        %swap3A_152 = arith.index_cast %add3A_151 : i32 to index
        %swap3A_153 = tpu.vector_load %arg12[%swap3A_152] {strides = array<i32>} : memref<4096xf32, #tpu.memory_space<vmem>>, vector<16xf32>,
        %swap3A_154 = vector.shape_cast %swap3A_153 : vector<16xf32> to vector<16xf32>
        %swap3A_155 = vector.shape_cast %mul3A_144 : vector<16xf32> to vector<16xf32>
        tpu.vector_store %arg12[%swap3A_152], %swap3A_155 {strides = array<i32>} : memref<4096xf32, #tpu.memory_space<vmem>>, vector<16xf32>,
        %add3A_156 = arith.addi %add3A_114, %mul3A_117 : vector<16xi32>
        %add3A_157 = arith.addi %add3A_156, %mul3A_123 : vector<16xi32>
        %and3A_158 = arith.constant 262143 : i32
        %and3A_159 = vector.broadcast %and3A_158 : i32 to vector<16xi32>
        %and3A_160 = arith.andi %add3A_157, %and3A_159 : vector<16xi32>
        %add3A_161 = arith.constant 36864 : i32
        %add3A_162 = vector.broadcast %add3A_161 : i32 to vector<16xi32>
        %add3A_163 = arith.addi %and3A_160, %add3A_162 : vector<16xi32>
        %mul3A_164 = arith.mulf %sub3A, %sub3A_132 : vector<16xf32>
        %mul3A_165 = arith.mulf %mul3A_164, %sub3A_135 : vector<16xf32>
        %add3A_166 = arith.constant 512 : i32
        %add3A_167 = arith.addi %add3A_166, %mul3A_78 : i32
        %swap3A_168 = arith.index_cast %add3A_167 : i32 to index
        %swap3A_169 = tpu.vector_load %arg11[%swap3A_168] {strides = array<i32>} : memref<4096xi32, #tpu.memory_space<vmem>>, vector<16xi32>,
        %swap3A_170 = vector.shape_cast %swap3A_169 : vector<16xi32> to vector<16xi32>
        %swap3A_171 = vector.shape_cast %add3A_163 : vector<16xi32> to vector<16xi32>
        tpu.vector_store %arg11[%swap3A_168], %swap3A_171 {strides = array<i32>} : memref<4096xi32, #tpu.memory_space<vmem>>, vector<16xi32>,
        %add3A_172 = arith.constant 512 : i32
        %add3A_173 = arith.addi %add3A_172, %mul3A_78 : i32
        %swap3A_174 = arith.index_cast %add3A_173 : i32 to index
        %swap3A_175 = tpu.vector_load %arg12[%swap3A_174] {strides = array<i32>} : memref<4096xf32, #tpu.memory_space<vmem>>, vector<16xf32>,
        %swap3A_176 = vector.shape_cast %swap3A_175 : vector<16xf32> to vector<16xf32>
        %swap3A_177 = vector.shape_cast %mul3A_165 : vector<16xf32> to vector<16xf32>
        tpu.vector_store %arg12[%swap3A_174], %swap3A_177 {strides = array<i32>} : memref<4096xf32, #tpu.memory_space<vmem>>, vector<16xf32>,
        %add3A_178 = arith.addi %convert_element_type3A, %add3A_120 : vector<16xi32>
        %add3A_179 = arith.addi %add3A_178, %mul3A_123 : vector<16xi32>
        %and3A_180 = arith.constant 262143 : i32
        %and3A_181 = vector.broadcast %and3A_180 : i32 to vector<16xi32>
        %and3A_182 = arith.andi %add3A_179, %and3A_181 : vector<16xi32>
        %add3A_183 = arith.constant 36864 : i32
        %add3A_184 = vector.broadcast %add3A_183 : i32 to vector<16xi32>
        %add3A_185 = arith.addi %and3A_182, %add3A_184 : vector<16xi32>
        %mul3A_186 = arith.mulf %sub3A_129, %sub3A_109 : vector<16xf32>
        %mul3A_187 = arith.mulf %mul3A_186, %sub3A_135 : vector<16xf32>
        %add3A_188 = arith.constant 1024 : i32
        %add3A_189 = arith.addi %add3A_188, %mul3A_78 : i32
        %swap3A_190 = arith.index_cast %add3A_189 : i32 to index
        %swap3A_191 = tpu.vector_load %arg11[%swap3A_190] {strides = array<i32>} : memref<4096xi32, #tpu.memory_space<vmem>>, vector<16xi32>,
        %swap3A_192 = vector.shape_cast %swap3A_191 : vector<16xi32> to vector<16xi32>
        %swap3A_193 = vector.shape_cast %add3A_185 : vector<16xi32> to vector<16xi32>
        tpu.vector_store %arg11[%swap3A_190], %swap3A_193 {strides = array<i32>} : memref<4096xi32, #tpu.memory_space<vmem>>, vector<16xi32>,
        %add3A_194 = arith.constant 1024 : i32
        %add3A_195 = arith.addi %add3A_194, %mul3A_78 : i32
        %swap3A_196 = arith.index_cast %add3A_195 : i32 to index
        %swap3A_197 = tpu.vector_load %arg12[%swap3A_196] {strides = array<i32>} : memref<4096xf32, #tpu.memory_space<vmem>>, vector<16xf32>,
        %swap3A_198 = vector.shape_cast %swap3A_197 : vector<16xf32> to vector<16xf32>
        %swap3A_199 = vector.shape_cast %mul3A_187 : vector<16xf32> to vector<16xf32>
        tpu.vector_store %arg12[%swap3A_196], %swap3A_199 {strides = array<i32>} : memref<4096xf32, #tpu.memory_space<vmem>>, vector<16xf32>,
        %add3A_200 = arith.addi %add3A_114, %add3A_120 : vector<16xi32>
        %add3A_201 = arith.addi %add3A_200, %mul3A_123 : vector<16xi32>
        %and3A_202 = arith.constant 262143 : i32
        %and3A_203 = vector.broadcast %and3A_202 : i32 to vector<16xi32>
        %and3A_204 = arith.andi %add3A_201, %and3A_203 : vector<16xi32>
        %add3A_205 = arith.constant 36864 : i32
        %add3A_206 = vector.broadcast %add3A_205 : i32 to vector<16xi32>
        %add3A_207 = arith.addi %and3A_204, %add3A_206 : vector<16xi32>
        %mul3A_208 = arith.mulf %sub3A, %sub3A_109 : vector<16xf32>
        %mul3A_209 = arith.mulf %mul3A_208, %sub3A_135 : vector<16xf32>
        %add3A_210 = arith.constant 1536 : i32
        %add3A_211 = arith.addi %add3A_210, %mul3A_78 : i32
        %swap3A_212 = arith.index_cast %add3A_211 : i32 to index
        %swap3A_213 = tpu.vector_load %arg11[%swap3A_212] {strides = array<i32>} : memref<4096xi32, #tpu.memory_space<vmem>>, vector<16xi32>,
        %swap3A_214 = vector.shape_cast %swap3A_213 : vector<16xi32> to vector<16xi32>
        %swap3A_215 = vector.shape_cast %add3A_207 : vector<16xi32> to vector<16xi32>
        tpu.vector_store %arg11[%swap3A_212], %swap3A_215 {strides = array<i32>} : memref<4096xi32, #tpu.memory_space<vmem>>, vector<16xi32>,
        %add3A_216 = arith.constant 1536 : i32
        %add3A_217 = arith.addi %add3A_216, %mul3A_78 : i32
        %swap3A_218 = arith.index_cast %add3A_217 : i32 to index
        %swap3A_219 = tpu.vector_load %arg12[%swap3A_218] {strides = array<i32>} : memref<4096xf32, #tpu.memory_space<vmem>>, vector<16xf32>,
        %swap3A_220 = vector.shape_cast %swap3A_219 : vector<16xf32> to vector<16xf32>
        %swap3A_221 = vector.shape_cast %mul3A_209 : vector<16xf32> to vector<16xf32>
        tpu.vector_store %arg12[%swap3A_218], %swap3A_221 {strides = array<i32>} : memref<4096xf32, #tpu.memory_space<vmem>>, vector<16xf32>,
        %add3A_222 = arith.addi %convert_element_type3A, %mul3A_117 : vector<16xi32>
        %add3A_223 = arith.addi %add3A_222, %add3A_126 : vector<16xi32>
        %and3A_224 = arith.constant 262143 : i32
        %and3A_225 = vector.broadcast %and3A_224 : i32 to vector<16xi32>
        %and3A_226 = arith.andi %add3A_223, %and3A_225 : vector<16xi32>
        %add3A_227 = arith.constant 36864 : i32
        %add3A_228 = vector.broadcast %add3A_227 : i32 to vector<16xi32>
        %add3A_229 = arith.addi %and3A_226, %add3A_228 : vector<16xi32>
        %mul3A_230 = arith.mulf %sub3A_129, %sub3A_132 : vector<16xf32>
        %mul3A_231 = arith.mulf %mul3A_230, %sub3A_111 : vector<16xf32>
        %add3A_232 = arith.constant 2048 : i32
        %add3A_233 = arith.addi %add3A_232, %mul3A_78 : i32
        %swap3A_234 = arith.index_cast %add3A_233 : i32 to index
        %swap3A_235 = tpu.vector_load %arg11[%swap3A_234] {strides = array<i32>} : memref<4096xi32, #tpu.memory_space<vmem>>, vector<16xi32>,
        %swap3A_236 = vector.shape_cast %swap3A_235 : vector<16xi32> to vector<16xi32>
        %swap3A_237 = vector.shape_cast %add3A_229 : vector<16xi32> to vector<16xi32>
        tpu.vector_store %arg11[%swap3A_234], %swap3A_237 {strides = array<i32>} : memref<4096xi32, #tpu.memory_space<vmem>>, vector<16xi32>,
        %add3A_238 = arith.constant 2048 : i32
        %add3A_239 = arith.addi %add3A_238, %mul3A_78 : i32
        %swap3A_240 = arith.index_cast %add3A_239 : i32 to index
        %swap3A_241 = tpu.vector_load %arg12[%swap3A_240] {strides = array<i32>} : memref<4096xf32, #tpu.memory_space<vmem>>, vector<16xf32>,
        %swap3A_242 = vector.shape_cast %swap3A_241 : vector<16xf32> to vector<16xf32>
        %swap3A_243 = vector.shape_cast %mul3A_231 : vector<16xf32> to vector<16xf32>
        tpu.vector_store %arg12[%swap3A_240], %swap3A_243 {strides = array<i32>} : memref<4096xf32, #tpu.memory_space<vmem>>, vector<16xf32>,
        %add3A_244 = arith.addi %add3A_114, %mul3A_117 : vector<16xi32>
        %add3A_245 = arith.addi %add3A_244, %add3A_126 : vector<16xi32>
        %and3A_246 = arith.constant 262143 : i32
        %and3A_247 = vector.broadcast %and3A_246 : i32 to vector<16xi32>
        %and3A_248 = arith.andi %add3A_245, %and3A_247 : vector<16xi32>
        %add3A_249 = arith.constant 36864 : i32
        %add3A_250 = vector.broadcast %add3A_249 : i32 to vector<16xi32>
        %add3A_251 = arith.addi %and3A_248, %add3A_250 : vector<16xi32>
        %mul3A_252 = arith.mulf %sub3A, %sub3A_132 : vector<16xf32>
        %mul3A_253 = arith.mulf %mul3A_252, %sub3A_111 : vector<16xf32>
        %add3A_254 = arith.constant 2560 : i32
        %add3A_255 = arith.addi %add3A_254, %mul3A_78 : i32
        %swap3A_256 = arith.index_cast %add3A_255 : i32 to index
        %swap3A_257 = tpu.vector_load %arg11[%swap3A_256] {strides = array<i32>} : memref<4096xi32, #tpu.memory_space<vmem>>, vector<16xi32>,
        %swap3A_258 = vector.shape_cast %swap3A_257 : vector<16xi32> to vector<16xi32>
        %swap3A_259 = vector.shape_cast %add3A_251 : vector<16xi32> to vector<16xi32>
        tpu.vector_store %arg11[%swap3A_256], %swap3A_259 {strides = array<i32>} : memref<4096xi32, #tpu.memory_space<vmem>>, vector<16xi32>,
        %add3A_260 = arith.constant 2560 : i32
        %add3A_261 = arith.addi %add3A_260, %mul3A_78 : i32
        %swap3A_262 = arith.index_cast %add3A_261 : i32 to index
        %swap3A_263 = tpu.vector_load %arg12[%swap3A_262] {strides = array<i32>} : memref<4096xf32, #tpu.memory_space<vmem>>, vector<16xf32>,
        %swap3A_264 = vector.shape_cast %swap3A_263 : vector<16xf32> to vector<16xf32>
        %swap3A_265 = vector.shape_cast %mul3A_253 : vector<16xf32> to vector<16xf32>
        tpu.vector_store %arg12[%swap3A_262], %swap3A_265 {strides = array<i32>} : memref<4096xf32, #tpu.memory_space<vmem>>, vector<16xf32>,
        %add3A_266 = arith.addi %convert_element_type3A, %add3A_120 : vector<16xi32>
        %add3A_267 = arith.addi %add3A_266, %add3A_126 : vector<16xi32>
        %and3A_268 = arith.constant 262143 : i32
        %and3A_269 = vector.broadcast %and3A_268 : i32 to vector<16xi32>
        %and3A_270 = arith.andi %add3A_267, %and3A_269 : vector<16xi32>
        %add3A_271 = arith.constant 36864 : i32
        %add3A_272 = vector.broadcast %add3A_271 : i32 to vector<16xi32>
        %add3A_273 = arith.addi %and3A_270, %add3A_272 : vector<16xi32>
        %mul3A_274 = arith.mulf %sub3A_129, %sub3A_109 : vector<16xf32>
        %mul3A_275 = arith.mulf %mul3A_274, %sub3A_111 : vector<16xf32>
        %add3A_276 = arith.constant 3072 : i32
        %add3A_277 = arith.addi %add3A_276, %mul3A_78 : i32
        %swap3A_278 = arith.index_cast %add3A_277 : i32 to index
        %swap3A_279 = tpu.vector_load %arg11[%swap3A_278] {strides = array<i32>} : memref<4096xi32, #tpu.memory_space<vmem>>, vector<16xi32>,
        %swap3A_280 = vector.shape_cast %swap3A_279 : vector<16xi32> to vector<16xi32>
        %swap3A_281 = vector.shape_cast %add3A_273 : vector<16xi32> to vector<16xi32>
        tpu.vector_store %arg11[%swap3A_278], %swap3A_281 {strides = array<i32>} : memref<4096xi32, #tpu.memory_space<vmem>>, vector<16xi32>,
        %add3A_282 = arith.constant 3072 : i32
        %add3A_283 = arith.addi %add3A_282, %mul3A_78 : i32
        %swap3A_284 = arith.index_cast %add3A_283 : i32 to index
        %swap3A_285 = tpu.vector_load %arg12[%swap3A_284] {strides = array<i32>} : memref<4096xf32, #tpu.memory_space<vmem>>, vector<16xf32>,
        %swap3A_286 = vector.shape_cast %swap3A_285 : vector<16xf32> to vector<16xf32>
        %swap3A_287 = vector.shape_cast %mul3A_275 : vector<16xf32> to vector<16xf32>
        tpu.vector_store %arg12[%swap3A_284], %swap3A_287 {strides = array<i32>} : memref<4096xf32, #tpu.memory_space<vmem>>, vector<16xf32>,
        %add3A_288 = arith.addi %add3A_114, %add3A_120 : vector<16xi32>
        %add3A_289 = arith.addi %add3A_288, %add3A_126 : vector<16xi32>
        %and3A_290 = arith.constant 262143 : i32
        %and3A_291 = vector.broadcast %and3A_290 : i32 to vector<16xi32>
        %and3A_292 = arith.andi %add3A_289, %and3A_291 : vector<16xi32>
        %add3A_293 = arith.constant 36864 : i32
        %add3A_294 = vector.broadcast %add3A_293 : i32 to vector<16xi32>
        %add3A_295 = arith.addi %and3A_292, %add3A_294 : vector<16xi32>
        %mul3A_296 = arith.mulf %sub3A, %sub3A_109 : vector<16xf32>
        %mul3A_297 = arith.mulf %mul3A_296, %sub3A_111 : vector<16xf32>
        %add3A_298 = arith.constant 3584 : i32
        %add3A_299 = arith.addi %add3A_298, %mul3A_78 : i32
        %swap3A_300 = arith.index_cast %add3A_299 : i32 to index
        %swap3A_301 = tpu.vector_load %arg11[%swap3A_300] {strides = array<i32>} : memref<4096xi32, #tpu.memory_space<vmem>>, vector<16xi32>,
        %swap3A_302 = vector.shape_cast %swap3A_301 : vector<16xi32> to vector<16xi32>
        %swap3A_303 = vector.shape_cast %add3A_295 : vector<16xi32> to vector<16xi32>
        tpu.vector_store %arg11[%swap3A_300], %swap3A_303 {strides = array<i32>} : memref<4096xi32, #tpu.memory_space<vmem>>, vector<16xi32>,
        %add3A_304 = arith.constant 3584 : i32
        %add3A_305 = arith.addi %add3A_304, %mul3A_78 : i32
        %swap3A_306 = arith.index_cast %add3A_305 : i32 to index
        %swap3A_307 = tpu.vector_load %arg12[%swap3A_306] {strides = array<i32>} : memref<4096xf32, #tpu.memory_space<vmem>>, vector<16xf32>,
        %swap3A_308 = vector.shape_cast %swap3A_307 : vector<16xf32> to vector<16xf32>
        %swap3A_309 = vector.shape_cast %mul3A_297 : vector<16xf32> to vector<16xf32>
        tpu.vector_store %arg12[%swap3A_306], %swap3A_309 {strides = array<i32>} : memref<4096xf32, #tpu.memory_space<vmem>>, vector<16xf32>,
      }
      %scan3A_55 = arith.constant 32 : i32
      %dma_start3A_56 = arith.constant 0 : i32
      %dma_start3A_57 = tpu.memref_slice %arg5[%dma_start3A_56] : memref<7114752xf32, #tpu.memory_space<hbm>> -> memref<7114752xf32, #tpu.memory_space<hbm>>
      tpu.enqueue_indirect_dma source(%dma_start3A_57 : memref<7114752xf32, #tpu.memory_space<hbm>>) target(%arg13 : memref<4096xf32, #tpu.memory_space<vmem>>) offsets(%arg11 : memref<4096xi32, #tpu.memory_space<vmem>>) semaphore(%arg16 : memref<!tpu.dma_semaphore, #tpu.memory_space<semaphore_mem>>)
      %dma_start3A_58 = arith.constant 0 : i32
      %dma_start3A_59 = tpu.memref_slice %arg6[%dma_start3A_58] : memref<7114752xf32, #tpu.memory_space<hbm>> -> memref<7114752xf32, #tpu.memory_space<hbm>>
      tpu.enqueue_indirect_dma source(%dma_start3A_59 : memref<7114752xf32, #tpu.memory_space<hbm>>) target(%arg14 : memref<4096xf32, #tpu.memory_space<vmem>>) offsets(%arg11 : memref<4096xi32, #tpu.memory_space<vmem>>) semaphore(%arg16 : memref<!tpu.dma_semaphore, #tpu.memory_space<semaphore_mem>>)
      %dma_wait3A_60 = arith.constant 0 : i32
      %dma_wait3A_61 = tpu.memref_slice %arg5[%dma_wait3A_60] : memref<7114752xf32, #tpu.memory_space<hbm>> -> memref<7114752xf32, #tpu.memory_space<hbm>>
      tpu.wait_indirect_dma semaphore(%arg16 : memref<!tpu.dma_semaphore, #tpu.memory_space<semaphore_mem>>) src(%dma_wait3A_61 : memref<7114752xf32, #tpu.memory_space<hbm>>) dst(%arg13 : memref<4096xf32, #tpu.memory_space<vmem>>)
      %dma_wait3A_62 = arith.constant 0 : i32
      %dma_wait3A_63 = tpu.memref_slice %arg6[%dma_wait3A_62] : memref<7114752xf32, #tpu.memory_space<hbm>> -> memref<7114752xf32, #tpu.memory_space<hbm>>
      tpu.wait_indirect_dma semaphore(%arg16 : memref<!tpu.dma_semaphore, #tpu.memory_space<semaphore_mem>>) src(%dma_wait3A_63 : memref<7114752xf32, #tpu.memory_space<hbm>>) dst(%arg14 : memref<4096xf32, #tpu.memory_space<vmem>>)
      %scan3A_64 = arith.constant 0 : i32
      %scan3A_65 = arith.constant 0 : i32
      %scan3A_66 = arith.constant 32 : i32
      %scan3A_67 = arith.addi %scan3A_65, %scan3A_66 : i32
      %scan3A_68 = arith.constant 1 : i32
      scf.for %scan3A_76 = %scan3A_65 to %scan3A_67 step %scan3A_68  : i32 {
        %mul3A_77 = arith.constant 16 : i32
        %mul3A_78 = arith.muli %scan3A_76, %mul3A_77 : i32
        %broadcast_in_dim3A = arith.constant 0.000000e+00 : f32
        %broadcast_in_dim3A_79 = vector.broadcast %broadcast_in_dim3A : f32 to vector<16xf32>
        %broadcast_in_dim3A_80 = arith.constant 0.000000e+00 : f32
        %broadcast_in_dim3A_81 = vector.broadcast %broadcast_in_dim3A_80 : f32 to vector<16xf32>
        %add3A_82 = arith.constant 0 : i32
        %add3A_83 = arith.addi %add3A_82, %mul3A_78 : i32
        %get3A = arith.index_cast %add3A_83 : i32 to index
        %get3A_84 = tpu.vector_load %arg12[%get3A] {strides = array<i32>} : memref<4096xf32, #tpu.memory_space<vmem>>, vector<16xf32>,
        %get3A_85 = vector.shape_cast %get3A_84 : vector<16xf32> to vector<16xf32>
        %add3A_86 = arith.constant 0 : i32
        %add3A_87 = arith.addi %add3A_86, %mul3A_78 : i32
        %get3A_88 = arith.index_cast %add3A_87 : i32 to index
        %get3A_89 = tpu.vector_load %arg13[%get3A_88] {strides = array<i32>} : memref<4096xf32, #tpu.memory_space<vmem>>, vector<16xf32>,
        %get3A_90 = vector.shape_cast %get3A_89 : vector<16xf32> to vector<16xf32>
        %add3A_91 = arith.constant 0 : i32
        %add3A_92 = arith.addi %add3A_91, %mul3A_78 : i32
        %get3A_93 = arith.index_cast %add3A_92 : i32 to index
        %get3A_94 = tpu.vector_load %arg14[%get3A_93] {strides = array<i32>} : memref<4096xf32, #tpu.memory_space<vmem>>, vector<16xf32>,
        %get3A_95 = vector.shape_cast %get3A_94 : vector<16xf32> to vector<16xf32>
        %mul3A_96 = arith.mulf %get3A_85, %get3A_90 : vector<16xf32>
        %add3A_97 = arith.addf %broadcast_in_dim3A_79, %mul3A_96 : vector<16xf32>
        %mul3A_98 = arith.mulf %get3A_85, %get3A_95 : vector<16xf32>
        %add3A_99 = arith.addf %broadcast_in_dim3A_81, %mul3A_98 : vector<16xf32>
        %add3A_100 = arith.constant 512 : i32
        %add3A_101 = arith.addi %add3A_100, %mul3A_78 : i32
        %get3A_102 = arith.index_cast %add3A_101 : i32 to index
        %get3A_103 = tpu.vector_load %arg12[%get3A_102] {strides = array<i32>} : memref<4096xf32, #tpu.memory_space<vmem>>, vector<16xf32>,
        %get3A_104 = vector.shape_cast %get3A_103 : vector<16xf32> to vector<16xf32>
        %add3A_105 = arith.constant 512 : i32
        %add3A_106 = arith.addi %add3A_105, %mul3A_78 : i32
        %get3A_107 = arith.index_cast %add3A_106 : i32 to index
        %get3A_108 = tpu.vector_load %arg13[%get3A_107] {strides = array<i32>} : memref<4096xf32, #tpu.memory_space<vmem>>, vector<16xf32>,
        %get3A_109 = vector.shape_cast %get3A_108 : vector<16xf32> to vector<16xf32>
        %add3A_110 = arith.constant 512 : i32
        %add3A_111 = arith.addi %add3A_110, %mul3A_78 : i32
        %get3A_112 = arith.index_cast %add3A_111 : i32 to index
        %get3A_113 = tpu.vector_load %arg14[%get3A_112] {strides = array<i32>} : memref<4096xf32, #tpu.memory_space<vmem>>, vector<16xf32>,
        %get3A_114 = vector.shape_cast %get3A_113 : vector<16xf32> to vector<16xf32>
        %mul3A_115 = arith.mulf %get3A_104, %get3A_109 : vector<16xf32>
        %add3A_116 = arith.addf %add3A_97, %mul3A_115 : vector<16xf32>
        %mul3A_117 = arith.mulf %get3A_104, %get3A_114 : vector<16xf32>
        %add3A_118 = arith.addf %add3A_99, %mul3A_117 : vector<16xf32>
        %add3A_119 = arith.constant 1024 : i32
        %add3A_120 = arith.addi %add3A_119, %mul3A_78 : i32
        %get3A_121 = arith.index_cast %add3A_120 : i32 to index
        %get3A_122 = tpu.vector_load %arg12[%get3A_121] {strides = array<i32>} : memref<4096xf32, #tpu.memory_space<vmem>>, vector<16xf32>,
        %get3A_123 = vector.shape_cast %get3A_122 : vector<16xf32> to vector<16xf32>
        %add3A_124 = arith.constant 1024 : i32
        %add3A_125 = arith.addi %add3A_124, %mul3A_78 : i32
        %get3A_126 = arith.index_cast %add3A_125 : i32 to index
        %get3A_127 = tpu.vector_load %arg13[%get3A_126] {strides = array<i32>} : memref<4096xf32, #tpu.memory_space<vmem>>, vector<16xf32>,
        %get3A_128 = vector.shape_cast %get3A_127 : vector<16xf32> to vector<16xf32>
        %add3A_129 = arith.constant 1024 : i32
        %add3A_130 = arith.addi %add3A_129, %mul3A_78 : i32
        %get3A_131 = arith.index_cast %add3A_130 : i32 to index
        %get3A_132 = tpu.vector_load %arg14[%get3A_131] {strides = array<i32>} : memref<4096xf32, #tpu.memory_space<vmem>>, vector<16xf32>,
        %get3A_133 = vector.shape_cast %get3A_132 : vector<16xf32> to vector<16xf32>
        %mul3A_134 = arith.mulf %get3A_123, %get3A_128 : vector<16xf32>
        %add3A_135 = arith.addf %add3A_116, %mul3A_134 : vector<16xf32>
        %mul3A_136 = arith.mulf %get3A_123, %get3A_133 : vector<16xf32>
        %add3A_137 = arith.addf %add3A_118, %mul3A_136 : vector<16xf32>
        %add3A_138 = arith.constant 1536 : i32
        %add3A_139 = arith.addi %add3A_138, %mul3A_78 : i32
        %get3A_140 = arith.index_cast %add3A_139 : i32 to index
        %get3A_141 = tpu.vector_load %arg12[%get3A_140] {strides = array<i32>} : memref<4096xf32, #tpu.memory_space<vmem>>, vector<16xf32>,
        %get3A_142 = vector.shape_cast %get3A_141 : vector<16xf32> to vector<16xf32>
        %add3A_143 = arith.constant 1536 : i32
        %add3A_144 = arith.addi %add3A_143, %mul3A_78 : i32
        %get3A_145 = arith.index_cast %add3A_144 : i32 to index
        %get3A_146 = tpu.vector_load %arg13[%get3A_145] {strides = array<i32>} : memref<4096xf32, #tpu.memory_space<vmem>>, vector<16xf32>,
        %get3A_147 = vector.shape_cast %get3A_146 : vector<16xf32> to vector<16xf32>
        %add3A_148 = arith.constant 1536 : i32
        %add3A_149 = arith.addi %add3A_148, %mul3A_78 : i32
        %get3A_150 = arith.index_cast %add3A_149 : i32 to index
        %get3A_151 = tpu.vector_load %arg14[%get3A_150] {strides = array<i32>} : memref<4096xf32, #tpu.memory_space<vmem>>, vector<16xf32>,
        %get3A_152 = vector.shape_cast %get3A_151 : vector<16xf32> to vector<16xf32>
        %mul3A_153 = arith.mulf %get3A_142, %get3A_147 : vector<16xf32>
        %add3A_154 = arith.addf %add3A_135, %mul3A_153 : vector<16xf32>
        %mul3A_155 = arith.mulf %get3A_142, %get3A_152 : vector<16xf32>
        %add3A_156 = arith.addf %add3A_137, %mul3A_155 : vector<16xf32>
        %add3A_157 = arith.constant 2048 : i32
        %add3A_158 = arith.addi %add3A_157, %mul3A_78 : i32
        %get3A_159 = arith.index_cast %add3A_158 : i32 to index
        %get3A_160 = tpu.vector_load %arg12[%get3A_159] {strides = array<i32>} : memref<4096xf32, #tpu.memory_space<vmem>>, vector<16xf32>,
        %get3A_161 = vector.shape_cast %get3A_160 : vector<16xf32> to vector<16xf32>
        %add3A_162 = arith.constant 2048 : i32
        %add3A_163 = arith.addi %add3A_162, %mul3A_78 : i32
        %get3A_164 = arith.index_cast %add3A_163 : i32 to index
        %get3A_165 = tpu.vector_load %arg13[%get3A_164] {strides = array<i32>} : memref<4096xf32, #tpu.memory_space<vmem>>, vector<16xf32>,
        %get3A_166 = vector.shape_cast %get3A_165 : vector<16xf32> to vector<16xf32>
        %add3A_167 = arith.constant 2048 : i32
        %add3A_168 = arith.addi %add3A_167, %mul3A_78 : i32
        %get3A_169 = arith.index_cast %add3A_168 : i32 to index
        %get3A_170 = tpu.vector_load %arg14[%get3A_169] {strides = array<i32>} : memref<4096xf32, #tpu.memory_space<vmem>>, vector<16xf32>,
        %get3A_171 = vector.shape_cast %get3A_170 : vector<16xf32> to vector<16xf32>
        %mul3A_172 = arith.mulf %get3A_161, %get3A_166 : vector<16xf32>
        %add3A_173 = arith.addf %add3A_154, %mul3A_172 : vector<16xf32>
        %mul3A_174 = arith.mulf %get3A_161, %get3A_171 : vector<16xf32>
        %add3A_175 = arith.addf %add3A_156, %mul3A_174 : vector<16xf32>
        %add3A_176 = arith.constant 2560 : i32
        %add3A_177 = arith.addi %add3A_176, %mul3A_78 : i32
        %get3A_178 = arith.index_cast %add3A_177 : i32 to index
        %get3A_179 = tpu.vector_load %arg12[%get3A_178] {strides = array<i32>} : memref<4096xf32, #tpu.memory_space<vmem>>, vector<16xf32>,
        %get3A_180 = vector.shape_cast %get3A_179 : vector<16xf32> to vector<16xf32>
        %add3A_181 = arith.constant 2560 : i32
        %add3A_182 = arith.addi %add3A_181, %mul3A_78 : i32
        %get3A_183 = arith.index_cast %add3A_182 : i32 to index
        %get3A_184 = tpu.vector_load %arg13[%get3A_183] {strides = array<i32>} : memref<4096xf32, #tpu.memory_space<vmem>>, vector<16xf32>,
        %get3A_185 = vector.shape_cast %get3A_184 : vector<16xf32> to vector<16xf32>
        %add3A_186 = arith.constant 2560 : i32
        %add3A_187 = arith.addi %add3A_186, %mul3A_78 : i32
        %get3A_188 = arith.index_cast %add3A_187 : i32 to index
        %get3A_189 = tpu.vector_load %arg14[%get3A_188] {strides = array<i32>} : memref<4096xf32, #tpu.memory_space<vmem>>, vector<16xf32>,
        %get3A_190 = vector.shape_cast %get3A_189 : vector<16xf32> to vector<16xf32>
        %mul3A_191 = arith.mulf %get3A_180, %get3A_185 : vector<16xf32>
        %add3A_192 = arith.addf %add3A_173, %mul3A_191 : vector<16xf32>
        %mul3A_193 = arith.mulf %get3A_180, %get3A_190 : vector<16xf32>
        %add3A_194 = arith.addf %add3A_175, %mul3A_193 : vector<16xf32>
        %add3A_195 = arith.constant 3072 : i32
        %add3A_196 = arith.addi %add3A_195, %mul3A_78 : i32
        %get3A_197 = arith.index_cast %add3A_196 : i32 to index
        %get3A_198 = tpu.vector_load %arg12[%get3A_197] {strides = array<i32>} : memref<4096xf32, #tpu.memory_space<vmem>>, vector<16xf32>,
        %get3A_199 = vector.shape_cast %get3A_198 : vector<16xf32> to vector<16xf32>
        %add3A_200 = arith.constant 3072 : i32
        %add3A_201 = arith.addi %add3A_200, %mul3A_78 : i32
        %get3A_202 = arith.index_cast %add3A_201 : i32 to index
        %get3A_203 = tpu.vector_load %arg13[%get3A_202] {strides = array<i32>} : memref<4096xf32, #tpu.memory_space<vmem>>, vector<16xf32>,
        %get3A_204 = vector.shape_cast %get3A_203 : vector<16xf32> to vector<16xf32>
        %add3A_205 = arith.constant 3072 : i32
        %add3A_206 = arith.addi %add3A_205, %mul3A_78 : i32
        %get3A_207 = arith.index_cast %add3A_206 : i32 to index
        %get3A_208 = tpu.vector_load %arg14[%get3A_207] {strides = array<i32>} : memref<4096xf32, #tpu.memory_space<vmem>>, vector<16xf32>,
        %get3A_209 = vector.shape_cast %get3A_208 : vector<16xf32> to vector<16xf32>
        %mul3A_210 = arith.mulf %get3A_199, %get3A_204 : vector<16xf32>
        %add3A_211 = arith.addf %add3A_192, %mul3A_210 : vector<16xf32>
        %mul3A_212 = arith.mulf %get3A_199, %get3A_209 : vector<16xf32>
        %add3A_213 = arith.addf %add3A_194, %mul3A_212 : vector<16xf32>
        %add3A_214 = arith.constant 3584 : i32
        %add3A_215 = arith.addi %add3A_214, %mul3A_78 : i32
        %get3A_216 = arith.index_cast %add3A_215 : i32 to index
        %get3A_217 = tpu.vector_load %arg12[%get3A_216] {strides = array<i32>} : memref<4096xf32, #tpu.memory_space<vmem>>, vector<16xf32>,
        %get3A_218 = vector.shape_cast %get3A_217 : vector<16xf32> to vector<16xf32>
        %add3A_219 = arith.constant 3584 : i32
        %add3A_220 = arith.addi %add3A_219, %mul3A_78 : i32
        %get3A_221 = arith.index_cast %add3A_220 : i32 to index
        %get3A_222 = tpu.vector_load %arg13[%get3A_221] {strides = array<i32>} : memref<4096xf32, #tpu.memory_space<vmem>>, vector<16xf32>,
        %get3A_223 = vector.shape_cast %get3A_222 : vector<16xf32> to vector<16xf32>
        %add3A_224 = arith.constant 3584 : i32
        %add3A_225 = arith.addi %add3A_224, %mul3A_78 : i32
        %get3A_226 = arith.index_cast %add3A_225 : i32 to index
        %get3A_227 = tpu.vector_load %arg14[%get3A_226] {strides = array<i32>} : memref<4096xf32, #tpu.memory_space<vmem>>, vector<16xf32>,
        %get3A_228 = vector.shape_cast %get3A_227 : vector<16xf32> to vector<16xf32>
        %mul3A_229 = arith.mulf %get3A_218, %get3A_223 : vector<16xf32>
        %add3A_230 = arith.addf %add3A_211, %mul3A_229 : vector<16xf32>
        %mul3A_231 = arith.mulf %get3A_218, %get3A_228 : vector<16xf32>
        %add3A_232 = arith.addf %add3A_213, %mul3A_231 : vector<16xf32>
        %swap3A = arith.constant 0 : i32
        %swap3A_233 = arith.index_cast %swap3A : i32 to index
        %swap3A_234 = arith.index_cast %mul3A_78 : i32 to index
        %swap3A_235 = tpu.vector_load %arg15[%swap3A_233, %swap3A_234] {strides = array<i32>} : memref<2x512xf32, #tpu.memory_space<vmem>>, vector<1x16xf32>,
        %swap3A_236 = vector.shape_cast %swap3A_235 : vector<1x16xf32> to vector<16xf32>
        %swap3A_237 = vector.shape_cast %add3A_230 : vector<16xf32> to vector<1x16xf32>
        tpu.vector_store %arg15[%swap3A_233, %swap3A_234], %swap3A_237 {strides = array<i32>} : memref<2x512xf32, #tpu.memory_space<vmem>>, vector<1x16xf32>,
        %swap3A_238 = arith.constant 1 : i32
        %swap3A_239 = arith.index_cast %swap3A_238 : i32 to index
        %swap3A_240 = arith.index_cast %mul3A_78 : i32 to index
        %swap3A_241 = tpu.vector_load %arg15[%swap3A_239, %swap3A_240] {strides = array<i32>} : memref<2x512xf32, #tpu.memory_space<vmem>>, vector<1x16xf32>,
        %swap3A_242 = vector.shape_cast %swap3A_241 : vector<1x16xf32> to vector<16xf32>
        %swap3A_243 = vector.shape_cast %add3A_232 : vector<16xf32> to vector<1x16xf32>
        tpu.vector_store %arg15[%swap3A_239, %swap3A_240], %swap3A_243 {strides = array<i32>} : memref<2x512xf32, #tpu.memory_space<vmem>>, vector<1x16xf32>,
      }
      %scan3A_69 = arith.constant 32 : i32
      "tpu.region"() ({
        %run_scoped3A = tpu.sem_alloc : memref<!tpu.dma_semaphore, #tpu.memory_space<semaphore_mem>>
        %dma_start3A_76 = arith.constant 4 : i32
        %dma_start3A_77 = tpu.memref_slice %arg7[%dma_start3A_76, %add3A_11] : memref<32x262144xf32, #tpu.memory_space<hbm>> -> memref<2x512xf32, #tpu.memory_space<hbm>>
        %dma_start3A_78 = arith.constant 4 : i32
        %dma_start3A_79 = tpu.memref_slice %arg7[%dma_start3A_78, %add3A_11] : memref<32x262144xf32, #tpu.memory_space<hbm>> -> memref<2x512xf32, #tpu.memory_space<hbm>>
        tpu.enqueue_dma source(%arg15 : memref<2x512xf32, #tpu.memory_space<vmem>>) target(%dma_start3A_79 : memref<2x512xf32, #tpu.memory_space<hbm>>) target_semaphore(%run_scoped3A : memref<!tpu.dma_semaphore, #tpu.memory_space<semaphore_mem>>)
        %dma_wait3A_80 = arith.constant 4 : i32
        %dma_wait3A_81 = tpu.memref_slice %arg7[%dma_wait3A_80, %add3A_11] : memref<32x262144xf32, #tpu.memory_space<hbm>> -> memref<2x512xf32, #tpu.memory_space<hbm>>
        %dma_wait3A_82 = arith.constant 4 : i32
        %dma_wait3A_83 = tpu.memref_slice %arg7[%dma_wait3A_82, %add3A_11] : memref<32x262144xf32, #tpu.memory_space<hbm>> -> memref<2x512xf32, #tpu.memory_space<hbm>>
        tpu.wait_dma2 semaphore(%run_scoped3A : memref<!tpu.dma_semaphore, #tpu.memory_space<semaphore_mem>>) src(%arg15 : memref<2x512xf32, #tpu.memory_space<vmem>>) dst(%dma_wait3A_83 : memref<2x512xf32, #tpu.memory_space<hbm>>)
        tpu.yield
      }) : () -> ()
      %scan3A_70 = arith.constant 0 : i32
      %scan3A_71 = arith.constant 3 : i32
      %scan3A_72 = arith.constant 13 : i32
      %scan3A_73 = arith.addi %scan3A_71, %scan3A_72 : i32
      %scan3A_74 = arith.constant 1 : i32
      scf.for %scan3A_76 = %scan3A_71 to %scan3A_73 step %scan3A_74  : i32 {
        %shift_left3A = arith.constant 16 : i32
        %shift_left3A_77 = arith.shli %shift_left3A, %scan3A_76 : i32
        %sub3A = arith.constant 1 : i32
        %sub3A_78 = arith.subi %shift_left3A_77, %sub3A : i32
        %convert_element_type3A = arith.sitofp %sub3A_78 : i32 to f32
        %sub3A_79 = arith.constant 3 : i32
        %sub3A_80 = arith.subi %scan3A_76, %sub3A_79 : i32
        %mul3A_81 = arith.constant 524288 : i32
        %mul3A_82 = arith.muli %sub3A_80, %mul3A_81 : i32
        %add3A_83 = arith.constant 299008 : i32
        %add3A_84 = arith.addi %add3A_83, %mul3A_82 : i32
        %mul3A_85 = arith.constant 2 : i32
        %mul3A_86 = arith.muli %mul3A_85, %scan3A_76 : i32
        %scan3A_87 = arith.constant 0 : i32
        %scan3A_88 = arith.constant 0 : i32
        %scan3A_89 = arith.constant 32 : i32
        %scan3A_90 = arith.addi %scan3A_88, %scan3A_89 : i32
        %scan3A_91 = arith.constant 1 : i32
        scf.for %scan3A_107 = %scan3A_88 to %scan3A_90 step %scan3A_91  : i32 {
          %mul3A_108 = arith.constant 16 : i32
          %mul3A_109 = arith.muli %scan3A_107, %mul3A_108 : i32
          %get3A = arith.index_cast %mul3A_109 : i32 to index
          %get3A_110 = tpu.vector_load %arg8[%get3A] {strides = array<i32>} : memref<512xf32, #tpu.memory_space<vmem>>, vector<16xf32>,
          %get3A_111 = vector.shape_cast %get3A_110 : vector<16xf32> to vector<16xf32>
          %get3A_112 = arith.index_cast %mul3A_109 : i32 to index
          %get3A_113 = tpu.vector_load %arg9[%get3A_112] {strides = array<i32>} : memref<512xf32, #tpu.memory_space<vmem>>, vector<16xf32>,
          %get3A_114 = vector.shape_cast %get3A_113 : vector<16xf32> to vector<16xf32>
          %get3A_115 = arith.index_cast %mul3A_109 : i32 to index
          %get3A_116 = tpu.vector_load %arg10[%get3A_115] {strides = array<i32>} : memref<512xf32, #tpu.memory_space<vmem>>, vector<16xf32>,
          %get3A_117 = vector.shape_cast %get3A_116 : vector<16xf32> to vector<16xf32>
          %mul3A_118 = vector.broadcast %convert_element_type3A : f32 to vector<16xf32>
          %mul3A_119 = arith.mulf %get3A_111, %mul3A_118 : vector<16xf32>
          %add3A_120 = arith.constant 5.000000e-01 : f32
          %add3A_121 = vector.broadcast %add3A_120 : f32 to vector<16xf32>
          %add3A_122 = arith.addf %mul3A_119, %add3A_121 : vector<16xf32>
          %mul3A_123 = vector.broadcast %convert_element_type3A : f32 to vector<16xf32>
          %mul3A_124 = arith.mulf %get3A_114, %mul3A_123 : vector<16xf32>
          %add3A_125 = arith.constant 5.000000e-01 : f32
          %add3A_126 = vector.broadcast %add3A_125 : f32 to vector<16xf32>
          %add3A_127 = arith.addf %mul3A_124, %add3A_126 : vector<16xf32>
          %mul3A_128 = vector.broadcast %convert_element_type3A : f32 to vector<16xf32>
          %mul3A_129 = arith.mulf %get3A_117, %mul3A_128 : vector<16xf32>
          %add3A_130 = arith.constant 5.000000e-01 : f32
          %add3A_131 = vector.broadcast %add3A_130 : f32 to vector<16xf32>
          %add3A_132 = arith.addf %mul3A_129, %add3A_131 : vector<16xf32>
          %convert_element_type3A_133 = arith.fptosi %add3A_122 : vector<16xf32> to vector<16xi32>
          %convert_element_type3A_134 = arith.fptosi %add3A_127 : vector<16xf32> to vector<16xi32>
          %convert_element_type3A_135 = arith.fptosi %add3A_132 : vector<16xf32> to vector<16xi32>
          %convert_element_type3A_136 = arith.sitofp %convert_element_type3A_133 : vector<16xi32> to vector<16xf32>
          %sub3A_137 = arith.subf %add3A_122, %convert_element_type3A_136 : vector<16xf32>
          %convert_element_type3A_138 = arith.sitofp %convert_element_type3A_134 : vector<16xi32> to vector<16xf32>
          %sub3A_139 = arith.subf %add3A_127, %convert_element_type3A_138 : vector<16xf32>
          %convert_element_type3A_140 = arith.sitofp %convert_element_type3A_135 : vector<16xi32> to vector<16xf32>
          %sub3A_141 = arith.subf %add3A_132, %convert_element_type3A_140 : vector<16xf32>
          %add3A_142 = arith.constant 1 : i32
          %add3A_143 = vector.broadcast %add3A_142 : i32 to vector<16xi32>
          %add3A_144 = arith.addi %convert_element_type3A_133, %add3A_143 : vector<16xi32>
          %mul3A_145 = arith.constant -1640531535 : i32
          %mul3A_146 = vector.broadcast %mul3A_145 : i32 to vector<16xi32>
          %mul3A_147 = arith.muli %convert_element_type3A_134, %mul3A_146 : vector<16xi32>
          %add3A_148 = arith.constant -1640531535 : i32
          %add3A_149 = vector.broadcast %add3A_148 : i32 to vector<16xi32>
          %add3A_150 = arith.addi %mul3A_147, %add3A_149 : vector<16xi32>
          %mul3A_151 = arith.constant 805459861 : i32
          %mul3A_152 = vector.broadcast %mul3A_151 : i32 to vector<16xi32>
          %mul3A_153 = arith.muli %convert_element_type3A_135, %mul3A_152 : vector<16xi32>
          %add3A_154 = arith.constant 805459861 : i32
          %add3A_155 = vector.broadcast %add3A_154 : i32 to vector<16xi32>
          %add3A_156 = arith.addi %mul3A_153, %add3A_155 : vector<16xi32>
          %sub3A_157 = arith.constant 1.000000e+00 : f32
          %sub3A_158 = vector.broadcast %sub3A_157 : f32 to vector<16xf32>
          %sub3A_159 = arith.subf %sub3A_158, %sub3A_137 : vector<16xf32>
          %sub3A_160 = arith.constant 1.000000e+00 : f32
          %sub3A_161 = vector.broadcast %sub3A_160 : f32 to vector<16xf32>
          %sub3A_162 = arith.subf %sub3A_161, %sub3A_139 : vector<16xf32>
          %sub3A_163 = arith.constant 1.000000e+00 : f32
          %sub3A_164 = vector.broadcast %sub3A_163 : f32 to vector<16xf32>
          %sub3A_165 = arith.subf %sub3A_164, %sub3A_141 : vector<16xf32>
          %xor3A = arith.xori %convert_element_type3A_133, %mul3A_147 : vector<16xi32>
          %xor3A_166 = arith.xori %xor3A, %mul3A_153 : vector<16xi32>
          %and3A = arith.constant 524287 : i32
          %and3A_167 = vector.broadcast %and3A : i32 to vector<16xi32>
          %and3A_168 = arith.andi %xor3A_166, %and3A_167 : vector<16xi32>
          %add3A_169 = vector.broadcast %add3A_84 : i32 to vector<16xi32>
          %add3A_170 = arith.addi %and3A_168, %add3A_169 : vector<16xi32>
          %mul3A_171 = arith.mulf %sub3A_159, %sub3A_162 : vector<16xf32>
          %mul3A_172 = arith.mulf %mul3A_171, %sub3A_165 : vector<16xf32>
          %add3A_173 = arith.constant 0 : i32
          %add3A_174 = arith.addi %add3A_173, %mul3A_109 : i32
          %swap3A = arith.index_cast %add3A_174 : i32 to index
          %swap3A_175 = tpu.vector_load %arg11[%swap3A] {strides = array<i32>} : memref<4096xi32, #tpu.memory_space<vmem>>, vector<16xi32>,
          %swap3A_176 = vector.shape_cast %swap3A_175 : vector<16xi32> to vector<16xi32>
          %swap3A_177 = vector.shape_cast %add3A_170 : vector<16xi32> to vector<16xi32>
          tpu.vector_store %arg11[%swap3A], %swap3A_177 {strides = array<i32>} : memref<4096xi32, #tpu.memory_space<vmem>>, vector<16xi32>,
          %add3A_178 = arith.constant 0 : i32
          %add3A_179 = arith.addi %add3A_178, %mul3A_109 : i32
          %swap3A_180 = arith.index_cast %add3A_179 : i32 to index
          %swap3A_181 = tpu.vector_load %arg12[%swap3A_180] {strides = array<i32>} : memref<4096xf32, #tpu.memory_space<vmem>>, vector<16xf32>,
          %swap3A_182 = vector.shape_cast %swap3A_181 : vector<16xf32> to vector<16xf32>
          %swap3A_183 = vector.shape_cast %mul3A_172 : vector<16xf32> to vector<16xf32>
          tpu.vector_store %arg12[%swap3A_180], %swap3A_183 {strides = array<i32>} : memref<4096xf32, #tpu.memory_space<vmem>>, vector<16xf32>,
          %xor3A_184 = arith.xori %add3A_144, %mul3A_147 : vector<16xi32>
          %xor3A_185 = arith.xori %xor3A_184, %mul3A_153 : vector<16xi32>
          %and3A_186 = arith.constant 524287 : i32
          %and3A_187 = vector.broadcast %and3A_186 : i32 to vector<16xi32>
          %and3A_188 = arith.andi %xor3A_185, %and3A_187 : vector<16xi32>
          %add3A_189 = vector.broadcast %add3A_84 : i32 to vector<16xi32>
          %add3A_190 = arith.addi %and3A_188, %add3A_189 : vector<16xi32>
          %mul3A_191 = arith.mulf %sub3A_137, %sub3A_162 : vector<16xf32>
          %mul3A_192 = arith.mulf %mul3A_191, %sub3A_165 : vector<16xf32>
          %add3A_193 = arith.constant 512 : i32
          %add3A_194 = arith.addi %add3A_193, %mul3A_109 : i32
          %swap3A_195 = arith.index_cast %add3A_194 : i32 to index
          %swap3A_196 = tpu.vector_load %arg11[%swap3A_195] {strides = array<i32>} : memref<4096xi32, #tpu.memory_space<vmem>>, vector<16xi32>,
          %swap3A_197 = vector.shape_cast %swap3A_196 : vector<16xi32> to vector<16xi32>
          %swap3A_198 = vector.shape_cast %add3A_190 : vector<16xi32> to vector<16xi32>
          tpu.vector_store %arg11[%swap3A_195], %swap3A_198 {strides = array<i32>} : memref<4096xi32, #tpu.memory_space<vmem>>, vector<16xi32>,
          %add3A_199 = arith.constant 512 : i32
          %add3A_200 = arith.addi %add3A_199, %mul3A_109 : i32
          %swap3A_201 = arith.index_cast %add3A_200 : i32 to index
          %swap3A_202 = tpu.vector_load %arg12[%swap3A_201] {strides = array<i32>} : memref<4096xf32, #tpu.memory_space<vmem>>, vector<16xf32>,
          %swap3A_203 = vector.shape_cast %swap3A_202 : vector<16xf32> to vector<16xf32>
          %swap3A_204 = vector.shape_cast %mul3A_192 : vector<16xf32> to vector<16xf32>
          tpu.vector_store %arg12[%swap3A_201], %swap3A_204 {strides = array<i32>} : memref<4096xf32, #tpu.memory_space<vmem>>, vector<16xf32>,
          %xor3A_205 = arith.xori %convert_element_type3A_133, %add3A_150 : vector<16xi32>
          %xor3A_206 = arith.xori %xor3A_205, %mul3A_153 : vector<16xi32>
          %and3A_207 = arith.constant 524287 : i32
          %and3A_208 = vector.broadcast %and3A_207 : i32 to vector<16xi32>
          %and3A_209 = arith.andi %xor3A_206, %and3A_208 : vector<16xi32>
          %add3A_210 = vector.broadcast %add3A_84 : i32 to vector<16xi32>
          %add3A_211 = arith.addi %and3A_209, %add3A_210 : vector<16xi32>
          %mul3A_212 = arith.mulf %sub3A_159, %sub3A_139 : vector<16xf32>
          %mul3A_213 = arith.mulf %mul3A_212, %sub3A_165 : vector<16xf32>
          %add3A_214 = arith.constant 1024 : i32
          %add3A_215 = arith.addi %add3A_214, %mul3A_109 : i32
          %swap3A_216 = arith.index_cast %add3A_215 : i32 to index
          %swap3A_217 = tpu.vector_load %arg11[%swap3A_216] {strides = array<i32>} : memref<4096xi32, #tpu.memory_space<vmem>>, vector<16xi32>,
          %swap3A_218 = vector.shape_cast %swap3A_217 : vector<16xi32> to vector<16xi32>
          %swap3A_219 = vector.shape_cast %add3A_211 : vector<16xi32> to vector<16xi32>
          tpu.vector_store %arg11[%swap3A_216], %swap3A_219 {strides = array<i32>} : memref<4096xi32, #tpu.memory_space<vmem>>, vector<16xi32>,
          %add3A_220 = arith.constant 1024 : i32
          %add3A_221 = arith.addi %add3A_220, %mul3A_109 : i32
          %swap3A_222 = arith.index_cast %add3A_221 : i32 to index
          %swap3A_223 = tpu.vector_load %arg12[%swap3A_222] {strides = array<i32>} : memref<4096xf32, #tpu.memory_space<vmem>>, vector<16xf32>,
          %swap3A_224 = vector.shape_cast %swap3A_223 : vector<16xf32> to vector<16xf32>
          %swap3A_225 = vector.shape_cast %mul3A_213 : vector<16xf32> to vector<16xf32>
          tpu.vector_store %arg12[%swap3A_222], %swap3A_225 {strides = array<i32>} : memref<4096xf32, #tpu.memory_space<vmem>>, vector<16xf32>,
          %xor3A_226 = arith.xori %add3A_144, %add3A_150 : vector<16xi32>
          %xor3A_227 = arith.xori %xor3A_226, %mul3A_153 : vector<16xi32>
          %and3A_228 = arith.constant 524287 : i32
          %and3A_229 = vector.broadcast %and3A_228 : i32 to vector<16xi32>
          %and3A_230 = arith.andi %xor3A_227, %and3A_229 : vector<16xi32>
          %add3A_231 = vector.broadcast %add3A_84 : i32 to vector<16xi32>
          %add3A_232 = arith.addi %and3A_230, %add3A_231 : vector<16xi32>
          %mul3A_233 = arith.mulf %sub3A_137, %sub3A_139 : vector<16xf32>
          %mul3A_234 = arith.mulf %mul3A_233, %sub3A_165 : vector<16xf32>
          %add3A_235 = arith.constant 1536 : i32
          %add3A_236 = arith.addi %add3A_235, %mul3A_109 : i32
          %swap3A_237 = arith.index_cast %add3A_236 : i32 to index
          %swap3A_238 = tpu.vector_load %arg11[%swap3A_237] {strides = array<i32>} : memref<4096xi32, #tpu.memory_space<vmem>>, vector<16xi32>,
          %swap3A_239 = vector.shape_cast %swap3A_238 : vector<16xi32> to vector<16xi32>
          %swap3A_240 = vector.shape_cast %add3A_232 : vector<16xi32> to vector<16xi32>
          tpu.vector_store %arg11[%swap3A_237], %swap3A_240 {strides = array<i32>} : memref<4096xi32, #tpu.memory_space<vmem>>, vector<16xi32>,
          %add3A_241 = arith.constant 1536 : i32
          %add3A_242 = arith.addi %add3A_241, %mul3A_109 : i32
          %swap3A_243 = arith.index_cast %add3A_242 : i32 to index
          %swap3A_244 = tpu.vector_load %arg12[%swap3A_243] {strides = array<i32>} : memref<4096xf32, #tpu.memory_space<vmem>>, vector<16xf32>,
          %swap3A_245 = vector.shape_cast %swap3A_244 : vector<16xf32> to vector<16xf32>
          %swap3A_246 = vector.shape_cast %mul3A_234 : vector<16xf32> to vector<16xf32>
          tpu.vector_store %arg12[%swap3A_243], %swap3A_246 {strides = array<i32>} : memref<4096xf32, #tpu.memory_space<vmem>>, vector<16xf32>,
          %xor3A_247 = arith.xori %convert_element_type3A_133, %mul3A_147 : vector<16xi32>
          %xor3A_248 = arith.xori %xor3A_247, %add3A_156 : vector<16xi32>
          %and3A_249 = arith.constant 524287 : i32
          %and3A_250 = vector.broadcast %and3A_249 : i32 to vector<16xi32>
          %and3A_251 = arith.andi %xor3A_248, %and3A_250 : vector<16xi32>
          %add3A_252 = vector.broadcast %add3A_84 : i32 to vector<16xi32>
          %add3A_253 = arith.addi %and3A_251, %add3A_252 : vector<16xi32>
          %mul3A_254 = arith.mulf %sub3A_159, %sub3A_162 : vector<16xf32>
          %mul3A_255 = arith.mulf %mul3A_254, %sub3A_141 : vector<16xf32>
          %add3A_256 = arith.constant 2048 : i32
          %add3A_257 = arith.addi %add3A_256, %mul3A_109 : i32
          %swap3A_258 = arith.index_cast %add3A_257 : i32 to index
          %swap3A_259 = tpu.vector_load %arg11[%swap3A_258] {strides = array<i32>} : memref<4096xi32, #tpu.memory_space<vmem>>, vector<16xi32>,
          %swap3A_260 = vector.shape_cast %swap3A_259 : vector<16xi32> to vector<16xi32>
          %swap3A_261 = vector.shape_cast %add3A_253 : vector<16xi32> to vector<16xi32>
          tpu.vector_store %arg11[%swap3A_258], %swap3A_261 {strides = array<i32>} : memref<4096xi32, #tpu.memory_space<vmem>>, vector<16xi32>,
          %add3A_262 = arith.constant 2048 : i32
          %add3A_263 = arith.addi %add3A_262, %mul3A_109 : i32
          %swap3A_264 = arith.index_cast %add3A_263 : i32 to index
          %swap3A_265 = tpu.vector_load %arg12[%swap3A_264] {strides = array<i32>} : memref<4096xf32, #tpu.memory_space<vmem>>, vector<16xf32>,
          %swap3A_266 = vector.shape_cast %swap3A_265 : vector<16xf32> to vector<16xf32>
          %swap3A_267 = vector.shape_cast %mul3A_255 : vector<16xf32> to vector<16xf32>
          tpu.vector_store %arg12[%swap3A_264], %swap3A_267 {strides = array<i32>} : memref<4096xf32, #tpu.memory_space<vmem>>, vector<16xf32>,
          %xor3A_268 = arith.xori %add3A_144, %mul3A_147 : vector<16xi32>
          %xor3A_269 = arith.xori %xor3A_268, %add3A_156 : vector<16xi32>
          %and3A_270 = arith.constant 524287 : i32
          %and3A_271 = vector.broadcast %and3A_270 : i32 to vector<16xi32>
          %and3A_272 = arith.andi %xor3A_269, %and3A_271 : vector<16xi32>
          %add3A_273 = vector.broadcast %add3A_84 : i32 to vector<16xi32>
          %add3A_274 = arith.addi %and3A_272, %add3A_273 : vector<16xi32>
          %mul3A_275 = arith.mulf %sub3A_137, %sub3A_162 : vector<16xf32>
          %mul3A_276 = arith.mulf %mul3A_275, %sub3A_141 : vector<16xf32>
          %add3A_277 = arith.constant 2560 : i32
          %add3A_278 = arith.addi %add3A_277, %mul3A_109 : i32
          %swap3A_279 = arith.index_cast %add3A_278 : i32 to index
          %swap3A_280 = tpu.vector_load %arg11[%swap3A_279] {strides = array<i32>} : memref<4096xi32, #tpu.memory_space<vmem>>, vector<16xi32>,
          %swap3A_281 = vector.shape_cast %swap3A_280 : vector<16xi32> to vector<16xi32>
          %swap3A_282 = vector.shape_cast %add3A_274 : vector<16xi32> to vector<16xi32>
          tpu.vector_store %arg11[%swap3A_279], %swap3A_282 {strides = array<i32>} : memref<4096xi32, #tpu.memory_space<vmem>>, vector<16xi32>,
          %add3A_283 = arith.constant 2560 : i32
          %add3A_284 = arith.addi %add3A_283, %mul3A_109 : i32
          %swap3A_285 = arith.index_cast %add3A_284 : i32 to index
          %swap3A_286 = tpu.vector_load %arg12[%swap3A_285] {strides = array<i32>} : memref<4096xf32, #tpu.memory_space<vmem>>, vector<16xf32>,
          %swap3A_287 = vector.shape_cast %swap3A_286 : vector<16xf32> to vector<16xf32>
          %swap3A_288 = vector.shape_cast %mul3A_276 : vector<16xf32> to vector<16xf32>
          tpu.vector_store %arg12[%swap3A_285], %swap3A_288 {strides = array<i32>} : memref<4096xf32, #tpu.memory_space<vmem>>, vector<16xf32>,
          %xor3A_289 = arith.xori %convert_element_type3A_133, %add3A_150 : vector<16xi32>
          %xor3A_290 = arith.xori %xor3A_289, %add3A_156 : vector<16xi32>
          %and3A_291 = arith.constant 524287 : i32
          %and3A_292 = vector.broadcast %and3A_291 : i32 to vector<16xi32>
          %and3A_293 = arith.andi %xor3A_290, %and3A_292 : vector<16xi32>
          %add3A_294 = vector.broadcast %add3A_84 : i32 to vector<16xi32>
          %add3A_295 = arith.addi %and3A_293, %add3A_294 : vector<16xi32>
          %mul3A_296 = arith.mulf %sub3A_159, %sub3A_139 : vector<16xf32>
          %mul3A_297 = arith.mulf %mul3A_296, %sub3A_141 : vector<16xf32>
          %add3A_298 = arith.constant 3072 : i32
          %add3A_299 = arith.addi %add3A_298, %mul3A_109 : i32
          %swap3A_300 = arith.index_cast %add3A_299 : i32 to index
          %swap3A_301 = tpu.vector_load %arg11[%swap3A_300] {strides = array<i32>} : memref<4096xi32, #tpu.memory_space<vmem>>, vector<16xi32>,
          %swap3A_302 = vector.shape_cast %swap3A_301 : vector<16xi32> to vector<16xi32>
          %swap3A_303 = vector.shape_cast %add3A_295 : vector<16xi32> to vector<16xi32>
          tpu.vector_store %arg11[%swap3A_300], %swap3A_303 {strides = array<i32>} : memref<4096xi32, #tpu.memory_space<vmem>>, vector<16xi32>,
          %add3A_304 = arith.constant 3072 : i32
          %add3A_305 = arith.addi %add3A_304, %mul3A_109 : i32
          %swap3A_306 = arith.index_cast %add3A_305 : i32 to index
          %swap3A_307 = tpu.vector_load %arg12[%swap3A_306] {strides = array<i32>} : memref<4096xf32, #tpu.memory_space<vmem>>, vector<16xf32>,
          %swap3A_308 = vector.shape_cast %swap3A_307 : vector<16xf32> to vector<16xf32>
          %swap3A_309 = vector.shape_cast %mul3A_297 : vector<16xf32> to vector<16xf32>
          tpu.vector_store %arg12[%swap3A_306], %swap3A_309 {strides = array<i32>} : memref<4096xf32, #tpu.memory_space<vmem>>, vector<16xf32>,
          %xor3A_310 = arith.xori %add3A_144, %add3A_150 : vector<16xi32>
          %xor3A_311 = arith.xori %xor3A_310, %add3A_156 : vector<16xi32>
          %and3A_312 = arith.constant 524287 : i32
          %and3A_313 = vector.broadcast %and3A_312 : i32 to vector<16xi32>
          %and3A_314 = arith.andi %xor3A_311, %and3A_313 : vector<16xi32>
          %add3A_315 = vector.broadcast %add3A_84 : i32 to vector<16xi32>
          %add3A_316 = arith.addi %and3A_314, %add3A_315 : vector<16xi32>
          %mul3A_317 = arith.mulf %sub3A_137, %sub3A_139 : vector<16xf32>
          %mul3A_318 = arith.mulf %mul3A_317, %sub3A_141 : vector<16xf32>
          %add3A_319 = arith.constant 3584 : i32
          %add3A_320 = arith.addi %add3A_319, %mul3A_109 : i32
          %swap3A_321 = arith.index_cast %add3A_320 : i32 to index
          %swap3A_322 = tpu.vector_load %arg11[%swap3A_321] {strides = array<i32>} : memref<4096xi32, #tpu.memory_space<vmem>>, vector<16xi32>,
          %swap3A_323 = vector.shape_cast %swap3A_322 : vector<16xi32> to vector<16xi32>
          %swap3A_324 = vector.shape_cast %add3A_316 : vector<16xi32> to vector<16xi32>
          tpu.vector_store %arg11[%swap3A_321], %swap3A_324 {strides = array<i32>} : memref<4096xi32, #tpu.memory_space<vmem>>, vector<16xi32>,
          %add3A_325 = arith.constant 3584 : i32
          %add3A_326 = arith.addi %add3A_325, %mul3A_109 : i32
          %swap3A_327 = arith.index_cast %add3A_326 : i32 to index
          %swap3A_328 = tpu.vector_load %arg12[%swap3A_327] {strides = array<i32>} : memref<4096xf32, #tpu.memory_space<vmem>>, vector<16xf32>,
          %swap3A_329 = vector.shape_cast %swap3A_328 : vector<16xf32> to vector<16xf32>
          %swap3A_330 = vector.shape_cast %mul3A_318 : vector<16xf32> to vector<16xf32>
          tpu.vector_store %arg12[%swap3A_327], %swap3A_330 {strides = array<i32>} : memref<4096xf32, #tpu.memory_space<vmem>>, vector<16xf32>,
        }
        %scan3A_92 = arith.constant 32 : i32
        %dma_start3A_93 = arith.constant 0 : i32
        %dma_start3A_94 = tpu.memref_slice %arg5[%dma_start3A_93] : memref<7114752xf32, #tpu.memory_space<hbm>> -> memref<7114752xf32, #tpu.memory_space<hbm>>
        tpu.enqueue_indirect_dma source(%dma_start3A_94 : memref<7114752xf32, #tpu.memory_space<hbm>>) target(%arg13 : memref<4096xf32, #tpu.memory_space<vmem>>) offsets(%arg11 : memref<4096xi32, #tpu.memory_space<vmem>>) semaphore(%arg16 : memref<!tpu.dma_semaphore, #tpu.memory_space<semaphore_mem>>)
        %dma_start3A_95 = arith.constant 0 : i32
        %dma_start3A_96 = tpu.memref_slice %arg6[%dma_start3A_95] : memref<7114752xf32, #tpu.memory_space<hbm>> -> memref<7114752xf32, #tpu.memory_space<hbm>>
        tpu.enqueue_indirect_dma source(%dma_start3A_96 : memref<7114752xf32, #tpu.memory_space<hbm>>) target(%arg14 : memref<4096xf32, #tpu.memory_space<vmem>>) offsets(%arg11 : memref<4096xi32, #tpu.memory_space<vmem>>) semaphore(%arg16 : memref<!tpu.dma_semaphore, #tpu.memory_space<semaphore_mem>>)
        %dma_wait3A_97 = arith.constant 0 : i32
        %dma_wait3A_98 = tpu.memref_slice %arg5[%dma_wait3A_97] : memref<7114752xf32, #tpu.memory_space<hbm>> -> memref<7114752xf32, #tpu.memory_space<hbm>>
        tpu.wait_indirect_dma semaphore(%arg16 : memref<!tpu.dma_semaphore, #tpu.memory_space<semaphore_mem>>) src(%dma_wait3A_98 : memref<7114752xf32, #tpu.memory_space<hbm>>) dst(%arg13 : memref<4096xf32, #tpu.memory_space<vmem>>)
        %dma_wait3A_99 = arith.constant 0 : i32
        %dma_wait3A_100 = tpu.memref_slice %arg6[%dma_wait3A_99] : memref<7114752xf32, #tpu.memory_space<hbm>> -> memref<7114752xf32, #tpu.memory_space<hbm>>
        tpu.wait_indirect_dma semaphore(%arg16 : memref<!tpu.dma_semaphore, #tpu.memory_space<semaphore_mem>>) src(%dma_wait3A_100 : memref<7114752xf32, #tpu.memory_space<hbm>>) dst(%arg14 : memref<4096xf32, #tpu.memory_space<vmem>>)
        %scan3A_101 = arith.constant 0 : i32
        %scan3A_102 = arith.constant 0 : i32
        %scan3A_103 = arith.constant 32 : i32
        %scan3A_104 = arith.addi %scan3A_102, %scan3A_103 : i32
        %scan3A_105 = arith.constant 1 : i32
        scf.for %scan3A_107 = %scan3A_102 to %scan3A_104 step %scan3A_105  : i32 {
          %mul3A_108 = arith.constant 16 : i32
          %mul3A_109 = arith.muli %scan3A_107, %mul3A_108 : i32
          %broadcast_in_dim3A = arith.constant 0.000000e+00 : f32
          %broadcast_in_dim3A_110 = vector.broadcast %broadcast_in_dim3A : f32 to vector<16xf32>
          %broadcast_in_dim3A_111 = arith.constant 0.000000e+00 : f32
          %broadcast_in_dim3A_112 = vector.broadcast %broadcast_in_dim3A_111 : f32 to vector<16xf32>
          %add3A_113 = arith.constant 0 : i32
          %add3A_114 = arith.addi %add3A_113, %mul3A_109 : i32
          %get3A = arith.index_cast %add3A_114 : i32 to index
          %get3A_115 = tpu.vector_load %arg12[%get3A] {strides = array<i32>} : memref<4096xf32, #tpu.memory_space<vmem>>, vector<16xf32>,
          %get3A_116 = vector.shape_cast %get3A_115 : vector<16xf32> to vector<16xf32>
          %add3A_117 = arith.constant 0 : i32
          %add3A_118 = arith.addi %add3A_117, %mul3A_109 : i32
          %get3A_119 = arith.index_cast %add3A_118 : i32 to index
          %get3A_120 = tpu.vector_load %arg13[%get3A_119] {strides = array<i32>} : memref<4096xf32, #tpu.memory_space<vmem>>, vector<16xf32>,
          %get3A_121 = vector.shape_cast %get3A_120 : vector<16xf32> to vector<16xf32>
          %add3A_122 = arith.constant 0 : i32
          %add3A_123 = arith.addi %add3A_122, %mul3A_109 : i32
          %get3A_124 = arith.index_cast %add3A_123 : i32 to index
          %get3A_125 = tpu.vector_load %arg14[%get3A_124] {strides = array<i32>} : memref<4096xf32, #tpu.memory_space<vmem>>, vector<16xf32>,
          %get3A_126 = vector.shape_cast %get3A_125 : vector<16xf32> to vector<16xf32>
          %mul3A_127 = arith.mulf %get3A_116, %get3A_121 : vector<16xf32>
          %add3A_128 = arith.addf %broadcast_in_dim3A_110, %mul3A_127 : vector<16xf32>
          %mul3A_129 = arith.mulf %get3A_116, %get3A_126 : vector<16xf32>
          %add3A_130 = arith.addf %broadcast_in_dim3A_112, %mul3A_129 : vector<16xf32>
          %add3A_131 = arith.constant 512 : i32
          %add3A_132 = arith.addi %add3A_131, %mul3A_109 : i32
          %get3A_133 = arith.index_cast %add3A_132 : i32 to index
          %get3A_134 = tpu.vector_load %arg12[%get3A_133] {strides = array<i32>} : memref<4096xf32, #tpu.memory_space<vmem>>, vector<16xf32>,
          %get3A_135 = vector.shape_cast %get3A_134 : vector<16xf32> to vector<16xf32>
          %add3A_136 = arith.constant 512 : i32
          %add3A_137 = arith.addi %add3A_136, %mul3A_109 : i32
          %get3A_138 = arith.index_cast %add3A_137 : i32 to index
          %get3A_139 = tpu.vector_load %arg13[%get3A_138] {strides = array<i32>} : memref<4096xf32, #tpu.memory_space<vmem>>, vector<16xf32>,
          %get3A_140 = vector.shape_cast %get3A_139 : vector<16xf32> to vector<16xf32>
          %add3A_141 = arith.constant 512 : i32
          %add3A_142 = arith.addi %add3A_141, %mul3A_109 : i32
          %get3A_143 = arith.index_cast %add3A_142 : i32 to index
          %get3A_144 = tpu.vector_load %arg14[%get3A_143] {strides = array<i32>} : memref<4096xf32, #tpu.memory_space<vmem>>, vector<16xf32>,
          %get3A_145 = vector.shape_cast %get3A_144 : vector<16xf32> to vector<16xf32>
          %mul3A_146 = arith.mulf %get3A_135, %get3A_140 : vector<16xf32>
          %add3A_147 = arith.addf %add3A_128, %mul3A_146 : vector<16xf32>
          %mul3A_148 = arith.mulf %get3A_135, %get3A_145 : vector<16xf32>
          %add3A_149 = arith.addf %add3A_130, %mul3A_148 : vector<16xf32>
          %add3A_150 = arith.constant 1024 : i32
          %add3A_151 = arith.addi %add3A_150, %mul3A_109 : i32
          %get3A_152 = arith.index_cast %add3A_151 : i32 to index
          %get3A_153 = tpu.vector_load %arg12[%get3A_152] {strides = array<i32>} : memref<4096xf32, #tpu.memory_space<vmem>>, vector<16xf32>,
          %get3A_154 = vector.shape_cast %get3A_153 : vector<16xf32> to vector<16xf32>
          %add3A_155 = arith.constant 1024 : i32
          %add3A_156 = arith.addi %add3A_155, %mul3A_109 : i32
          %get3A_157 = arith.index_cast %add3A_156 : i32 to index
          %get3A_158 = tpu.vector_load %arg13[%get3A_157] {strides = array<i32>} : memref<4096xf32, #tpu.memory_space<vmem>>, vector<16xf32>,
          %get3A_159 = vector.shape_cast %get3A_158 : vector<16xf32> to vector<16xf32>
          %add3A_160 = arith.constant 1024 : i32
          %add3A_161 = arith.addi %add3A_160, %mul3A_109 : i32
          %get3A_162 = arith.index_cast %add3A_161 : i32 to index
          %get3A_163 = tpu.vector_load %arg14[%get3A_162] {strides = array<i32>} : memref<4096xf32, #tpu.memory_space<vmem>>, vector<16xf32>,
          %get3A_164 = vector.shape_cast %get3A_163 : vector<16xf32> to vector<16xf32>
          %mul3A_165 = arith.mulf %get3A_154, %get3A_159 : vector<16xf32>
          %add3A_166 = arith.addf %add3A_147, %mul3A_165 : vector<16xf32>
          %mul3A_167 = arith.mulf %get3A_154, %get3A_164 : vector<16xf32>
          %add3A_168 = arith.addf %add3A_149, %mul3A_167 : vector<16xf32>
          %add3A_169 = arith.constant 1536 : i32
          %add3A_170 = arith.addi %add3A_169, %mul3A_109 : i32
          %get3A_171 = arith.index_cast %add3A_170 : i32 to index
          %get3A_172 = tpu.vector_load %arg12[%get3A_171] {strides = array<i32>} : memref<4096xf32, #tpu.memory_space<vmem>>, vector<16xf32>,
          %get3A_173 = vector.shape_cast %get3A_172 : vector<16xf32> to vector<16xf32>
          %add3A_174 = arith.constant 1536 : i32
          %add3A_175 = arith.addi %add3A_174, %mul3A_109 : i32
          %get3A_176 = arith.index_cast %add3A_175 : i32 to index
          %get3A_177 = tpu.vector_load %arg13[%get3A_176] {strides = array<i32>} : memref<4096xf32, #tpu.memory_space<vmem>>, vector<16xf32>,
          %get3A_178 = vector.shape_cast %get3A_177 : vector<16xf32> to vector<16xf32>
          %add3A_179 = arith.constant 1536 : i32
          %add3A_180 = arith.addi %add3A_179, %mul3A_109 : i32
          %get3A_181 = arith.index_cast %add3A_180 : i32 to index
          %get3A_182 = tpu.vector_load %arg14[%get3A_181] {strides = array<i32>} : memref<4096xf32, #tpu.memory_space<vmem>>, vector<16xf32>,
          %get3A_183 = vector.shape_cast %get3A_182 : vector<16xf32> to vector<16xf32>
          %mul3A_184 = arith.mulf %get3A_173, %get3A_178 : vector<16xf32>
          %add3A_185 = arith.addf %add3A_166, %mul3A_184 : vector<16xf32>
          %mul3A_186 = arith.mulf %get3A_173, %get3A_183 : vector<16xf32>
          %add3A_187 = arith.addf %add3A_168, %mul3A_186 : vector<16xf32>
          %add3A_188 = arith.constant 2048 : i32
          %add3A_189 = arith.addi %add3A_188, %mul3A_109 : i32
          %get3A_190 = arith.index_cast %add3A_189 : i32 to index
          %get3A_191 = tpu.vector_load %arg12[%get3A_190] {strides = array<i32>} : memref<4096xf32, #tpu.memory_space<vmem>>, vector<16xf32>,
          %get3A_192 = vector.shape_cast %get3A_191 : vector<16xf32> to vector<16xf32>
          %add3A_193 = arith.constant 2048 : i32
          %add3A_194 = arith.addi %add3A_193, %mul3A_109 : i32
          %get3A_195 = arith.index_cast %add3A_194 : i32 to index
          %get3A_196 = tpu.vector_load %arg13[%get3A_195] {strides = array<i32>} : memref<4096xf32, #tpu.memory_space<vmem>>, vector<16xf32>,
          %get3A_197 = vector.shape_cast %get3A_196 : vector<16xf32> to vector<16xf32>
          %add3A_198 = arith.constant 2048 : i32
          %add3A_199 = arith.addi %add3A_198, %mul3A_109 : i32
          %get3A_200 = arith.index_cast %add3A_199 : i32 to index
          %get3A_201 = tpu.vector_load %arg14[%get3A_200] {strides = array<i32>} : memref<4096xf32, #tpu.memory_space<vmem>>, vector<16xf32>,
          %get3A_202 = vector.shape_cast %get3A_201 : vector<16xf32> to vector<16xf32>
          %mul3A_203 = arith.mulf %get3A_192, %get3A_197 : vector<16xf32>
          %add3A_204 = arith.addf %add3A_185, %mul3A_203 : vector<16xf32>
          %mul3A_205 = arith.mulf %get3A_192, %get3A_202 : vector<16xf32>
          %add3A_206 = arith.addf %add3A_187, %mul3A_205 : vector<16xf32>
          %add3A_207 = arith.constant 2560 : i32
          %add3A_208 = arith.addi %add3A_207, %mul3A_109 : i32
          %get3A_209 = arith.index_cast %add3A_208 : i32 to index
          %get3A_210 = tpu.vector_load %arg12[%get3A_209] {strides = array<i32>} : memref<4096xf32, #tpu.memory_space<vmem>>, vector<16xf32>,
          %get3A_211 = vector.shape_cast %get3A_210 : vector<16xf32> to vector<16xf32>
          %add3A_212 = arith.constant 2560 : i32
          %add3A_213 = arith.addi %add3A_212, %mul3A_109 : i32
          %get3A_214 = arith.index_cast %add3A_213 : i32 to index
          %get3A_215 = tpu.vector_load %arg13[%get3A_214] {strides = array<i32>} : memref<4096xf32, #tpu.memory_space<vmem>>, vector<16xf32>,
          %get3A_216 = vector.shape_cast %get3A_215 : vector<16xf32> to vector<16xf32>
          %add3A_217 = arith.constant 2560 : i32
          %add3A_218 = arith.addi %add3A_217, %mul3A_109 : i32
          %get3A_219 = arith.index_cast %add3A_218 : i32 to index
          %get3A_220 = tpu.vector_load %arg14[%get3A_219] {strides = array<i32>} : memref<4096xf32, #tpu.memory_space<vmem>>, vector<16xf32>,
          %get3A_221 = vector.shape_cast %get3A_220 : vector<16xf32> to vector<16xf32>
          %mul3A_222 = arith.mulf %get3A_211, %get3A_216 : vector<16xf32>
          %add3A_223 = arith.addf %add3A_204, %mul3A_222 : vector<16xf32>
          %mul3A_224 = arith.mulf %get3A_211, %get3A_221 : vector<16xf32>
          %add3A_225 = arith.addf %add3A_206, %mul3A_224 : vector<16xf32>
          %add3A_226 = arith.constant 3072 : i32
          %add3A_227 = arith.addi %add3A_226, %mul3A_109 : i32
          %get3A_228 = arith.index_cast %add3A_227 : i32 to index
          %get3A_229 = tpu.vector_load %arg12[%get3A_228] {strides = array<i32>} : memref<4096xf32, #tpu.memory_space<vmem>>, vector<16xf32>,
          %get3A_230 = vector.shape_cast %get3A_229 : vector<16xf32> to vector<16xf32>
          %add3A_231 = arith.constant 3072 : i32
          %add3A_232 = arith.addi %add3A_231, %mul3A_109 : i32
          %get3A_233 = arith.index_cast %add3A_232 : i32 to index
          %get3A_234 = tpu.vector_load %arg13[%get3A_233] {strides = array<i32>} : memref<4096xf32, #tpu.memory_space<vmem>>, vector<16xf32>,
          %get3A_235 = vector.shape_cast %get3A_234 : vector<16xf32> to vector<16xf32>
          %add3A_236 = arith.constant 3072 : i32
          %add3A_237 = arith.addi %add3A_236, %mul3A_109 : i32
          %get3A_238 = arith.index_cast %add3A_237 : i32 to index
          %get3A_239 = tpu.vector_load %arg14[%get3A_238] {strides = array<i32>} : memref<4096xf32, #tpu.memory_space<vmem>>, vector<16xf32>,
          %get3A_240 = vector.shape_cast %get3A_239 : vector<16xf32> to vector<16xf32>
          %mul3A_241 = arith.mulf %get3A_230, %get3A_235 : vector<16xf32>
          %add3A_242 = arith.addf %add3A_223, %mul3A_241 : vector<16xf32>
          %mul3A_243 = arith.mulf %get3A_230, %get3A_240 : vector<16xf32>
          %add3A_244 = arith.addf %add3A_225, %mul3A_243 : vector<16xf32>
          %add3A_245 = arith.constant 3584 : i32
          %add3A_246 = arith.addi %add3A_245, %mul3A_109 : i32
          %get3A_247 = arith.index_cast %add3A_246 : i32 to index
          %get3A_248 = tpu.vector_load %arg12[%get3A_247] {strides = array<i32>} : memref<4096xf32, #tpu.memory_space<vmem>>, vector<16xf32>,
          %get3A_249 = vector.shape_cast %get3A_248 : vector<16xf32> to vector<16xf32>
          %add3A_250 = arith.constant 3584 : i32
          %add3A_251 = arith.addi %add3A_250, %mul3A_109 : i32
          %get3A_252 = arith.index_cast %add3A_251 : i32 to index
          %get3A_253 = tpu.vector_load %arg13[%get3A_252] {strides = array<i32>} : memref<4096xf32, #tpu.memory_space<vmem>>, vector<16xf32>,
          %get3A_254 = vector.shape_cast %get3A_253 : vector<16xf32> to vector<16xf32>
          %add3A_255 = arith.constant 3584 : i32
          %add3A_256 = arith.addi %add3A_255, %mul3A_109 : i32
          %get3A_257 = arith.index_cast %add3A_256 : i32 to index
          %get3A_258 = tpu.vector_load %arg14[%get3A_257] {strides = array<i32>} : memref<4096xf32, #tpu.memory_space<vmem>>, vector<16xf32>,
          %get3A_259 = vector.shape_cast %get3A_258 : vector<16xf32> to vector<16xf32>
          %mul3A_260 = arith.mulf %get3A_249, %get3A_254 : vector<16xf32>
          %add3A_261 = arith.addf %add3A_242, %mul3A_260 : vector<16xf32>
          %mul3A_262 = arith.mulf %get3A_249, %get3A_259 : vector<16xf32>
          %add3A_263 = arith.addf %add3A_244, %mul3A_262 : vector<16xf32>
          %swap3A = arith.constant 0 : i32
          %swap3A_264 = arith.index_cast %swap3A : i32 to index
          %swap3A_265 = arith.index_cast %mul3A_109 : i32 to index
          %swap3A_266 = tpu.vector_load %arg15[%swap3A_264, %swap3A_265] {strides = array<i32>} : memref<2x512xf32, #tpu.memory_space<vmem>>, vector<1x16xf32>,
          %swap3A_267 = vector.shape_cast %swap3A_266 : vector<1x16xf32> to vector<16xf32>
          %swap3A_268 = vector.shape_cast %add3A_261 : vector<16xf32> to vector<1x16xf32>
          tpu.vector_store %arg15[%swap3A_264, %swap3A_265], %swap3A_268 {strides = array<i32>} : memref<2x512xf32, #tpu.memory_space<vmem>>, vector<1x16xf32>,
          %swap3A_269 = arith.constant 1 : i32
          %swap3A_270 = arith.index_cast %swap3A_269 : i32 to index
          %swap3A_271 = arith.index_cast %mul3A_109 : i32 to index
          %swap3A_272 = tpu.vector_load %arg15[%swap3A_270, %swap3A_271] {strides = array<i32>} : memref<2x512xf32, #tpu.memory_space<vmem>>, vector<1x16xf32>,
          %swap3A_273 = vector.shape_cast %swap3A_272 : vector<1x16xf32> to vector<16xf32>
          %swap3A_274 = vector.shape_cast %add3A_263 : vector<16xf32> to vector<1x16xf32>
          tpu.vector_store %arg15[%swap3A_270, %swap3A_271], %swap3A_274 {strides = array<i32>} : memref<2x512xf32, #tpu.memory_space<vmem>>, vector<1x16xf32>,
        }
        %scan3A_106 = arith.constant 32 : i32
        "tpu.region"() ({
          %run_scoped3A = tpu.sem_alloc : memref<!tpu.dma_semaphore, #tpu.memory_space<semaphore_mem>>
          %dma_start3A_107 = tpu.memref_slice %arg7[%mul3A_86, %add3A_11] : memref<32x262144xf32, #tpu.memory_space<hbm>> -> memref<2x512xf32, #tpu.memory_space<hbm>>
          %dma_start3A_108 = tpu.memref_slice %arg7[%mul3A_86, %add3A_11] : memref<32x262144xf32, #tpu.memory_space<hbm>> -> memref<2x512xf32, #tpu.memory_space<hbm>>
          tpu.enqueue_dma source(%arg15 : memref<2x512xf32, #tpu.memory_space<vmem>>) target(%dma_start3A_108 : memref<2x512xf32, #tpu.memory_space<hbm>>) target_semaphore(%run_scoped3A : memref<!tpu.dma_semaphore, #tpu.memory_space<semaphore_mem>>)
          %dma_wait3A_109 = tpu.memref_slice %arg7[%mul3A_86, %add3A_11] : memref<32x262144xf32, #tpu.memory_space<hbm>> -> memref<2x512xf32, #tpu.memory_space<hbm>>
          %dma_wait3A_110 = tpu.memref_slice %arg7[%mul3A_86, %add3A_11] : memref<32x262144xf32, #tpu.memory_space<hbm>> -> memref<2x512xf32, #tpu.memory_space<hbm>>
          tpu.wait_dma2 semaphore(%run_scoped3A : memref<!tpu.dma_semaphore, #tpu.memory_space<semaphore_mem>>) src(%arg15 : memref<2x512xf32, #tpu.memory_space<vmem>>) dst(%dma_wait3A_110 : memref<2x512xf32, #tpu.memory_space<hbm>>)
          tpu.yield
        }) : () -> ()
      }
      %scan3A_75 = arith.constant 13 : i32
    }
    %scan3A_7 = arith.constant 16 : i32
    return
  }
}

module attributes {stable_mosaic.version = 14 : i64} {
  func.func @_tpose_body(%arg0: i32, %arg1: memref<32x4096xf32, #tpu.memory_space<vmem>>, %arg2: memref<4096x32xf32, #tpu.memory_space<vmem>>) attributes {dimension_semantics = [#tpu.dimension_semantics<arbitrary>], iteration_bounds = array<i64: 64>, scalar_prefetch = 0 : i64, scratch_operands = 0 : i64, tpu.core_type = #tpu.core_type<tc>, window_params = [{transform_indices = @transform_0, window_bounds = array<i64: 32, 4096>}, {transform_indices = @transform_1, window_bounds = array<i64: 4096, 32>}]} {
    %get3A = arith.constant 0 : index
    %get3A_0 = arith.constant 0 : index
    %get3A_1 = vector.load %arg1[%get3A, %get3A_0] : memref<32x4096xf32, #tpu.memory_space<vmem>>, vector<32x4096xf32>
    %transpose3A = tpu.transpose %get3A_1, [1, 0] : vector<32x4096xf32> -> vector<4096x32xf32>
    %swap3A = arith.constant 0 : index
    %swap3A_2 = arith.constant 0 : index
    %swap3A_3 = vector.load %arg2[%swap3A, %swap3A_2] : memref<4096x32xf32, #tpu.memory_space<vmem>>, vector<4096x32xf32>
    tpu.vector_store %arg2[%swap3A, %swap3A_2], %transpose3A {strides = array<i32>} : memref<4096x32xf32, #tpu.memory_space<vmem>>, vector<4096x32xf32>,
    return
  }
  func.func @transform_0(%arg0: i32) -> (i32, i32) {
    %c0_i32 = arith.constant 0 : i32
    %c0_i32_0 = arith.constant 0 : i32
    return %c0_i32, %arg0 : i32, i32
  }
  func.func @transform_1(%arg0: i32) -> (i32, i32) {
    %c0_i32 = arith.constant 0 : i32
    %c0_i32_0 = arith.constant 0 : i32
    return %arg0, %c0_i32 : i32, i32
  }
}

</mosaic_0001>

<sc_bundles>
// kernel: kernel.4.cloned.1.call-start
scs
__scs_entry_jumppad:
0x0: {  	(pc) =	sbr.rel $0x88, $3  }
0x1: {  	(tag) =	ssettag $0x0;
	lr =	simm.s32 $0x1  }
0x2: {  	[smem:$0x3F9F] =	sst lr;
	_ =	strace $0xD0000000  }
0x3: {  	_ = 	snop  }
0x4: {  	_ = 	snop  }
0x5: {  	_ = 	snop  }
0x6: {  	_ = 	snop  }
0x7: {  	_ = 	snop  }
__scs_overlays_trampoline_lowered:
0x8: {  	[smem:$0x3FAE] =	sst s0  }
0x9: {  	[smem:$0x3FAF] =	sst s1  }
0xa: {  	[smem:$0x3FB0] =	sst s2  }
0xb: {  	[smem:$0x3FB1] =	sst s3  }
0xc: {  	[smem:$0x3FB2] =	sst s4  }
0xd: {  	[smem:$0x3FB3] =	sst s5  }
0xe: {  	[smem:$0x3FB4] =	sst s6  }
0xf: {  	[smem:$0x3FB5] =	sst s7  }
0x10: {  	[smem:$0x3FB6] =	sst s8  }
0x11: {  	[smem:$0x3FB7] =	sst s9;
	s0 =	simm.s32 @!p0 $0x0  }
0x12: {  	s1 =	sld [smem:$0x3F9D];
	s0 =	simm.s32 @p0 $0x1  }
0x13: {  	[smem:$0x3FB8] =	sst s0;
	s0 =	simm.s32 @!p1 $0x0  }
0x14: {  	s2 =	sld [smem:$0x3F9C];
	s0 =	simm.s32 @p1 $0x1  }
0x15: {  	[smem:$0x3FB9] =	sst s0;
	s0 =	simm.s32 @!p2 $0x0  }
0x16: {  	s3 =	sld [smem:$0x3FDB];
	s0 =	simm.s32 @p2 $0x1  }
0x17: {  	s4 =	simm.s32 $0x1BF5;
	[smem:$0x3FBB] =	sst s0  }
0x18: {  	s0 =	sld [smem:$0x3F9E];
	_ =	swait.ge [sflag:s4], $0x0  }
0x19: {  	s7 =	sld [smem:$0x3F9F]  }
0x1a: {  	s8 =	sadd.s32 $0xFFFFE003, lr  }
0x1b: {  	s9 =	sadd.s32 $0xFFFFFEF7, lr;
	s5 =	simm.s32 $0xFFFFFFFF;
	p2 =	slt.u32 s8, $0xFFFFF086  }
0x1c: {  	p1 =	slt.u32 s9, $0xF7A;
	s5 =	simm.s32 @!p2 $0x0  }
0x1d: {  	s5 =	simm.s32 @p1 $0x1;
	p0 =	seq.s32 s7, s2  }
0x1e: {  	s7 =	smul.u32 @!p0 $0xF7A, s2;
	p2 =	seq.s32 @!p0 s5, $0x0  }
0x1f: {  	s9 =	smul.u32 $0xF7A, s1;
	s8 =	simm.s32 @!p0 $0x1BF5;
	p2 =	por !p2, p0  }
0x20: {  	[sflag:s8] =	ssyncset.s32 @!p0 $0xFFFFF086;
	s6 =	sadd.s32 @!p0 s3, s7;
	s7 =	simm.s32 @!p0 $0x108  }
0x21: {  	s3 =	sadd.s32 s3, s9;
	s6 =	sadd.s32 @!p0 $0x88, s6;
	s7 =	simm.s32 @p2 $0x1082  }
0x22: {  	[simem:s7], [sflag:s8] =	dma.local @!p0 [hbm:s6], $0xF7A  }
0x23: {  	s9 =	sor.u32 $0xD0000000, s2;
	s6 =	simm.s32 $0x108;
	_ =	swait.ge @!p0 [sflag:s8], $0x0  }
0x24: {  	s3 =	sadd.s32 $0x88, s3;
	s6 =	simm.s32 @!p1 $0x1082;
	[sflag:s4] =	ssyncset.s32 $0xFFFFF086  }
0x25: {  	[simem:s6], [sflag:s4] =	dma.local [hbm:s3], $0xF7A  }
0x26: {  	[smem:$0x3F9F] =	sst s1;
	(tag) =	ssettag s2;
	_ =	strace s9  }
0x27: {  	s1 =	sld [smem:$0x3FAF]  }
0x28: {  	s2 =	sld [smem:$0x3FB0]  }
0x29: {  	s4 =	sld [smem:$0x3FB2]  }
0x2a: {  	p0 =	seq.s32 s5, $0x0;
	s5 =	sld [smem:$0x3FB3]  }
0x2b: {  	s6 =	sld [smem:$0x3FB4]  }
0x2c: {  	s7 =	sld [smem:$0x3FB5]  }
0x2d: {  	s3 =	simm.s32 $0x108;
	s8 =	sld [smem:$0x3FB6]  }
0x2e: {  	s3 =	simm.s32 @!p0 $0x1082;
	s9 =	sld [smem:$0x3FB7]  }
0x2f: {  	lr =	sadd.s32 s0, s3;
	s0 =	sld [smem:$0x3FAE]  }
0x30: {  	s3 =	sld [smem:$0x3FB1]  }
0x31: {  	[smem:$0x3FBA] =	sst s10  }
0x32: {  	s10 =	sld [smem:$0x3FB8];
	_ =	sdelay $0x3  }
0x33: {  	p0 =	seq.s32 s10, $0x1;
	s10 =	sld [smem:$0x3FBA];
	_ =	sdelay $0x3  }
0x34: {  	[smem:$0x3FBA] =	sst s10  }
0x35: {  	s10 =	sld [smem:$0x3FB9];
	_ =	sdelay $0x3  }
0x36: {  	p1 =	seq.s32 s10, $0x1;
	s10 =	sld [smem:$0x3FBA];
	_ =	sdelay $0x3  }
0x37: {  	[smem:$0x3FBA] =	sst s10  }
0x38: {  	s10 =	sld [smem:$0x3FBB]  }
0x39: {  	_ = 	snop;
	(pc) =	sbr.ind lr, $3  }
0x3a: {  	_ = 	snop  }
0x3b: {  	_ = 	snop  }
0x3c: {  	p2 =	seq.s32 s10, $0x1;
	s10 =	sld [smem:$0x3FBA]  }
0x3d: {  	_ =	shalt  }
0x3e: {  	_ =	shalt  }
0x3f: {  	_ =	shalt  }
0x40: {  	_ =	shalt  }
0x41: {  	_ =	shalt  }
0x42: {  	_ =	shalt  }
0x43: {  	_ =	shalt  }
0x44: {  	_ =	shalt  }
0x45: {  	_ =	shalt  }
0x46: {  	_ =	shalt  }
0x47: {  	_ =	shalt  }
0x48: {  	_ =	shalt  }
0x49: {  	_ =	shalt  }
0x4a: {  	_ =	shalt  }
0x4b: {  	_ =	shalt  }
0x4c: {  	_ =	shalt  }
0x4d: {  	_ =	shalt  }
0x4e: {  	_ =	shalt  }
0x4f: {  	_ =	shalt  }
0x50: {  	_ =	shalt  }
0x51: {  	_ =	shalt  }
0x52: {  	_ =	shalt  }
0x53: {  	_ =	shalt  }
0x54: {  	_ =	shalt  }
0x55: {  	_ =	shalt  }
0x56: {  	_ =	shalt  }
0x57: {  	_ =	shalt  }
0x58: {  	_ =	shalt  }
0x59: {  	_ =	shalt  }
0x5a: {  	_ =	shalt  }
0x5b: {  	_ =	shalt  }
0x5c: {  	_ =	shalt  }
0x5d: {  	_ =	shalt  }
0x5e: {  	_ =	shalt  }
0x5f: {  	_ =	shalt  }
0x60: {  	_ =	shalt  }
0x61: {  	_ =	shalt  }
0x62: {  	_ =	shalt  }
0x63: {  	_ =	shalt  }
0x64: {  	_ =	shalt  }
0x65: {  	_ =	shalt  }
0x66: {  	_ =	shalt  }
0x67: {  	_ =	shalt  }
0x68: {  	_ =	shalt  }
0x69: {  	_ =	shalt  }
0x6a: {  	_ =	shalt  }
0x6b: {  	_ =	shalt  }
0x6c: {  	_ =	shalt  }
0x6d: {  	_ =	shalt  }
0x6e: {  	_ =	shalt  }
0x6f: {  	_ =	shalt  }
0x70: {  	_ =	shalt  }
0x71: {  	_ =	shalt  }
0x72: {  	_ =	shalt  }
0x73: {  	_ =	shalt  }
0x74: {  	_ =	shalt  }
0x75: {  	_ =	shalt  }
0x76: {  	_ =	shalt  }
0x77: {  	_ =	shalt  }
0x78: {  	_ =	shalt  }
0x79: {  	_ =	shalt  }
0x7a: {  	_ =	shalt  }
0x7b: {  	_ =	shalt  }
0x7c: {  	_ =	shalt  }
0x7d: {  	_ =	shalt  }
0x7e: {  	_ =	shalt  }
0x7f: {  	_ =	shalt  }
0x80: {  	_ =	shalt  }
0x81: {  	_ =	shalt  }
0x82: {  	_ =	shalt  }
0x83: {  	_ =	shalt  }
0x84: {  	_ =	shalt  }
0x85: {  	_ =	shalt  }
0x86: {  	_ =	shalt  }
0x87: {  	_ =	shalt  }
.Lfunc_end0:
.L_simem_size_0:
called_computation_lowered:
.L_overlay_start_0:
0x88: {  	s2 =	sld [smem:$0x3FD9]  }
0x89: {  	s3 =	sld [smem:$0x3FFE];
	_ =	sdelay $0x1  }
0x8a: {  	s1 =	srdreg.scid  }
0x8b: {  	s0 =	sand.u32 $0x1, s1  }
0x8c: {  	s17 =	sshll.u32 s0, $0xA;
	s2 =	sadd.s32 s3, s2  }
0x8d: {  	s2 =	sadd.s32 s2, s17  }
0x8e: {  	[smem:$0x3FC6] =	sst s2  }
0x8f: {  	_ = 	snop  }
0x90: {  	s2 =	sld [smem:$0x3FD0];
	(tm) =	ssettm $0x1  }
0x91: {  	s18 =	sld [smem:$0x3FFB];
	_ =	sdelay $0x3  }
0x92: {  	_ =	strace s18  }
0x93: {  	s3 =	sld [smem:$0x3FFC];
	_ =	sdelay $0x3  }
0x94: {  	_ =	strace s3  }
0x95: {  	s3 =	sld [smem:$0x3FFD];
	_ =	sdelay $0x3  }
0x96: {  	_ =	strace s3  }
0x97: {  	_ =	strace $0x8FFFFFFF  }
0x98: {  	s19 =	sld [smem:$0x3FDB];
	_ =	sdelay $0x1  }
0x99: {  	s4 =	simm.s32 $_scs_section_size  }
0x9a: {  	s5 =	simm.s32 $_size__tile_overlayer_lowered;
	s6 =	simm.s32 $_tile_overlayer_lowered  }
0x9b: {  	s22 =	simm.s32 $0x1BFF;
	s21 =	sshll.u32 s6, $0x1;
	s3 =	sadd.s32 s4, s19  }
0x9c: {  	s7 =	simm.s32 $0x0;
	s20 =	sshll.u32 s5, $0x1;
	s5 =	sadd.s32 s21, s3  }
0x9d: {  	[timem:s7], [sflag:s22] =	dma.local [hbm:s5], s20  }
0x9e: {  	_ =	swait.ge [sflag:s22], s20  }
0x9f: {  	s4 =	ssub.s32 $0x0, s20;
	[sflag:s22] =	ssyncset.done $0x0  }
0xa0: {  	[sflag:s22] =	ssyncadd.s32 s4;
	_ =	sdelay $0x1  }
0xa1: {  	s23 =	simm.s32 $0x1B8B  }
0xa2: {  	_ =	swait.ge [sflag:s23], $0x1  }
0xa3: {  	[sflag:s23] =	ssyncset.done $0x0  }
0xa4: {  	s25 =	simm.s32 $0x1B8E;
	s24 =	sld [smem:$0x3FFE];
	[sflag:s23] =	ssyncadd.s32 $0xFFFFFFFF  }
0xa5: {  	s26 =	simm.s32 $execute0_lowered;
	[smem:$0x3FD2] =	sst s25  }
0xa6: {  	s5 =	sshll.u32 s26, $0x1;
	_ =	strace $0x80000046;
	[dreg:$0x1] =	wrdreg $0xFFFFFFFF  }
0xa7: {  	s28 =	simm.s32 $_size_execute0_lowered;
	s3 =	sadd.s32 s3, s5;
	[dreg:$0x0] =	wrdreg $0x0  }
0xa8: {  	s5 =	sshll.u32 s28, $0x1;
	[dreg:$0x2] =	wrdreg s3  }
0xa9: {  	[dreg:$0x3] =	wrdreg s5  }
0xaa: {  	[dreg:$0x4] =	wrdreg $0xC0  }
0xab: {  	_ =	task [dreg:s7], $0x5FFFF  }
0xac: {  	[dreg:$0x1] =	wrdreg $0xFFFFFFFF  }
0xad: {  	[dreg:$0x0] =	wrdreg $0x60  }
0xae: {  	[dreg:$0x2] =	wrdreg s24  }
0xaf: {  	[dreg:$0x3] =	wrdreg s2  }
0xb0: {  	[dreg:$0x4] =	wrdreg $0x9  }
0xb1: {  	_ =	task.clear_ibuf [dreg:s7], $0x5FFFF;
	_ =	strace $0x90000046  }
0xb2: {  	s29 =	simm.s32 $0x9;
	_ =	strace $0x80000048  }
0xb3: {  	_ =	swait.ge [sflag:s29], $0x1  }
0xb4: {  	[sflag:s29] =	ssyncadd.s32 $0xFFFFFFFF  }
0xb5: {  	_ =	strace $0x90000048  }
0xb6: {  	_ =	sfence  }
0xb7: {  	s30 =	sld [smem:$0x0];
	_ =	sdelay $0x2  }
0xb8: {  	s31 =	sshll.u32 s1, $0xD;
	s1 =	sshrl.u32 s1, $0x2  }
0xb9: {  	s3 =	sand.u32 $0x4000, s31;
	s1 =	sadd.s32 s1, s30  }
0xba: {  	s0 =	sor.u32 s3, s0;
	s1 =	sshll.u32 s1, $0x11  }
0xbb: {  	s0 =	sor.u32 s1, s0  }
0xbc: {  	s0 =	sadd.s32 $0x8F2B, s0  }
0xbd: {  	[sflag:s0] =	ssyncadd.remote.s32 $0x1  }
0xbe: {  	_ =	sfence.sel $0xFFFF  }
0xbf: {  	[dreg:$0x0] =	wrdreg $0xFFFFFFFF;
	(pc) =	sbr.abs _section_cstart, $3  }
0xc0: {  	[dreg:$0x1] =	wrdreg $0xFFFFFFFF  }
0xc1: {  	_ =	task.clear_ibuf [dreg:s7], $0x2FFFF;
	_ =	strace $0x9FFFFFFF  }
0xc2: {  	(tm) =	ssettm $0x7FFFFFFF  }
0xc3: {  	_ =	shalt  }
tec
execute0_lowered:
.L_overlay_start_1:
0x0: {  	(tag) =	ssettag $0x1  }
0x1: {  	s0 =	rddreg [dreg:$0x0]  }
0x2: {  	s1 =	rddreg [dreg:$0x1];
	s2 =	simm.s32 $0x0;
	s5 =	srdreg.scid  }
0x3: {  	s10 =	stileid.u32;
	s13 =	simm.s32 $0x2;
	s14 =	simm.s32 $0x200  }
0x4: {  	s15 =	simm.s32 $0x400;
	s16 =	simm.s32 $0x1000;
	s17 =	simm.s32 $0x600  }
0x5: {  	s18 =	simm.s32 $0x2600;
	s19 =	simm.s32 $0x3600;
	s20 =	simm.s32 $0x1  }
0x6: {  	s21 =	simm.s32 $0x100;
	s22 =	simm.s32 $0x4600;
	s23 =	simm.s32 $0x10  }
0x7: {  	[smem:$0x7FF] =	sst s2;
	s3 =	sadd.s32 $0x10800, s0;
	s5 =	sand.u32 $0x1, s5  }
0x8: {  	s4 =	sadd.s32 $0x8800, s0;
	s6 =	sadd.s32 $0x800, s0;
	s9 =	ssub.s32 $0x2, s5  }
0x9: {  	s7 =	sadd.s32 $0xF1A00, s0;
	s8 =	sadd.s32 $0x18800, s0;
	s30 =	sshrl.u32 s9, $0x1  }
0xa: {  	s31 =	sshll.u32 s10, $0xE;
	s10 =	sadd.s32 $0x20, s1;
	s0 =	ssub.s32 s9, s30  }
0xb: {  	s11 =	sadd.s32 $0x40, s1;
	s5 =	sshll.u32 s5, $0xD;
	s0 =	smax.u32 s0, $0x1  }
0xc: {  	_ =	strace $0x80000047;
	s9 =	sor.u32 s5, s31;
	[dreg:$0x3] =	wrdreg s0  }
.LBB2_1:
0xd: {  	s24 =	simm.s32 $0x0  }
.LBB2_2:
0xe: {  	s0 =	sshll.u32 s24, $0x9  }
0xf: {  	s26 =	sadd.s32 s9, s0  }
0x10: {  	s0 =	sshrl.u32 s26, $0x3  }
0x11: {  	s25 =	simm.s32 $0x0;
	s5 =	sadd.s32 s3, s0  }
0x12: {  	[tilespmem:s25], [sflag:$0x2] =	stream.linear.gather [hbm4b:s5+s25], $0x200, $0x38;
	[tilespmem:$0x4A00] =	vst v63  }
0x13: {  	_ =	swait.ge [sflag:s13], $0x200  }
0x14: {  	[sflag:s13] =	ssyncset.done $0x0  }
0x15: {  	s31 =	sadd.s32 s4, s0;
	[sflag:s13] =	ssyncadd.s32 $0xFFFFFE00  }
0x16: {  	[tilespmem:s14], [sflag:$0x2] =	stream.linear.gather [hbm4b:s31+s25], $0x200, $0x38;
	[tilespmem:$0x4A00] =	vst v63  }
0x17: {  	_ =	swait.ge [sflag:s13], $0x200  }
0x18: {  	[sflag:s13] =	ssyncset.done $0x0  }
0x19: {  	s0 =	sadd.s32 s6, s0;
	[sflag:s13] =	ssyncadd.s32 $0xFFFFFE00  }
0x1a: {  	[tilespmem:s15], [sflag:$0x2] =	stream.linear.gather [hbm4b:s0+s25], $0x200, $0x38;
	[tilespmem:$0x4A00] =	vst v63  }
0x1b: {  	_ =	swait.ge [sflag:s13], $0x200  }
0x1c: {  	[sflag:s13] =	ssyncset.done $0x0  }
0x1d: {  	s28 =	simm.s32 $0x0;
	[sflag:s13] =	ssyncadd.s32 $0xFFFFFE00  }
0x1e: {  	v0 =	vld [tilespmem:s28+$0x0]  }
0x1f: {  	v1 =	vld [tilespmem:s28+$0x200]  }
0x20: {  	v2 =	vld [tilespmem:s28+$0x400];
	_ =	sdelay $0x2  }
0x21: {  	v0 =	vmul.f32 $1.500000000e+01, v0;
	_ =	sdelay $0x1  }
0x22: {  	v1 =	vmul.f32 $1.500000000e+01, v1;
	v2 =	vmul.f32 $1.500000000e+01, v2;
	v0 =	vadd.f32 $5.000000000e-01, v0;
	_ =	sdelay $0x1  }
0x23: {  	v1 =	vadd.f32 $5.000000000e-01, v1;
	v2 =	vadd.f32 $5.000000000e-01, v2;
	v3 =	vtrunc.f32 v0  }
0x24: {  	v4 =	vcvt.f32.s32 v3  }
0x25: {  	v6 =	vtrunc.f32 v2;
	v3 =	vtrunc.f32 v1  }
0x26: {  	v5 =	vcvt.f32.s32 v3;
	v3 =	vcvt.s32.f32 v4  }
0x27: {  	v8 =	vcvt.f32.s32 v6  }
0x28: {  	v6 =	vsub.f32 v0, v3;
	v0 =	vcvt.s32.f32 v5  }
0x29: {  	v9 =	vcvt.s32.f32 v8;
	v7 =	vshll.u32 v5, $0x4  }
0x2a: {  	v3 =	vadd.s32 $0x1, v4;
	v5 =	vsub.f32 v1, v0;
	v10 =	vsub.f32 $1.000000000e+00, v6  }
0x2b: {  	v12 =	vadd.s32 $0x10, v7;
	v2 =	vsub.f32 v2, v9;
	v1 =	vshll.u32 v8, $0x8  }
0x2c: {  	v0 =	vadd.s32 v4, v7;
	v11 =	vsub.f32 $1.000000000e+00, v5;
	v9 =	vmul.f32 v5, v10  }
0x2d: {  	s29 =	simm.s32 $0x80;
	s25 =	simm.s32 $0x10;
	v8 =	vadd.s32 v4, v12;
	v4 =	vadd.s32 v3, v12;
	v5 =	vmul.f32 v5, v6  }
.LBB2_3:
0x2e: {  	p0 =	sne.s32 s29, $0x7C0;
	v12 =	vld [tilespmem:s25+$0x0];
	v13 =	vsub.f32 $1.000000000e+00, v2;
	v10 =	vmul.f32 v11, v10;
	v14 =	vmul.f32 v2, v9  }
0x2f: {  	v15 =	vadd.s32 $0x100, v1;
	v3 =	vadd.s32 v3, v7;
	v6 =	vmul.f32 v11, v6  }
0x30: {  	v16 =	vadd.s32 v1, v8;
	v7 =	vld [tilespmem:s25+$0x200];
	v11 =	vmul.f32 v13, v10;
	v9 =	vmul.f32 v13, v9;
	[tilespmem:s28+$0x2200] =	vst v14  }
0x31: {  	v17 =	vadd.s32 v1, v4;
	v14 =	vmul.f32 v13, v6;
	v10 =	vmul.f32 v10, v2  }
0x32: {  	v8 =	vadd.s32 v15, v8;
	v6 =	vmul.f32 v6, v2;
	v18 =	vld [tilespmem:s25+$0x400];
	[tilespmem:s28+$0x1600] =	vst v11;
	v11 =	vmul.f32 v13, v5  }
0x33: {  	v4 =	vadd.s32 v15, v4;
	v2 =	vmul.f32 v2, v5;
	v12 =	vmul.f32 $1.500000000e+01, v12;
	[tilespmem:s28+$0x1800] =	vst v14  }
0x34: {  	v5 =	vadd.s32 v1, v0;
	v1 =	vadd.s32 v1, v3;
	v0 =	vadd.s32 v0, v15;
	[tilespmem:s28+$0x1A00] =	vst v9  }
0x35: {  	v9 =	vadd.f32 $5.000000000e-01, v12;
	v7 =	vmul.f32 $1.500000000e+01, v7;
	[tilespmem:s28+$0x1E00] =	vst v10;
	v10 =	vadd.s32 v3, v15  }
0x36: {  	v3 =	vand.u32 $0xFFF, v16;
	v12 =	vand.u32 $0xFFF, v17;
	[tilespmem:s28+$0x2000] =	vst v6;
	v6 =	vand.u32 $0xFFF, v8  }
0x37: {  	v8 =	vadd.f32 $5.000000000e-01, v7;
	v7 =	vmul.f32 $1.500000000e+01, v18;
	v13 =	vtrunc.f32 v9;
	[tilespmem:s28+$0x1C00] =	vst v11  }
0x38: {  	v4 =	vand.u32 $0xFFF, v4;
	v5 =	vand.u32 $0xFFF, v5;
	v13 =	vcvt.f32.s32 v13;
	[tilespmem:s28+$0x2400] =	vst v2  }
0x39: {  	v1 =	vand.u32 $0xFFF, v1;
	v2 =	vadd.f32 $5.000000000e-01, v7;
	v7 =	vtrunc.f32 v8;
	[tilespmem:s28+$0xA00] =	vst v3  }
0x3a: {  	v7 =	vcvt.f32.s32 v7;
	v11 =	vcvt.s32.f32 v13;
	v3 =	vadd.s32 $0x1, v13;
	[tilespmem:s28+$0xC00] =	vst v12  }
0x3b: {  	v14 =	vand.u32 $0xFFF, v0;
	v15 =	vand.u32 $0xFFF, v10;
	v12 =	vtrunc.f32 v2;
	[tilespmem:s28+$0x1200] =	vst v6  }
0x3c: {  	v0 =	vcvt.f32.s32 v12;
	v6 =	vsub.f32 v9, v11;
	v9 =	vcvt.s32.f32 v7;
	[tilespmem:s28+$0x1400] =	vst v4  }
.Ltmp0:
0x3d: {  	v7 =	vshll.u32 v7, $0x4;
	[tilespmem:s28+$0x600] =	vst v5;
	(pc) =	sbr.rel @p0 .LBB2_3-.Ltmp0, $4  }
0x3e: {  	v5 =	vsub.f32 v8, v9;
	v4 =	vcvt.s32.f32 v0;
	v10 =	vsub.f32 $1.000000000e+00, v6;
	[tilespmem:s28+$0x800] =	vst v1  }
0x3f: {  	v12 =	vadd.s32 $0x10, v7;
	v1 =	vshll.u32 v0, $0x8;
	v0 =	vadd.s32 v13, v7;
	[tilespmem:s28+$0xE00] =	vst v14  }
0x40: {  	v2 =	vsub.f32 v2, v4;
	v11 =	vsub.f32 $1.000000000e+00, v5;
	v9 =	vmul.f32 v5, v10;
	[tilespmem:s28+$0x1000] =	vst v15;
	s28 =	smov.u32 s25  }
0x41: {  	v8 =	vadd.s32 v13, v12;
	s25 =	sshra.s32 s29, $0x2;
	s29 =	sadd.s32 $0x40, s29;
	v4 =	vadd.s32 v3, v12;
	v5 =	vmul.f32 v5, v6  }
0x42: {  	v12 =	vld [tilespmem:s25+$0x0];
	v13 =	vmul.f32 v2, v9;
	v15 =	vsub.f32 $1.000000000e+00, v2  }
0x43: {  	v14 =	vld [tilespmem:s25+$0x200];
	v10 =	vmul.f32 v11, v10;
	v16 =	vadd.s32 $0x100, v1;
	v6 =	vmul.f32 v11, v6  }
0x44: {  	v3 =	vadd.s32 v3, v7;
	v57 =	vadd.s32 v1, v8;
	v18 =	vadd.s32 v1, v4  }
0x45: {  	v20 =	vadd.s32 v1, v0;
	v59 =	vadd.s32 v16, v8;
	v63 =	vadd.s32 v16, v4;
	[tilespmem:s28+$0x2200] =	vst v13  }
0x46: {  	v1 =	vadd.s32 v1, v3;
	v24 =	vand.u32 $0xFFF, v18;
	v54 =	vmul.f32 v15, v10;
	v13 =	vld [tilespmem:s25+$0x400]  }
0x47: {  	v0 =	vadd.s32 v0, v16;
	v55 =	vmul.f32 v15, v9;
	v56 =	vmul.f32 $1.500000000e+01, v12  }
0x48: {  	v3 =	vadd.s32 v3, v16;
	v17 =	vmul.f32 v15, v6;
	v14 =	vmul.f32 $1.500000000e+01, v14  }
0x49: {  	v10 =	vmul.f32 v10, v2;
	v8 =	vand.u32 $0xFFF, v59;
	[tilespmem:s28+$0xC00] =	vst v24;
	v9 =	vadd.f32 $5.000000000e-01, v56  }
0x4a: {  	v6 =	vmul.f32 v6, v2;
	v4 =	vand.u32 $0xFFF, v63;
	[tilespmem:s28+$0x1200] =	vst v8;
	v14 =	vadd.f32 $5.000000000e-01, v14  }
0x4b: {  	v1 =	vand.u32 $0xFFF, v1;
	[tilespmem:s28+$0x1400] =	vst v4;
	v13 =	vmul.f32 $1.500000000e+01, v13;
	v60 =	vtrunc.f32 v9  }
0x4c: {  	v0 =	vand.u32 $0xFFF, v0;
	[tilespmem:s28+$0x800] =	vst v1;
	v62 =	vtrunc.f32 v14;
	v7 =	vcvt.f32.s32 v60  }
0x4d: {  	v3 =	vand.u32 $0xFFF, v3;
	[tilespmem:s28+$0xE00] =	vst v0;
	v61 =	vadd.f32 $5.000000000e-01, v13;
	v19 =	vcvt.f32.s32 v62  }
0x4e: {  	v2 =	vmul.f32 v2, v5;
	[tilespmem:s28+$0x1000] =	vst v3;
	v21 =	vcvt.s32.f32 v7  }
0x4f: {  	[tilespmem:s28+$0x1600] =	vst v54;
	v22 =	vtrunc.f32 v61;
	v23 =	vcvt.s32.f32 v19  }
0x50: {  	[tilespmem:s28+$0x2400] =	vst v2;
	v2 =	vcvt.f32.s32 v22;
	v9 =	vsub.f32 v9, v21  }
0x51: {  	[tilespmem:s28+$0x1800] =	vst v17;
	v25 =	vsub.f32 v14, v23  }
0x52: {  	[tilespmem:s28+$0x1A00] =	vst v55;
	v26 =	vcvt.s32.f32 v2;
	v27 =	vsub.f32 $1.000000000e+00, v9  }
0x53: {  	v58 =	vmul.f32 v15, v5;
	[tilespmem:s28+$0x1E00] =	vst v10;
	v29 =	vsub.f32 $1.000000000e+00, v25  }
0x54: {  	[tilespmem:s28+$0x2000] =	vst v6;
	v28 =	vsub.f32 v61, v26;
	v30 =	vmul.f32 v25, v27  }
0x55: {  	[tilespmem:s28+$0x1C00] =	vst v58;
	v6 =	vand.u32 $0xFFF, v20;
	v12 =	vand.u32 $0xFFF, v57;
	v10 =	vmul.f32 v29, v9  }
0x56: {  	[tilespmem:s28+$0x600] =	vst v6;
	v8 =	vmul.f32 v29, v27;
	v1 =	vsub.f32 $1.000000000e+00, v28;
	v0 =	vmul.f32 v28, v30  }
0x57: {  	[tilespmem:s28+$0xA00] =	vst v12;
	v31 =	vmul.f32 v10, v28  }
0x58: {  	v3 =	vmul.f32 v1, v8;
	[tilespmem:s25+$0x2200] =	vst v0  }
0x59: {  	v0 =	vmul.f32 v1, v10;
	[tilespmem:s25+$0x2000] =	vst v31  }
0x5a: {  	v6 =	vmul.f32 v1, v30;
	[tilespmem:s25+$0x1600] =	vst v3;
	v3 =	vmul.f32 v25, v9  }
0x5b: {  	v32 =	vadd.s32 $0x1, v7;
	v8 =	vmul.f32 v8, v28;
	[tilespmem:s25+$0x1800] =	vst v0;
	v0 =	vshll.u32 v19, $0x4  }
0x5c: {  	v2 =	vshll.u32 v2, $0x8;
	[tilespmem:s25+$0x1A00] =	vst v6;
	v33 =	vadd.s32 $0x10, v0;
	v1 =	vmul.f32 v1, v3  }
0x5d: {  	[tilespmem:s25+$0x1E00] =	vst v8;
	v3 =	vmul.f32 v28, v3;
	v38 =	vadd.s32 v7, v0;
	v34 =	vadd.s32 v7, v33  }
0x5e: {  	v0 =	vadd.s32 v32, v0;
	v35 =	vadd.s32 v32, v33;
	v36 =	vadd.s32 v2, v34;
	[tilespmem:s25+$0x1C00] =	vst v1  }
0x5f: {  	v39 =	vadd.s32 v2, v38;
	v9 =	vadd.s32 v2, v35;
	[tilespmem:s25+$0x2400] =	vst v3;
	v5 =	vand.u32 $0xFFF, v36  }
0x60: {  	v1 =	vadd.s32 $0x100, v2;
	v2 =	vadd.s32 v2, v0;
	v37 =	vand.u32 $0xFFF, v9;
	[tilespmem:s25+$0xA00] =	vst v5  }
0x61: {  	v3 =	vadd.s32 v1, v34;
	v2 =	vand.u32 $0xFFF, v2;
	[tilespmem:s25+$0xC00] =	vst v37  }
0x62: {  	v4 =	vadd.s32 v1, v35;
	v3 =	vand.u32 $0xFFF, v3;
	[tilespmem:s25+$0x800] =	vst v2  }
0x63: {  	v40 =	vadd.s32 v38, v1;
	v4 =	vand.u32 $0xFFF, v4;
	[tilespmem:s25+$0x1200] =	vst v3  }
0x64: {  	v0 =	vadd.s32 v0, v1;
	v1 =	vand.u32 $0xFFF, v40;
	[tilespmem:s25+$0x1400] =	vst v4  }
0x65: {  	v0 =	vand.u32 $0xFFF, v0;
	[tilespmem:s25+$0xE00] =	vst v1  }
0x66: {  	v3 =	vand.u32 $0xFFF, v39;
	[tilespmem:s25+$0x1000] =	vst v0  }
0x67: {  	[tilespmem:s25+$0x600] =	vst v3  }
0x68: {  	[tilespmem:s18], [sflag:$0x1] =	stream.indirect.gather [hbm4b:s7+s16], $0x1, s17, s16, $0xb8;
	[tilespmem:$0x4A00] =	vst v63  }
0x69: {  	_ = 	snop  }
0x6a: {  	[tilespmem:s19], [sflag:$0x1] =	stream.indirect.gather [hbm4b:s8+s16], $0x1, s17, s16, $0xb8;
	[tilespmem:$0x4A00] =	vst v63  }
0x6b: {  	_ =	swait.ge [sflag:s20], $0x1000  }
0x6c: {  	[sflag:s20] =	ssyncset.done $0x0  }
0x6d: {  	[sflag:s20] =	ssyncadd.s32 $0xFFFFF000  }
0x6e: {  	_ =	swait.ge [sflag:s20], $0x1000  }
0x6f: {  	[sflag:s20] =	ssyncset.done $0x0  }
0x70: {  	s0 =	simm.s32 $0x3E00;
	[sflag:s20] =	ssyncadd.s32 $0xFFFFF000  }
0x71: {  	v0 =	vld [tilespmem:s0+$0x600]  }
0x72: {  	v1 =	vld [tilespmem:s0+$0x400]  }
0x73: {  	v2 =	vld [tilespmem:s0+$0x200]  }
0x74: {  	v3 =	vld [tilespmem:s0+$0x0]  }
0x75: {  	v41 =	vld [tilespmem:s0+$0xFFFFFE00]  }
0x76: {  	v42 =	vld [tilespmem:s0+$0xFFFFFA00]  }
0x77: {  	s25 =	simm.s32 $0x2E00;
	v43 =	vld [tilespmem:s0+$0xFFFFF800]  }
0x78: {  	s28 =	simm.s32 $0x1E00;
	v44 =	vld [tilespmem:s25+$0xFFFFF800]  }
0x79: {  	v45 =	vld [tilespmem:s28+$0xFFFFF800]  }
0x7a: {  	v46 =	vld [tilespmem:s25+$0xFFFFFA00]  }
0x7b: {  	v47 =	vld [tilespmem:s28+$0xFFFFFA00]  }
0x7c: {  	v48 =	vld [tilespmem:s0+$0xFFFFFC00]  }
0x7d: {  	v49 =	vld [tilespmem:s28+$0xFFFFFC00]  }
0x7e: {  	v50 =	vld [tilespmem:s25+$0xFFFFFC00];
	v6 =	vmul.f32 v43, v45  }
0x7f: {  	v51 =	vld [tilespmem:s28+$0xFFFFFE00];
	v7 =	vmul.f32 v44, v45  }
0x80: {  	v52 =	vld [tilespmem:s25+$0xFFFFFE00];
	v5 =	vmul.f32 v42, v47;
	v6 =	vadd.f32 $0.0e+00, v6  }
0x81: {  	v53 =	vld [tilespmem:s28+$0x0];
	v9 =	vmul.f32 v46, v47;
	v7 =	vadd.f32 $0.0e+00, v7  }
0x82: {  	v55 =	vld [tilespmem:s25+$0x0];
	v54 =	vmul.f32 v48, v49;
	v5 =	vadd.f32 v5, v6  }
0x83: {  	v57 =	vld [tilespmem:s28+$0x200];
	v56 =	vmul.f32 v50, v49;
	v7 =	vadd.f32 v9, v7  }
0x84: {  	v58 =	vld [tilespmem:s25+$0x200];
	v4 =	vmul.f32 v41, v51;
	v5 =	vadd.f32 v54, v5  }
0x85: {  	v59 =	vld [tilespmem:s28+$0x400];
	v8 =	vmul.f32 v52, v51;
	v7 =	vadd.f32 v56, v7  }
0x86: {  	v60 =	vld [tilespmem:s25+$0x400];
	v3 =	vmul.f32 v3, v53;
	v4 =	vadd.f32 v4, v5  }
0x87: {  	v62 =	vld [tilespmem:s28+$0x600];
	v61 =	vmul.f32 v55, v53;
	v7 =	vadd.f32 v8, v7  }
0x88: {  	v63 =	vld [tilespmem:s25+$0x600];
	v2 =	vmul.f32 v2, v57;
	v3 =	vadd.f32 v3, v4  }
0x89: {  	v6 =	vmul.f32 v58, v57;
	v7 =	vadd.f32 v61, v7  }
0x8a: {  	v1 =	vmul.f32 v1, v59;
	v2 =	vadd.f32 v2, v3  }
0x8b: {  	v5 =	vmul.f32 v60, v59;
	v3 =	vadd.f32 v6, v7  }
0x8c: {  	v0 =	vmul.f32 v0, v62;
	v1 =	vadd.f32 v1, v2  }
0x8d: {  	s29 =	simm.s32 $0x0;
	v2 =	vadd.f32 v5, v3;
	v3 =	vmul.f32 v63, v62  }
0x8e: {  	s12 =	sand.u32 $0x70, s29;
	s5 =	sand.u32 $0x300, s29;
	v1 =	vadd.f32 v0, v1  }
0x8f: {  	s30 =	simm.s32 $0x10;
	s31 =	simm.s32 $0x3E10;
	s0 =	sor.u32 s12, s5;
	v0 =	vadd.f32 v3, v2  }
.LBB2_5:
0x90: {  	[tilespmem:s0+$0x4680] =	vst v1;
	s29 =	sadd.s32 $0x20, s29;
	s25 =	sadd.s32 $0x10, s25;
	s28 =	sadd.s32 $0x10, s28  }
0x91: {  	p0 =	sne.s32 s30, $0x1F0;
	[tilespmem:s0+$0x4600] =	vst v0;
	s0 =	smov.u32 s30;
	s30 =	sadd.s32 $0x10, s30  }
0x92: {  	v0 =	vld [tilespmem:s31+$0x600]  }
0x93: {  	v1 =	vld [tilespmem:s31+$0x400]  }
0x94: {  	v2 =	vld [tilespmem:s31+$0x200]  }
0x95: {  	v3 =	vld [tilespmem:s31+$0x0]  }
0x96: {  	v4 =	vld [tilespmem:s31+$0xFFFFFE00]  }
0x97: {  	v5 =	vld [tilespmem:s31+$0xFFFFFA00]  }
0x98: {  	v6 =	vld [tilespmem:s31+$0xFFFFF800]  }
0x99: {  	v7 =	vld [tilespmem:s25+$0xFFFFF800]  }
0x9a: {  	v8 =	vld [tilespmem:s28+$0xFFFFF800]  }
0x9b: {  	v9 =	vld [tilespmem:s25+$0xFFFFFA00]  }
0x9c: {  	v10 =	vld [tilespmem:s28+$0xFFFFFA00]  }
0x9d: {  	v11 =	vld [tilespmem:s31+$0xFFFFFC00]  }
0x9e: {  	v12 =	vld [tilespmem:s28+$0xFFFFFC00]  }
0x9f: {  	v7 =	vmul.f32 v7, v8;
	v6 =	vmul.f32 v6, v8;
	v8 =	vld [tilespmem:s25+$0xFFFFFC00]  }
0xa0: {  	v13 =	vld [tilespmem:s28+$0xFFFFFE00]  }
0xa1: {  	v7 =	vadd.f32 $0.0e+00, v7;
	v6 =	vadd.f32 $0.0e+00, v6;
	v5 =	vmul.f32 v5, v10;
	v14 =	vld [tilespmem:s25+$0xFFFFFE00]  }
0xa2: {  	v9 =	vmul.f32 v9, v10;
	v10 =	vld [tilespmem:s28+$0x0]  }
0xa3: {  	v5 =	vadd.f32 v5, v6;
	v6 =	vmul.f32 v11, v12;
	v11 =	vld [tilespmem:s25+$0x0]  }
0xa4: {  	v7 =	vadd.f32 v9, v7;
	v8 =	vmul.f32 v8, v12;
	v9 =	vld [tilespmem:s28+$0x200]  }
0xa5: {  	v5 =	vadd.f32 v6, v5;
	v4 =	vmul.f32 v4, v13;
	v6 =	vld [tilespmem:s25+$0x200]  }
0xa6: {  	v7 =	vadd.f32 v8, v7;
	v8 =	vmul.f32 v14, v13;
	v12 =	vld [tilespmem:s28+$0x400]  }
0xa7: {  	v4 =	vadd.f32 v4, v5;
	v3 =	vmul.f32 v3, v10;
	v5 =	vld [tilespmem:s25+$0x400]  }
0xa8: {  	v7 =	vadd.f32 v8, v7;
	v8 =	vmul.f32 v11, v10;
	v10 =	vld [tilespmem:s28+$0x600]  }
0xa9: {  	v3 =	vadd.f32 v3, v4;
	v2 =	vmul.f32 v2, v9;
	v4 =	vld [tilespmem:s25+$0x600]  }
0xaa: {  	v7 =	vadd.f32 v8, v7;
	v6 =	vmul.f32 v6, v9  }
0xab: {  	v2 =	vadd.f32 v2, v3;
	v1 =	vmul.f32 v1, v12  }
.Ltmp1:
0xac: {  	v3 =	vadd.f32 v6, v7;
	v5 =	vmul.f32 v5, v12;
	(pc) =	sbr.rel @p0 .LBB2_5-.Ltmp1, $4  }
0xad: {  	v1 =	vadd.f32 v1, v2;
	v0 =	vmul.f32 v0, v10  }
0xae: {  	v2 =	vadd.f32 v5, v3;
	v3 =	vmul.f32 v4, v10  }
0xaf: {  	s5 =	sand.u32 $0x300, s29;
	s0 =	sand.u32 $0x70, s0;
	v1 =	vadd.f32 v0, v1  }
0xb0: {  	s0 =	sor.u32 s0, s5;
	s31 =	sadd.s32 $0x10, s31;
	v0 =	vadd.f32 v3, v2  }
0xb1: {  	[tilespmem:s0+$0x4680] =	vst v1  }
0xb2: {  	s25 =	sadd.s32 s1, s26;
	[tilespmem:s0+$0x4600] =	vst v0  }
0xb3: {  	[hbm4b:s25+s21] =	stream.strided.scatter [tilespmem:s22], [sflag:$0x2], $0x400, s15, s21, $0x38;
	[tilespmem:$0x4A00] =	vst v63  }
0xb4: {  	_ =	swait.ge [sflag:s13], $0x400  }
0xb5: {  	[sflag:s13] =	ssyncset.done $0x0  }
0xb6: {  	s29 =	simm.s32 $0x0;
	[sflag:s13] =	ssyncadd.s32 $0xFFFFFC00  }
0xb7: {  	v0 =	vld [tilespmem:s29+$0x0]  }
0xb8: {  	v1 =	vld [tilespmem:s29+$0x200]  }
0xb9: {  	v2 =	vld [tilespmem:s29+$0x400];
	_ =	sdelay $0x2  }
0xba: {  	v0 =	vmul.f32 $3.100000000e+01, v0;
	_ =	sdelay $0x1  }
0xbb: {  	v1 =	vmul.f32 $3.100000000e+01, v1;
	v2 =	vmul.f32 $3.100000000e+01, v2;
	v0 =	vadd.f32 $5.000000000e-01, v0;
	_ =	sdelay $0x1  }
0xbc: {  	v1 =	vadd.f32 $5.000000000e-01, v1;
	v2 =	vadd.f32 $5.000000000e-01, v2;
	v3 =	vtrunc.f32 v0  }
0xbd: {  	v5 =	vcvt.f32.s32 v3  }
0xbe: {  	v6 =	vtrunc.f32 v2;
	v3 =	vtrunc.f32 v1  }
0xbf: {  	v3 =	vcvt.f32.s32 v3;
	v4 =	vcvt.s32.f32 v5  }
0xc0: {  	v6 =	vcvt.f32.s32 v6  }
0xc1: {  	v13 =	vshll.u32 v3, $0x5;
	v7 =	vsub.f32 v0, v4;
	v0 =	vcvt.s32.f32 v3  }
0xc2: {  	v8 =	vadd.s32 $0x20, v13  }
0xc3: {  	v1 =	vsub.f32 v1, v0;
	v0 =	vcvt.s32.f32 v6;
	v10 =	vsub.f32 $1.000000000e+00, v7  }
0xc4: {  	v11 =	vadd.s32 $0x1, v5;
	v4 =	vadd.s32 v5, v13;
	v9 =	vadd.s32 v5, v8  }
0xc5: {  	v8 =	vadd.s32 v11, v8;
	v0 =	vsub.f32 v2, v0;
	v3 =	vmul.f32 v1, v10  }
0xc6: {  	v11 =	vadd.s32 v11, v13;
	v6 =	vshll.u32 v6, $0xA;
	v14 =	vsub.f32 $1.000000000e+00, v1  }
0xc7: {  	v1 =	vmul.f32 v1, v7;
	v2 =	vsub.f32 $1.000000000e+00, v0;
	v12 =	vmul.f32 v0, v3  }
0xc8: {  	s28 =	simm.s32 $0x10;
	s30 =	simm.s32 $0x80;
	v5 =	vmul.f32 v14, v10;
	v10 =	vadd.s32 $0x400, v6;
	v7 =	vmul.f32 v14, v7  }
.LBB2_7:
0xc9: {  	p0 =	sne.s32 s30, $0x7C0;
	v13 =	vld [tilespmem:s28+$0x0];
	v14 =	vadd.s32 v6, v9;
	v15 =	vadd.s32 v6, v8;
	v9 =	vadd.s32 v10, v9;
	[tilespmem:s29+$0x2200] =	vst v12  }
0xca: {  	v12 =	vadd.s32 v6, v4;
	v6 =	vadd.s32 v6, v11;
	v8 =	vadd.s32 v10, v8  }
0xcb: {  	v17 =	vmul.f32 v2, v5;
	v4 =	vadd.s32 v4, v10;
	v10 =	vadd.s32 v11, v10;
	v16 =	vld [tilespmem:s28+$0x200]  }
0xcc: {  	v3 =	vmul.f32 v2, v3;
	v11 =	vmul.f32 v2, v7;
	v14 =	vand.u32 $0x7FFF, v14  }
0xcd: {  	v5 =	vmul.f32 v5, v0;
	v15 =	vand.u32 $0x7FFF, v15;
	v7 =	vmul.f32 v7, v0;
	v18 =	vld [tilespmem:s28+$0x400];
	[tilespmem:s29+$0x1600] =	vst v17  }
0xce: {  	v2 =	vmul.f32 v2, v1;
	v9 =	vand.u32 $0x7FFF, v9;
	v13 =	vmul.f32 $3.100000000e+01, v13;
	[tilespmem:s29+$0x1800] =	vst v11  }
0xcf: {  	v0 =	vmul.f32 v0, v1;
	v11 =	vand.u32 $0x7FFF, v12;
	[tilespmem:s29+$0x1A00] =	vst v3;
	v3 =	vand.u32 $0x7FFF, v8  }
0xd0: {  	v6 =	vand.u32 $0x7FFF, v6;
	v1 =	vadd.f32 $5.000000000e-01, v13;
	v8 =	vmul.f32 $3.100000000e+01, v16;
	[tilespmem:s29+$0x1E00] =	vst v5  }
0xd1: {  	v4 =	vand.u32 $0x7FFF, v4;
	v10 =	vand.u32 $0x7FFF, v10;
	v5 =	vadd.s32 $0x1000, v14;
	[tilespmem:s29+$0x2000] =	vst v7  }
0xd2: {  	v7 =	vadd.f32 $5.000000000e-01, v8;
	v8 =	vmul.f32 $3.100000000e+01, v18;
	v12 =	vtrunc.f32 v1;
	[tilespmem:s29+$0x1C00] =	vst v2  }
0xd3: {  	v9 =	vadd.s32 $0x1000, v9;
	v2 =	vcvt.f32.s32 v12;
	v12 =	vadd.s32 $0x1000, v15;
	[tilespmem:s29+$0x2400] =	vst v0  }
0xd4: {  	v3 =	vadd.s32 $0x1000, v3;
	v0 =	vadd.f32 $5.000000000e-01, v8;
	v8 =	vtrunc.f32 v7;
	[tilespmem:s29+$0xA00] =	vst v5  }
0xd5: {  	v5 =	vcvt.f32.s32 v8;
	v8 =	vcvt.s32.f32 v2;
	v13 =	vadd.s32 $0x1, v2;
	[tilespmem:s29+$0xC00] =	vst v12  }
0xd6: {  	v6 =	vadd.s32 $0x1000, v6;
	v11 =	vadd.s32 $0x1000, v11;
	v12 =	vtrunc.f32 v0;
	[tilespmem:s29+$0x1200] =	vst v9  }
0xd7: {  	v9 =	vcvt.f32.s32 v12;
	v14 =	vsub.f32 v1, v8;
	v1 =	vcvt.s32.f32 v5;
	[tilespmem:s29+$0x1400] =	vst v3  }
0xd8: {  	v15 =	vshll.u32 v5, $0x5;
	v3 =	vadd.s32 $0x1000, v4;
	v5 =	vadd.s32 $0x1000, v10;
	[tilespmem:s29+$0x600] =	vst v11  }
0xd9: {  	v1 =	vsub.f32 v7, v1;
	v7 =	vcvt.s32.f32 v9;
	v10 =	vsub.f32 $1.000000000e+00, v14;
	[tilespmem:s29+$0x800] =	vst v6  }
.Ltmp2:
0xda: {  	v8 =	vadd.s32 $0x20, v15;
	v4 =	vadd.s32 v2, v15;
	v6 =	vshll.u32 v9, $0xA;
	[tilespmem:s29+$0xE00] =	vst v3;
	(pc) =	sbr.rel @p0 .LBB2_7-.Ltmp2, $4  }
0xdb: {  	v0 =	vsub.f32 v0, v7;
	v7 =	vsub.f32 $1.000000000e+00, v1;
	v3 =	vmul.f32 v1, v10;
	[tilespmem:s29+$0x1000] =	vst v5;
	s29 =	smov.u32 s28  }
0xdc: {  	v9 =	vadd.s32 v2, v8;
	v8 =	vadd.s32 v13, v8;
	v1 =	vmul.f32 v1, v14  }
0xdd: {  	v2 =	vsub.f32 $1.000000000e+00, v0;
	v5 =	vmul.f32 v7, v10;
	v12 =	vmul.f32 v0, v3  }
0xde: {  	v11 =	vadd.s32 v13, v15;
	s28 =	sshra.s32 s30, $0x2;
	s30 =	sadd.s32 $0x40, s30;
	v10 =	vadd.s32 $0x400, v6;
	v7 =	vmul.f32 v7, v14  }
0xdf: {  	v14 =	vadd.s32 v6, v9;
	v15 =	vadd.s32 v6, v8  }
0xe0: {  	v13 =	vld [tilespmem:s28+$0x0];
	[tilespmem:s29+$0x2200] =	vst v12;
	v49 =	vadd.s32 v10, v9;
	v16 =	vadd.s32 v6, v4;
	v50 =	vadd.s32 v6, v11  }
0xe1: {  	v51 =	vadd.s32 v10, v8;
	v18 =	vmul.f32 v2, v5;
	v52 =	vadd.s32 v4, v10;
	v12 =	vld [tilespmem:s28+$0x200]  }
0xe2: {  	v53 =	vadd.s32 v11, v10;
	v3 =	vmul.f32 v2, v3;
	v55 =	vmul.f32 v5, v0;
	v17 =	vld [tilespmem:s28+$0x400]  }
0xe3: {  	v54 =	vmul.f32 v2, v7;
	v14 =	vand.u32 $0x7FFF, v14;
	v15 =	vand.u32 $0x7FFF, v15  }
0xe4: {  	v56 =	vmul.f32 v7, v0;
	v2 =	vmul.f32 v2, v1;
	v9 =	vand.u32 $0x7FFF, v49  }
0xe5: {  	v16 =	vand.u32 $0x7FFF, v16;
	v0 =	vmul.f32 v0, v1;
	v13 =	vmul.f32 $3.100000000e+01, v13  }
0xe6: {  	v61 =	vand.u32 $0x7FFF, v51;
	v6 =	vand.u32 $0x7FFF, v50;
	v4 =	vand.u32 $0x7FFF, v52  }
0xe7: {  	[tilespmem:s29+$0x1600] =	vst v18;
	v12 =	vmul.f32 $3.100000000e+01, v12;
	v58 =	vmul.f32 $3.100000000e+01, v17;
	v13 =	vadd.f32 $5.000000000e-01, v13  }
0xe8: {  	v10 =	vand.u32 $0x7FFF, v53;
	[tilespmem:s29+$0x1A00] =	vst v3;
	v63 =	vadd.s32 $0x1000, v14;
	v18 =	vadd.s32 $0x1000, v15  }
0xe9: {  	[tilespmem:s29+$0x1E00] =	vst v55;
	v57 =	vadd.f32 $5.000000000e-01, v12;
	v59 =	vadd.f32 $5.000000000e-01, v58;
	v3 =	vtrunc.f32 v13  }
0xea: {  	v9 =	vadd.s32 $0x1000, v9;
	v7 =	vadd.s32 $0x1000, v61;
	[tilespmem:s29+$0x1800] =	vst v54;
	v3 =	vcvt.f32.s32 v3  }
0xeb: {  	v21 =	vadd.s32 $0x1000, v16;
	[tilespmem:s29+$0x2000] =	vst v56;
	v60 =	vtrunc.f32 v57;
	v62 =	vtrunc.f32 v59  }
0xec: {  	v6 =	vadd.s32 $0x1000, v6;
	[tilespmem:s29+$0x2400] =	vst v0;
	v1 =	vcvt.f32.s32 v60;
	v0 =	vcvt.f32.s32 v62  }
0xed: {  	v4 =	vadd.s32 $0x1000, v4;
	v10 =	vadd.s32 $0x1000, v10;
	[tilespmem:s29+$0x1C00] =	vst v2;
	v2 =	vcvt.s32.f32 v3  }
0xee: {  	[tilespmem:s29+$0xA00] =	vst v63;
	v28 =	vadd.s32 $0x1, v3;
	v17 =	vcvt.s32.f32 v1;
	v19 =	vcvt.s32.f32 v0  }
0xef: {  	[tilespmem:s29+$0xC00] =	vst v18;
	v1 =	vshll.u32 v1, $0x5;
	v0 =	vshll.u32 v0, $0xA;
	v2 =	vsub.f32 v13, v2  }
0xf0: {  	[tilespmem:s29+$0x1200] =	vst v9;
	v29 =	vadd.s32 $0x20, v1;
	v31 =	vadd.s32 v3, v1;
	v33 =	vadd.s32 $0x400, v0  }
0xf1: {  	[tilespmem:s29+$0x1400] =	vst v7;
	v1 =	vadd.s32 v28, v1;
	v8 =	vsub.f32 v57, v17;
	v5 =	vsub.f32 v59, v19  }
0xf2: {  	[tilespmem:s29+$0x600] =	vst v21;
	v3 =	vadd.s32 v3, v29;
	v32 =	vadd.s32 v28, v29;
	v38 =	vadd.s32 v0, v31  }
0xf3: {  	[tilespmem:s29+$0x800] =	vst v6;
	v20 =	vsub.f32 $1.000000000e+00, v2;
	v34 =	vadd.s32 v0, v3;
	v35 =	vadd.s32 v0, v32  }
0xf4: {  	[tilespmem:s29+$0xE00] =	vst v4;
	v3 =	vadd.s32 v33, v3;
	v0 =	vadd.s32 v0, v1;
	v39 =	vand.u32 $0x7FFF, v38  }
0xf5: {  	[tilespmem:s29+$0x1000] =	vst v10;
	v1 =	vadd.s32 v1, v33;
	v36 =	vand.u32 $0x7FFF, v34;
	v40 =	vadd.s32 $0x1000, v39  }
0xf6: {  	v22 =	vsub.f32 $1.000000000e+00, v8;
	v3 =	vand.u32 $0x7FFF, v3;
	v37 =	vadd.s32 $0x1000, v36;
	[tilespmem:s28+$0x600] =	vst v40  }
0xf7: {  	v0 =	vand.u32 $0x7FFF, v0;
	v23 =	vmul.f32 v8, v20;
	v3 =	vadd.s32 $0x1000, v3;
	[tilespmem:s28+$0xA00] =	vst v37  }
0xf8: {  	v24 =	vsub.f32 $1.000000000e+00, v5;
	v1 =	vand.u32 $0x7FFF, v1;
	v0 =	vadd.s32 $0x1000, v0;
	[tilespmem:s28+$0x1200] =	vst v3  }
0xf9: {  	v9 =	vmul.f32 v22, v20;
	[tilespmem:s28+$0x800] =	vst v0;
	v0 =	vadd.s32 $0x1000, v1;
	v25 =	vmul.f32 v5, v23  }
0xfa: {  	v7 =	vmul.f32 v22, v2;
	v11 =	vmul.f32 v24, v23;
	[tilespmem:s28+$0x1000] =	vst v0  }
0xfb: {  	v26 =	vmul.f32 v24, v9;
	[tilespmem:s28+$0x2200] =	vst v25  }
0xfc: {  	v2 =	vmul.f32 v8, v2;
	v27 =	vmul.f32 v24, v7;
	[tilespmem:s28+$0x1A00] =	vst v11  }
0xfd: {  	v30 =	vmul.f32 v9, v5;
	[tilespmem:s28+$0x1600] =	vst v26  }
0xfe: {  	v6 =	vmul.f32 v24, v2;
	v2 =	vmul.f32 v5, v2;
	[tilespmem:s28+$0x1800] =	vst v27  }
0xff: {  	v7 =	vmul.f32 v7, v5;
	[tilespmem:s28+$0x1E00] =	vst v30  }
0x100: {  	[tilespmem:s28+$0x2400] =	vst v2;
	v2 =	vadd.s32 v33, v32  }
0x101: {  	[tilespmem:s28+$0x2000] =	vst v7;
	v2 =	vand.u32 $0x7FFF, v2  }
0x102: {  	v3 =	vadd.s32 v31, v33;
	v5 =	vand.u32 $0x7FFF, v35;
	[tilespmem:s28+$0x1C00] =	vst v6;
	v2 =	vadd.s32 $0x1000, v2  }
0x103: {  	v5 =	vadd.s32 $0x1000, v5;
	[tilespmem:s28+$0x1400] =	vst v2;
	v2 =	vand.u32 $0x7FFF, v3  }
0x104: {  	[tilespmem:s28+$0xC00] =	vst v5;
	v2 =	vadd.s32 $0x1000, v2  }
0x105: {  	[tilespmem:s28+$0xE00] =	vst v2  }
0x106: {  	[tilespmem:s18], [sflag:$0x1] =	stream.indirect.gather [hbm4b:s7+s16], $0x1, s17, s16, $0xb8;
	[tilespmem:$0x4A00] =	vst v63  }
0x107: {  	_ = 	snop  }
0x108: {  	[tilespmem:s19], [sflag:$0x1] =	stream.indirect.gather [hbm4b:s8+s16], $0x1, s17, s16, $0xb8;
	[tilespmem:$0x4A00] =	vst v63  }
0x109: {  	_ =	swait.ge [sflag:s20], $0x1000  }
0x10a: {  	[sflag:s20] =	ssyncset.done $0x0  }
0x10b: {  	[sflag:s20] =	ssyncadd.s32 $0xFFFFF000  }
0x10c: {  	_ =	swait.ge [sflag:s20], $0x1000  }
0x10d: {  	[sflag:s20] =	ssyncset.done $0x0  }
0x10e: {  	s0 =	simm.s32 $0x3E00;
	[sflag:s20] =	ssyncadd.s32 $0xFFFFF000  }
0x10f: {  	v0 =	vld [tilespmem:s0+$0x600]  }
0x110: {  	v1 =	vld [tilespmem:s0+$0x400]  }
0x111: {  	v2 =	vld [tilespmem:s0+$0x200]  }
0x112: {  	v3 =	vld [tilespmem:s0+$0x0]  }
0x113: {  	v41 =	vld [tilespmem:s0+$0xFFFFFE00]  }
0x114: {  	v42 =	vld [tilespmem:s0+$0xFFFFFA00]  }
0x115: {  	s28 =	simm.s32 $0x2E00;
	v43 =	vld [tilespmem:s0+$0xFFFFF800]  }
0x116: {  	s29 =	simm.s32 $0x1E00;
	v44 =	vld [tilespmem:s28+$0xFFFFF800]  }
0x117: {  	v45 =	vld [tilespmem:s29+$0xFFFFF800]  }
0x118: {  	v46 =	vld [tilespmem:s28+$0xFFFFFA00]  }
0x119: {  	v47 =	vld [tilespmem:s29+$0xFFFFFA00]  }
0x11a: {  	v48 =	vld [tilespmem:s0+$0xFFFFFC00]  }
0x11b: {  	v49 =	vld [tilespmem:s29+$0xFFFFFC00]  }
0x11c: {  	v50 =	vld [tilespmem:s28+$0xFFFFFC00];
	v6 =	vmul.f32 v43, v45  }
0x11d: {  	v51 =	vld [tilespmem:s29+$0xFFFFFE00];
	v7 =	vmul.f32 v44, v45  }
0x11e: {  	v52 =	vld [tilespmem:s28+$0xFFFFFE00];
	v5 =	vmul.f32 v42, v47;
	v6 =	vadd.f32 $0.0e+00, v6  }
0x11f: {  	v53 =	vld [tilespmem:s29+$0x0];
	v9 =	vmul.f32 v46, v47;
	v7 =	vadd.f32 $0.0e+00, v7  }
0x120: {  	v55 =	vld [tilespmem:s28+$0x0];
	v54 =	vmul.f32 v48, v49;
	v5 =	vadd.f32 v5, v6  }
0x121: {  	v57 =	vld [tilespmem:s29+$0x200];
	v56 =	vmul.f32 v50, v49;
	v7 =	vadd.f32 v9, v7  }
0x122: {  	v58 =	vld [tilespmem:s28+$0x200];
	v4 =	vmul.f32 v41, v51;
	v5 =	vadd.f32 v54, v5  }
0x123: {  	v59 =	vld [tilespmem:s29+$0x400];
	v8 =	vmul.f32 v52, v51;
	v7 =	vadd.f32 v56, v7  }
0x124: {  	v60 =	vld [tilespmem:s28+$0x400];
	v3 =	vmul.f32 v3, v53;
	v4 =	vadd.f32 v4, v5  }
0x125: {  	v62 =	vld [tilespmem:s29+$0x600];
	v61 =	vmul.f32 v55, v53;
	v7 =	vadd.f32 v8, v7  }
0x126: {  	v63 =	vld [tilespmem:s28+$0x600];
	v2 =	vmul.f32 v2, v57;
	v3 =	vadd.f32 v3, v4  }
0x127: {  	v6 =	vmul.f32 v58, v57;
	v7 =	vadd.f32 v61, v7  }
0x128: {  	v1 =	vmul.f32 v1, v59;
	v2 =	vadd.f32 v2, v3  }
0x129: {  	v5 =	vmul.f32 v60, v59;
	v3 =	vadd.f32 v6, v7  }
0x12a: {  	v0 =	vmul.f32 v0, v62;
	v1 =	vadd.f32 v1, v2  }
0x12b: {  	s30 =	simm.s32 $0x0;
	v2 =	vadd.f32 v5, v3;
	v3 =	vmul.f32 v63, v62  }
0x12c: {  	s12 =	sand.u32 $0x70, s30;
	s5 =	sand.u32 $0x300, s30;
	v1 =	vadd.f32 v0, v1  }
0x12d: {  	s31 =	simm.s32 $0x10;
	s5 =	sor.u32 s12, s5;
	s0 =	simm.s32 $0x3E10;
	v0 =	vadd.f32 v3, v2  }
.LBB2_9:
0x12e: {  	[tilespmem:s5+$0x4680] =	vst v1;
	s30 =	sadd.s32 $0x20, s30;
	s28 =	sadd.s32 $0x10, s28;
	s29 =	sadd.s32 $0x10, s29  }
0x12f: {  	p0 =	sne.s32 s31, $0x1F0;
	[tilespmem:s5+$0x4600] =	vst v0;
	s5 =	smov.u32 s31;
	s31 =	sadd.s32 $0x10, s31  }
0x130: {  	v0 =	vld [tilespmem:s0+$0x600]  }
0x131: {  	v1 =	vld [tilespmem:s0+$0x400]  }
0x132: {  	v2 =	vld [tilespmem:s0+$0x200]  }
0x133: {  	v3 =	vld [tilespmem:s0+$0x0]  }
0x134: {  	v4 =	vld [tilespmem:s0+$0xFFFFFE00]  }
0x135: {  	v5 =	vld [tilespmem:s0+$0xFFFFFA00]  }
0x136: {  	v6 =	vld [tilespmem:s0+$0xFFFFF800]  }
0x137: {  	v7 =	vld [tilespmem:s28+$0xFFFFF800]  }
0x138: {  	v8 =	vld [tilespmem:s29+$0xFFFFF800]  }
0x139: {  	v9 =	vld [tilespmem:s28+$0xFFFFFA00]  }
0x13a: {  	v10 =	vld [tilespmem:s29+$0xFFFFFA00]  }
0x13b: {  	v11 =	vld [tilespmem:s0+$0xFFFFFC00]  }
0x13c: {  	v12 =	vld [tilespmem:s29+$0xFFFFFC00]  }
0x13d: {  	v7 =	vmul.f32 v7, v8;
	v6 =	vmul.f32 v6, v8;
	v8 =	vld [tilespmem:s28+$0xFFFFFC00]  }
0x13e: {  	v13 =	vld [tilespmem:s29+$0xFFFFFE00]  }
0x13f: {  	v7 =	vadd.f32 $0.0e+00, v7;
	v6 =	vadd.f32 $0.0e+00, v6;
	v5 =	vmul.f32 v5, v10;
	v14 =	vld [tilespmem:s28+$0xFFFFFE00]  }
0x140: {  	v9 =	vmul.f32 v9, v10;
	v10 =	vld [tilespmem:s29+$0x0]  }
0x141: {  	v5 =	vadd.f32 v5, v6;
	v6 =	vmul.f32 v11, v12;
	v11 =	vld [tilespmem:s28+$0x0]  }
0x142: {  	v7 =	vadd.f32 v9, v7;
	v8 =	vmul.f32 v8, v12;
	v9 =	vld [tilespmem:s29+$0x200]  }
0x143: {  	v5 =	vadd.f32 v6, v5;
	v4 =	vmul.f32 v4, v13;
	v6 =	vld [tilespmem:s28+$0x200]  }
0x144: {  	v7 =	vadd.f32 v8, v7;
	v8 =	vmul.f32 v14, v13;
	v12 =	vld [tilespmem:s29+$0x400]  }
0x145: {  	v4 =	vadd.f32 v4, v5;
	v3 =	vmul.f32 v3, v10;
	v5 =	vld [tilespmem:s28+$0x400]  }
0x146: {  	v7 =	vadd.f32 v8, v7;
	v8 =	vmul.f32 v11, v10;
	v10 =	vld [tilespmem:s29+$0x600]  }
0x147: {  	v3 =	vadd.f32 v3, v4;
	v2 =	vmul.f32 v2, v9;
	v4 =	vld [tilespmem:s28+$0x600]  }
0x148: {  	v7 =	vadd.f32 v8, v7;
	v6 =	vmul.f32 v6, v9  }
0x149: {  	v2 =	vadd.f32 v2, v3;
	v1 =	vmul.f32 v1, v12  }
.Ltmp3:
0x14a: {  	v3 =	vadd.f32 v6, v7;
	v5 =	vmul.f32 v5, v12;
	(pc) =	sbr.rel @p0 .LBB2_9-.Ltmp3, $4  }
0x14b: {  	v1 =	vadd.f32 v1, v2;
	v0 =	vmul.f32 v0, v10  }
0x14c: {  	v2 =	vadd.f32 v5, v3;
	v3 =	vmul.f32 v4, v10  }
0x14d: {  	s12 =	sand.u32 $0x300, s30;
	s5 =	sand.u32 $0x70, s5;
	v1 =	vadd.f32 v0, v1  }
0x14e: {  	s5 =	sor.u32 s5, s12;
	s0 =	sadd.s32 $0x10, s0;
	v0 =	vadd.f32 v3, v2  }
0x14f: {  	[tilespmem:s5+$0x4680] =	vst v1  }
0x150: {  	s0 =	sadd.s32 s26, s10;
	[tilespmem:s5+$0x4600] =	vst v0  }
0x151: {  	[hbm4b:s0+s21] =	stream.strided.scatter [tilespmem:s22], [sflag:$0x2], $0x400, s15, s21, $0x38;
	[tilespmem:$0x4A00] =	vst v63  }
0x152: {  	_ =	swait.ge [sflag:s13], $0x400  }
0x153: {  	[sflag:s13] =	ssyncset.done $0x0  }
0x154: {  	s29 =	simm.s32 $0x0;
	[sflag:s13] =	ssyncadd.s32 $0xFFFFFC00  }
0x155: {  	v0 =	vld [tilespmem:s29+$0x0]  }
0x156: {  	v1 =	vld [tilespmem:s29+$0x200]  }
0x157: {  	v2 =	vld [tilespmem:s29+$0x400];
	_ =	sdelay $0x2  }
0x158: {  	v0 =	vmul.f32 $6.300000000e+01, v0;
	_ =	sdelay $0x1  }
0x159: {  	v1 =	vmul.f32 $6.300000000e+01, v1;
	v2 =	vmul.f32 $6.300000000e+01, v2;
	v0 =	vadd.f32 $5.000000000e-01, v0;
	_ =	sdelay $0x1  }
0x15a: {  	v1 =	vadd.f32 $5.000000000e-01, v1;
	v2 =	vadd.f32 $5.000000000e-01, v2;
	v3 =	vtrunc.f32 v0  }
0x15b: {  	v5 =	vcvt.f32.s32 v3  }
0x15c: {  	v6 =	vtrunc.f32 v2;
	v3 =	vtrunc.f32 v1  }
0x15d: {  	v3 =	vcvt.f32.s32 v3;
	v4 =	vcvt.s32.f32 v5  }
0x15e: {  	v6 =	vcvt.f32.s32 v6  }
0x15f: {  	v13 =	vshll.u32 v3, $0x6;
	v7 =	vsub.f32 v0, v4;
	v0 =	vcvt.s32.f32 v3  }
0x160: {  	v8 =	vadd.s32 $0x40, v13  }
0x161: {  	v1 =	vsub.f32 v1, v0;
	v0 =	vcvt.s32.f32 v6;
	v10 =	vsub.f32 $1.000000000e+00, v7  }
0x162: {  	v11 =	vadd.s32 $0x1, v5;
	v4 =	vadd.s32 v5, v13;
	v9 =	vadd.s32 v5, v8  }
0x163: {  	v8 =	vadd.s32 v11, v8;
	v0 =	vsub.f32 v2, v0;
	v3 =	vmul.f32 v1, v10  }
0x164: {  	v11 =	vadd.s32 v11, v13;
	v6 =	vshll.u32 v6, $0xC;
	v14 =	vsub.f32 $1.000000000e+00, v1  }
0x165: {  	v1 =	vmul.f32 v1, v7;
	v2 =	vsub.f32 $1.000000000e+00, v0;
	v12 =	vmul.f32 v0, v3  }
0x166: {  	s28 =	simm.s32 $0x10;
	s30 =	simm.s32 $0x80;
	v5 =	vmul.f32 v14, v10;
	v10 =	vadd.s32 $0x1000, v6;
	v7 =	vmul.f32 v14, v7  }
.LBB2_11:
0x167: {  	p0 =	sne.s32 s30, $0x7C0;
	v13 =	vld [tilespmem:s28+$0x0];
	v14 =	vadd.s32 v6, v9;
	v15 =	vadd.s32 v6, v8;
	v9 =	vadd.s32 v10, v9;
	[tilespmem:s29+$0x2200] =	vst v12  }
0x168: {  	v12 =	vadd.s32 v6, v4;
	v6 =	vadd.s32 v6, v11;
	v8 =	vadd.s32 v10, v8  }
0x169: {  	v17 =	vmul.f32 v2, v5;
	v4 =	vadd.s32 v4, v10;
	v10 =	vadd.s32 v11, v10;
	v16 =	vld [tilespmem:s28+$0x200]  }
0x16a: {  	v3 =	vmul.f32 v2, v3;
	v11 =	vmul.f32 v2, v7;
	v14 =	vand.u32 $0x3FFFF, v14  }
0x16b: {  	v5 =	vmul.f32 v5, v0;
	v15 =	vand.u32 $0x3FFFF, v15;
	v7 =	vmul.f32 v7, v0;
	v18 =	vld [tilespmem:s28+$0x400];
	[tilespmem:s29+$0x1600] =	vst v17  }
0x16c: {  	v2 =	vmul.f32 v2, v1;
	v9 =	vand.u32 $0x3FFFF, v9;
	v13 =	vmul.f32 $6.300000000e+01, v13;
	[tilespmem:s29+$0x1800] =	vst v11  }
0x16d: {  	v0 =	vmul.f32 v0, v1;
	v11 =	vand.u32 $0x3FFFF, v12;
	[tilespmem:s29+$0x1A00] =	vst v3;
	v3 =	vand.u32 $0x3FFFF, v8  }
0x16e: {  	v6 =	vand.u32 $0x3FFFF, v6;
	v1 =	vadd.f32 $5.000000000e-01, v13;
	v8 =	vmul.f32 $6.300000000e+01, v16;
	[tilespmem:s29+$0x1E00] =	vst v5  }
0x16f: {  	v4 =	vand.u32 $0x3FFFF, v4;
	v10 =	vand.u32 $0x3FFFF, v10;
	v5 =	vadd.s32 $0x9000, v14;
	[tilespmem:s29+$0x2000] =	vst v7  }
0x170: {  	v7 =	vadd.f32 $5.000000000e-01, v8;
	v8 =	vmul.f32 $6.300000000e+01, v18;
	v12 =	vtrunc.f32 v1;
	[tilespmem:s29+$0x1C00] =	vst v2  }
0x171: {  	v9 =	vadd.s32 $0x9000, v9;
	v2 =	vcvt.f32.s32 v12;
	v12 =	vadd.s32 $0x9000, v15;
	[tilespmem:s29+$0x2400] =	vst v0  }
0x172: {  	v3 =	vadd.s32 $0x9000, v3;
	v0 =	vadd.f32 $5.000000000e-01, v8;
	v8 =	vtrunc.f32 v7;
	[tilespmem:s29+$0xA00] =	vst v5  }
0x173: {  	v5 =	vcvt.f32.s32 v8;
	v8 =	vcvt.s32.f32 v2;
	v13 =	vadd.s32 $0x1, v2;
	[tilespmem:s29+$0xC00] =	vst v12  }
0x174: {  	v6 =	vadd.s32 $0x9000, v6;
	v11 =	vadd.s32 $0x9000, v11;
	v12 =	vtrunc.f32 v0;
	[tilespmem:s29+$0x1200] =	vst v9  }
0x175: {  	v9 =	vcvt.f32.s32 v12;
	v14 =	vsub.f32 v1, v8;
	v1 =	vcvt.s32.f32 v5;
	[tilespmem:s29+$0x1400] =	vst v3  }
0x176: {  	v15 =	vshll.u32 v5, $0x6;
	v3 =	vadd.s32 $0x9000, v4;
	v5 =	vadd.s32 $0x9000, v10;
	[tilespmem:s29+$0x600] =	vst v11  }
0x177: {  	v1 =	vsub.f32 v7, v1;
	v7 =	vcvt.s32.f32 v9;
	v10 =	vsub.f32 $1.000000000e+00, v14;
	[tilespmem:s29+$0x800] =	vst v6  }
.Ltmp4:
0x178: {  	v8 =	vadd.s32 $0x40, v15;
	v4 =	vadd.s32 v2, v15;
	v6 =	vshll.u32 v9, $0xC;
	[tilespmem:s29+$0xE00] =	vst v3;
	(pc) =	sbr.rel @p0 .LBB2_11-.Ltmp4, $4  }
0x179: {  	v0 =	vsub.f32 v0, v7;
	v7 =	vsub.f32 $1.000000000e+00, v1;
	v3 =	vmul.f32 v1, v10;
	[tilespmem:s29+$0x1000] =	vst v5;
	s29 =	smov.u32 s28  }
0x17a: {  	v9 =	vadd.s32 v2, v8;
	v8 =	vadd.s32 v13, v8;
	v1 =	vmul.f32 v1, v14  }
0x17b: {  	v2 =	vsub.f32 $1.000000000e+00, v0;
	v5 =	vmul.f32 v7, v10;
	v12 =	vmul.f32 v0, v3  }
0x17c: {  	v11 =	vadd.s32 v13, v15;
	s28 =	sshra.s32 s30, $0x2;
	s30 =	sadd.s32 $0x40, s30;
	v10 =	vadd.s32 $0x1000, v6;
	v7 =	vmul.f32 v7, v14  }
0x17d: {  	v14 =	vadd.s32 v6, v9;
	v15 =	vadd.s32 v6, v8  }
0x17e: {  	v13 =	vld [tilespmem:s28+$0x0];
	[tilespmem:s29+$0x2200] =	vst v12;
	v49 =	vadd.s32 v10, v9;
	v16 =	vadd.s32 v6, v4;
	v50 =	vadd.s32 v6, v11  }
0x17f: {  	v51 =	vadd.s32 v10, v8;
	v18 =	vmul.f32 v2, v5;
	v52 =	vadd.s32 v4, v10;
	v12 =	vld [tilespmem:s28+$0x200]  }
0x180: {  	v53 =	vadd.s32 v11, v10;
	v3 =	vmul.f32 v2, v3;
	v55 =	vmul.f32 v5, v0;
	v17 =	vld [tilespmem:s28+$0x400]  }
0x181: {  	v54 =	vmul.f32 v2, v7;
	v14 =	vand.u32 $0x3FFFF, v14;
	v15 =	vand.u32 $0x3FFFF, v15  }
0x182: {  	v56 =	vmul.f32 v7, v0;
	v2 =	vmul.f32 v2, v1;
	v9 =	vand.u32 $0x3FFFF, v49  }
0x183: {  	v16 =	vand.u32 $0x3FFFF, v16;
	v0 =	vmul.f32 v0, v1;
	v13 =	vmul.f32 $6.300000000e+01, v13  }
0x184: {  	v61 =	vand.u32 $0x3FFFF, v51;
	v6 =	vand.u32 $0x3FFFF, v50;
	v4 =	vand.u32 $0x3FFFF, v52  }
0x185: {  	[tilespmem:s29+$0x1600] =	vst v18;
	v12 =	vmul.f32 $6.300000000e+01, v12;
	v58 =	vmul.f32 $6.300000000e+01, v17;
	v13 =	vadd.f32 $5.000000000e-01, v13  }
0x186: {  	v10 =	vand.u32 $0x3FFFF, v53;
	[tilespmem:s29+$0x1A00] =	vst v3;
	v63 =	vadd.s32 $0x9000, v14;
	v18 =	vadd.s32 $0x9000, v15  }
0x187: {  	[tilespmem:s29+$0x1E00] =	vst v55;
	v57 =	vadd.f32 $5.000000000e-01, v12;
	v59 =	vadd.f32 $5.000000000e-01, v58;
	v3 =	vtrunc.f32 v13  }
0x188: {  	v9 =	vadd.s32 $0x9000, v9;
	v7 =	vadd.s32 $0x9000, v61;
	[tilespmem:s29+$0x1800] =	vst v54;
	v3 =	vcvt.f32.s32 v3  }
0x189: {  	v21 =	vadd.s32 $0x9000, v16;
	[tilespmem:s29+$0x2000] =	vst v56;
	v60 =	vtrunc.f32 v57;
	v62 =	vtrunc.f32 v59  }
0x18a: {  	v6 =	vadd.s32 $0x9000, v6;
	[tilespmem:s29+$0x2400] =	vst v0;
	v1 =	vcvt.f32.s32 v60;
	v0 =	vcvt.f32.s32 v62  }
0x18b: {  	v4 =	vadd.s32 $0x9000, v4;
	v10 =	vadd.s32 $0x9000, v10;
	[tilespmem:s29+$0x1C00] =	vst v2;
	v2 =	vcvt.s32.f32 v3  }
0x18c: {  	[tilespmem:s29+$0xA00] =	vst v63;
	v28 =	vadd.s32 $0x1, v3;
	v17 =	vcvt.s32.f32 v1;
	v19 =	vcvt.s32.f32 v0  }
0x18d: {  	[tilespmem:s29+$0xC00] =	vst v18;
	v1 =	vshll.u32 v1, $0x6;
	v0 =	vshll.u32 v0, $0xC;
	v2 =	vsub.f32 v13, v2  }
0x18e: {  	[tilespmem:s29+$0x1200] =	vst v9;
	v29 =	vadd.s32 $0x40, v1;
	v31 =	vadd.s32 v3, v1;
	v33 =	vadd.s32 $0x1000, v0  }
0x18f: {  	[tilespmem:s29+$0x1400] =	vst v7;
	v1 =	vadd.s32 v28, v1;
	v8 =	vsub.f32 v57, v17;
	v5 =	vsub.f32 v59, v19  }
0x190: {  	[tilespmem:s29+$0x600] =	vst v21;
	v3 =	vadd.s32 v3, v29;
	v32 =	vadd.s32 v28, v29;
	v38 =	vadd.s32 v0, v31  }
0x191: {  	[tilespmem:s29+$0x800] =	vst v6;
	v20 =	vsub.f32 $1.000000000e+00, v2;
	v34 =	vadd.s32 v0, v3;
	v35 =	vadd.s32 v0, v32  }
0x192: {  	[tilespmem:s29+$0xE00] =	vst v4;
	v3 =	vadd.s32 v33, v3;
	v0 =	vadd.s32 v0, v1;
	v39 =	vand.u32 $0x3FFFF, v38  }
0x193: {  	[tilespmem:s29+$0x1000] =	vst v10;
	v1 =	vadd.s32 v1, v33;
	v36 =	vand.u32 $0x3FFFF, v34;
	v40 =	vadd.s32 $0x9000, v39  }
0x194: {  	v22 =	vsub.f32 $1.000000000e+00, v8;
	v3 =	vand.u32 $0x3FFFF, v3;
	v37 =	vadd.s32 $0x9000, v36;
	[tilespmem:s28+$0x600] =	vst v40  }
0x195: {  	v0 =	vand.u32 $0x3FFFF, v0;
	v23 =	vmul.f32 v8, v20;
	v3 =	vadd.s32 $0x9000, v3;
	[tilespmem:s28+$0xA00] =	vst v37  }
0x196: {  	v24 =	vsub.f32 $1.000000000e+00, v5;
	v1 =	vand.u32 $0x3FFFF, v1;
	v0 =	vadd.s32 $0x9000, v0;
	[tilespmem:s28+$0x1200] =	vst v3  }
0x197: {  	v9 =	vmul.f32 v22, v20;
	[tilespmem:s28+$0x800] =	vst v0;
	v0 =	vadd.s32 $0x9000, v1;
	v25 =	vmul.f32 v5, v23  }
0x198: {  	v7 =	vmul.f32 v22, v2;
	v11 =	vmul.f32 v24, v23;
	[tilespmem:s28+$0x1000] =	vst v0  }
0x199: {  	v26 =	vmul.f32 v24, v9;
	[tilespmem:s28+$0x2200] =	vst v25  }
0x19a: {  	v2 =	vmul.f32 v8, v2;
	v27 =	vmul.f32 v24, v7;
	[tilespmem:s28+$0x1A00] =	vst v11  }
0x19b: {  	v30 =	vmul.f32 v9, v5;
	[tilespmem:s28+$0x1600] =	vst v26  }
0x19c: {  	v6 =	vmul.f32 v24, v2;
	v2 =	vmul.f32 v5, v2;
	[tilespmem:s28+$0x1800] =	vst v27  }
0x19d: {  	v7 =	vmul.f32 v7, v5;
	[tilespmem:s28+$0x1E00] =	vst v30  }
0x19e: {  	[tilespmem:s28+$0x2400] =	vst v2;
	v2 =	vadd.s32 v33, v32  }
0x19f: {  	[tilespmem:s28+$0x2000] =	vst v7;
	v2 =	vand.u32 $0x3FFFF, v2  }
0x1a0: {  	v3 =	vadd.s32 v31, v33;
	v5 =	vand.u32 $0x3FFFF, v35;
	[tilespmem:s28+$0x1C00] =	vst v6;
	v2 =	vadd.s32 $0x9000, v2  }
0x1a1: {  	v5 =	vadd.s32 $0x9000, v5;
	[tilespmem:s28+$0x1400] =	vst v2;
	v2 =	vand.u32 $0x3FFFF, v3  }
0x1a2: {  	[tilespmem:s28+$0xC00] =	vst v5;
	v2 =	vadd.s32 $0x9000, v2  }
0x1a3: {  	[tilespmem:s28+$0xE00] =	vst v2  }
0x1a4: {  	[tilespmem:s18], [sflag:$0x1] =	stream.indirect.gather [hbm4b:s7+s16], $0x1, s17, s16, $0xb8;
	[tilespmem:$0x4A00] =	vst v63  }
0x1a5: {  	_ = 	snop  }
0x1a6: {  	[tilespmem:s19], [sflag:$0x1] =	stream.indirect.gather [hbm4b:s8+s16], $0x1, s17, s16, $0xb8;
	[tilespmem:$0x4A00] =	vst v63  }
0x1a7: {  	_ =	swait.ge [sflag:s20], $0x1000  }
0x1a8: {  	[sflag:s20] =	ssyncset.done $0x0  }
0x1a9: {  	[sflag:s20] =	ssyncadd.s32 $0xFFFFF000  }
0x1aa: {  	_ =	swait.ge [sflag:s20], $0x1000  }
0x1ab: {  	[sflag:s20] =	ssyncset.done $0x0  }
0x1ac: {  	s0 =	simm.s32 $0x3E00;
	[sflag:s20] =	ssyncadd.s32 $0xFFFFF000  }
0x1ad: {  	v0 =	vld [tilespmem:s0+$0x600]  }
0x1ae: {  	v1 =	vld [tilespmem:s0+$0x400]  }
0x1af: {  	v2 =	vld [tilespmem:s0+$0x200]  }
0x1b0: {  	v3 =	vld [tilespmem:s0+$0x0]  }
0x1b1: {  	v41 =	vld [tilespmem:s0+$0xFFFFFE00]  }
0x1b2: {  	v42 =	vld [tilespmem:s0+$0xFFFFFA00]  }
0x1b3: {  	s28 =	simm.s32 $0x2E00;
	v43 =	vld [tilespmem:s0+$0xFFFFF800]  }
0x1b4: {  	s29 =	simm.s32 $0x1E00;
	v44 =	vld [tilespmem:s28+$0xFFFFF800]  }
0x1b5: {  	v45 =	vld [tilespmem:s29+$0xFFFFF800]  }
0x1b6: {  	v46 =	vld [tilespmem:s28+$0xFFFFFA00]  }
0x1b7: {  	v47 =	vld [tilespmem:s29+$0xFFFFFA00]  }
0x1b8: {  	v48 =	vld [tilespmem:s0+$0xFFFFFC00]  }
0x1b9: {  	v49 =	vld [tilespmem:s29+$0xFFFFFC00]  }
0x1ba: {  	v50 =	vld [tilespmem:s28+$0xFFFFFC00];
	v6 =	vmul.f32 v43, v45  }
0x1bb: {  	v51 =	vld [tilespmem:s29+$0xFFFFFE00];
	v7 =	vmul.f32 v44, v45  }
0x1bc: {  	v52 =	vld [tilespmem:s28+$0xFFFFFE00];
	v5 =	vmul.f32 v42, v47;
	v6 =	vadd.f32 $0.0e+00, v6  }
0x1bd: {  	v53 =	vld [tilespmem:s29+$0x0];
	v9 =	vmul.f32 v46, v47;
	v7 =	vadd.f32 $0.0e+00, v7  }
0x1be: {  	v55 =	vld [tilespmem:s28+$0x0];
	v54 =	vmul.f32 v48, v49;
	v5 =	vadd.f32 v5, v6  }
0x1bf: {  	v57 =	vld [tilespmem:s29+$0x200];
	v56 =	vmul.f32 v50, v49;
	v7 =	vadd.f32 v9, v7  }
0x1c0: {  	v58 =	vld [tilespmem:s28+$0x200];
	v4 =	vmul.f32 v41, v51;
	v5 =	vadd.f32 v54, v5  }
0x1c1: {  	v59 =	vld [tilespmem:s29+$0x400];
	v8 =	vmul.f32 v52, v51;
	v7 =	vadd.f32 v56, v7  }
0x1c2: {  	v60 =	vld [tilespmem:s28+$0x400];
	v3 =	vmul.f32 v3, v53;
	v4 =	vadd.f32 v4, v5  }
0x1c3: {  	v62 =	vld [tilespmem:s29+$0x600];
	v61 =	vmul.f32 v55, v53;
	v7 =	vadd.f32 v8, v7  }
0x1c4: {  	v63 =	vld [tilespmem:s28+$0x600];
	v2 =	vmul.f32 v2, v57;
	v3 =	vadd.f32 v3, v4  }
0x1c5: {  	v6 =	vmul.f32 v58, v57;
	v7 =	vadd.f32 v61, v7  }
0x1c6: {  	v1 =	vmul.f32 v1, v59;
	v2 =	vadd.f32 v2, v3  }
0x1c7: {  	v5 =	vmul.f32 v60, v59;
	v3 =	vadd.f32 v6, v7  }
0x1c8: {  	v0 =	vmul.f32 v0, v62;
	v1 =	vadd.f32 v1, v2  }
0x1c9: {  	s30 =	simm.s32 $0x0;
	v2 =	vadd.f32 v5, v3;
	v3 =	vmul.f32 v63, v62  }
0x1ca: {  	s12 =	sand.u32 $0x70, s30;
	s5 =	sand.u32 $0x300, s30;
	v1 =	vadd.f32 v0, v1  }
0x1cb: {  	s31 =	simm.s32 $0x10;
	s5 =	sor.u32 s12, s5;
	s0 =	simm.s32 $0x3E10;
	v0 =	vadd.f32 v3, v2  }
.LBB2_13:
0x1cc: {  	[tilespmem:s5+$0x4680] =	vst v1;
	s30 =	sadd.s32 $0x20, s30;
	s28 =	sadd.s32 $0x10, s28;
	s29 =	sadd.s32 $0x10, s29  }
0x1cd: {  	p0 =	sne.s32 s31, $0x1F0;
	[tilespmem:s5+$0x4600] =	vst v0;
	s5 =	smov.u32 s31;
	s31 =	sadd.s32 $0x10, s31  }
0x1ce: {  	v0 =	vld [tilespmem:s0+$0x600]  }
0x1cf: {  	v1 =	vld [tilespmem:s0+$0x400]  }
0x1d0: {  	v2 =	vld [tilespmem:s0+$0x200]  }
0x1d1: {  	v3 =	vld [tilespmem:s0+$0x0]  }
0x1d2: {  	v4 =	vld [tilespmem:s0+$0xFFFFFE00]  }
0x1d3: {  	v5 =	vld [tilespmem:s0+$0xFFFFFA00]  }
0x1d4: {  	v6 =	vld [tilespmem:s0+$0xFFFFF800]  }
0x1d5: {  	v7 =	vld [tilespmem:s28+$0xFFFFF800]  }
0x1d6: {  	v8 =	vld [tilespmem:s29+$0xFFFFF800]  }
0x1d7: {  	v9 =	vld [tilespmem:s28+$0xFFFFFA00]  }
0x1d8: {  	v10 =	vld [tilespmem:s29+$0xFFFFFA00]  }
0x1d9: {  	v11 =	vld [tilespmem:s0+$0xFFFFFC00]  }
0x1da: {  	v12 =	vld [tilespmem:s29+$0xFFFFFC00]  }
0x1db: {  	v7 =	vmul.f32 v7, v8;
	v6 =	vmul.f32 v6, v8;
	v8 =	vld [tilespmem:s28+$0xFFFFFC00]  }
0x1dc: {  	v13 =	vld [tilespmem:s29+$0xFFFFFE00]  }
0x1dd: {  	v7 =	vadd.f32 $0.0e+00, v7;
	v6 =	vadd.f32 $0.0e+00, v6;
	v5 =	vmul.f32 v5, v10;
	v14 =	vld [tilespmem:s28+$0xFFFFFE00]  }
0x1de: {  	v9 =	vmul.f32 v9, v10;
	v10 =	vld [tilespmem:s29+$0x0]  }
0x1df: {  	v5 =	vadd.f32 v5, v6;
	v6 =	vmul.f32 v11, v12;
	v11 =	vld [tilespmem:s28+$0x0]  }
0x1e0: {  	v7 =	vadd.f32 v9, v7;
	v8 =	vmul.f32 v8, v12;
	v9 =	vld [tilespmem:s29+$0x200]  }
0x1e1: {  	v5 =	vadd.f32 v6, v5;
	v4 =	vmul.f32 v4, v13;
	v6 =	vld [tilespmem:s28+$0x200]  }
0x1e2: {  	v7 =	vadd.f32 v8, v7;
	v8 =	vmul.f32 v14, v13;
	v12 =	vld [tilespmem:s29+$0x400]  }
0x1e3: {  	v4 =	vadd.f32 v4, v5;
	v3 =	vmul.f32 v3, v10;
	v5 =	vld [tilespmem:s28+$0x400]  }
0x1e4: {  	v7 =	vadd.f32 v8, v7;
	v8 =	vmul.f32 v11, v10;
	v10 =	vld [tilespmem:s29+$0x600]  }
0x1e5: {  	v3 =	vadd.f32 v3, v4;
	v2 =	vmul.f32 v2, v9;
	v4 =	vld [tilespmem:s28+$0x600]  }
0x1e6: {  	v7 =	vadd.f32 v8, v7;
	v6 =	vmul.f32 v6, v9  }
0x1e7: {  	v2 =	vadd.f32 v2, v3;
	v1 =	vmul.f32 v1, v12  }
.Ltmp5:
0x1e8: {  	v3 =	vadd.f32 v6, v7;
	v5 =	vmul.f32 v5, v12;
	(pc) =	sbr.rel @p0 .LBB2_13-.Ltmp5, $4  }
0x1e9: {  	v1 =	vadd.f32 v1, v2;
	v0 =	vmul.f32 v0, v10  }
0x1ea: {  	v2 =	vadd.f32 v5, v3;
	v3 =	vmul.f32 v4, v10  }
0x1eb: {  	s12 =	sand.u32 $0x300, s30;
	s5 =	sand.u32 $0x70, s5;
	v1 =	vadd.f32 v0, v1  }
0x1ec: {  	s5 =	sor.u32 s5, s12;
	s0 =	sadd.s32 $0x10, s0;
	v0 =	vadd.f32 v3, v2  }
0x1ed: {  	[tilespmem:s5+$0x4680] =	vst v1  }
0x1ee: {  	s0 =	sadd.s32 s26, s11;
	[tilespmem:s5+$0x4600] =	vst v0  }
0x1ef: {  	[hbm4b:s0+s21] =	stream.strided.scatter [tilespmem:s22], [sflag:$0x2], $0x400, s15, s21, $0x38;
	[tilespmem:$0x4A00] =	vst v63  }
0x1f0: {  	_ =	swait.ge [sflag:s13], $0x400  }
0x1f1: {  	[sflag:s13] =	ssyncset.done $0x0  }
0x1f2: {  	s26 =	simm.s32 $0x3;
	[sflag:s13] =	ssyncadd.s32 $0xFFFFFC00  }
.LBB2_15:
0x1f3: {  	s29 =	simm.s32 $0x0  }
0x1f4: {  	s0 =	sshll.u32 s23, s26;
	v0 =	vld [tilespmem:s29+$0x0]  }
0x1f5: {  	s0 =	sadd.s32 $0xFFFFFFFF, s0;
	v2 =	vld [tilespmem:s29+$0x200]  }
0x1f6: {  	s0 =	scvt.s32.f32 s0;
	_ =	sdelay $0x1  }
0x1f7: {  	v3 =	vld [tilespmem:s29+$0x400];
	v1 =	vmov s0  }
0x1f8: {  	v0 =	vmul.f32 v0, v1  }
0x1f9: {  	v2 =	vmul.f32 v2, v1  }
0x1fa: {  	v0 =	vadd.f32 $5.000000000e-01, v0  }
0x1fb: {  	v2 =	vadd.f32 $5.000000000e-01, v2  }
0x1fc: {  	v3 =	vmul.f32 v3, v1;
	v4 =	vtrunc.f32 v0  }
0x1fd: {  	v5 =	vtrunc.f32 v2;
	v4 =	vcvt.f32.s32 v4  }
0x1fe: {  	v3 =	vadd.f32 $5.000000000e-01, v3;
	v5 =	vcvt.f32.s32 v5  }
0x1ff: {  	v6 =	vcvt.s32.f32 v4  }
0x200: {  	v7 =	vtrunc.f32 v3;
	v15 =	vmul.u32 $0x9E3779B1, v5  }
0x201: {  	v7 =	vcvt.f32.s32 v7;
	v9 =	vsub.f32 v0, v6;
	v6 =	vcvt.s32.f32 v5  }
0x202: {  	s31 =	sshll.u32 s26, $0x13;
	v13 =	vadd.s32 $0x1, v4;
	v10 =	vadd.s32 $0x9E3779B1, v15  }
0x203: {  	s0 =	sadd.s32 $0xFFEC9000, s31;
	v12 =	vsub.f32 v2, v6;
	v2 =	vcvt.s32.f32 v7;
	v14 =	vsub.f32 $1.000000000e+00, v9  }
0x204: {  	v8 =	vmul.u32 $0x30025795, v7;
	v0 =	vmov s0;
	v11 =	vxor.u32 v4, v10  }
0x205: {  	v2 =	vsub.f32 v3, v2;
	v16 =	vsub.f32 $1.000000000e+00, v12;
	v5 =	vmul.f32 v12, v14  }
0x206: {  	v10 =	vxor.u32 v13, v10;
	v13 =	vxor.u32 v13, v15;
	v3 =	vmul.f32 v12, v9  }
0x207: {  	v6 =	vxor.u32 v4, v15;
	v7 =	vmul.f32 v16, v14;
	v14 =	vmul.f32 v2, v5  }
0x208: {  	s28 =	simm.s32 $0x10;
	s30 =	simm.s32 $0x80;
	v12 =	vadd.s32 $0x30025795, v8;
	v4 =	vsub.f32 $1.000000000e+00, v2;
	v9 =	vmul.f32 v16, v9  }
.LBB2_16:
0x209: {  	p0 =	sne.s32 s30, $0x7C0;
	v15 =	vld [tilespmem:s28+$0x0];
	v16 =	vxor.u32 v8, v11;
	v17 =	vxor.u32 v8, v10;
	v11 =	vxor.u32 v12, v11;
	[tilespmem:s29+$0x2200] =	vst v14  }
0x20a: {  	v14 =	vxor.u32 v8, v6;
	v8 =	vxor.u32 v8, v13;
	v10 =	vxor.u32 v12, v10  }
0x20b: {  	v19 =	vmul.f32 v4, v7;
	v6 =	vxor.u32 v6, v12;
	v12 =	vxor.u32 v13, v12;
	v18 =	vld [tilespmem:s28+$0x200]  }
0x20c: {  	v5 =	vmul.f32 v4, v5;
	v13 =	vmul.f32 v4, v9;
	v16 =	vand.u32 $0x7FFFF, v16  }
0x20d: {  	v7 =	vmul.f32 v7, v2;
	v17 =	vand.u32 $0x7FFFF, v17;
	v9 =	vmul.f32 v9, v2;
	v20 =	vld [tilespmem:s28+$0x400]  }
0x20e: {  	v4 =	vmul.f32 v4, v3;
	v11 =	vand.u32 $0x7FFFF, v11;
	[tilespmem:s29+$0x1600] =	vst v19;
	v15 =	vmul.f32 v15, v1  }
0x20f: {  	v2 =	vmul.f32 v2, v3;
	v8 =	vand.u32 $0x7FFFF, v8;
	[tilespmem:s29+$0x1800] =	vst v13;
	v13 =	vand.u32 $0x7FFFF, v14  }
0x210: {  	[tilespmem:s29+$0x1A00] =	vst v5;
	v5 =	vand.u32 $0x7FFFF, v10;
	v3 =	vadd.f32 $5.000000000e-01, v15;
	v10 =	vmul.f32 v18, v1  }
0x211: {  	v6 =	vand.u32 $0x7FFFF, v6;
	v12 =	vand.u32 $0x7FFFF, v12;
	[tilespmem:s29+$0x1E00] =	vst v7;
	v7 =	vadd.s32 v0, v16  }
0x212: {  	[tilespmem:s29+$0x2000] =	vst v9;
	v9 =	vadd.f32 $5.000000000e-01, v10;
	v10 =	vmul.f32 v20, v1;
	v14 =	vtrunc.f32 v3  }
0x213: {  	v11 =	vadd.s32 v0, v11;
	[tilespmem:s29+$0x1C00] =	vst v4;
	v4 =	vcvt.f32.s32 v14  }
0x214: {  	v14 =	vadd.s32 v0, v17;
	[tilespmem:s29+$0x2400] =	vst v2;
	v2 =	vadd.f32 $5.000000000e-01, v10;
	v10 =	vtrunc.f32 v9  }
0x215: {  	v5 =	vadd.s32 v0, v5;
	[tilespmem:s29+$0xA00] =	vst v7;
	v7 =	vcvt.f32.s32 v10;
	v10 =	vcvt.s32.f32 v4  }
0x216: {  	v8 =	vadd.s32 v0, v8;
	v13 =	vadd.s32 v0, v13;
	v15 =	vadd.s32 $0x1, v4;
	[tilespmem:s29+$0xC00] =	vst v14  }
0x217: {  	v14 =	vtrunc.f32 v2;
	[tilespmem:s29+$0x1200] =	vst v11;
	v16 =	vsub.f32 v3, v10;
	v3 =	vcvt.s32.f32 v7  }
0x218: {  	v11 =	vcvt.f32.s32 v14;
	[tilespmem:s29+$0x1400] =	vst v5;
	v17 =	vmul.u32 $0x9E3779B1, v7  }
0x219: {  	v5 =	vadd.s32 v0, v6;
	v7 =	vadd.s32 v0, v12;
	[tilespmem:s29+$0x600] =	vst v13;
	v3 =	vsub.f32 v9, v3  }
0x21a: {  	v9 =	vcvt.s32.f32 v11;
	v12 =	vsub.f32 $1.000000000e+00, v16;
	[tilespmem:s29+$0x800] =	vst v8;
	v10 =	vadd.s32 $0x9E3779B1, v17  }
.Ltmp6:
0x21b: {  	v8 =	vmul.u32 $0x30025795, v11;
	v6 =	vxor.u32 v4, v17;
	[tilespmem:s29+$0xE00] =	vst v5;
	(pc) =	sbr.rel @p0 .LBB2_16-.Ltmp6, $4  }
0x21c: {  	v2 =	vsub.f32 v2, v9;
	v9 =	vsub.f32 $1.000000000e+00, v3;
	v5 =	vmul.f32 v3, v12;
	[tilespmem:s29+$0x1000] =	vst v7;
	s29 =	smov.u32 s28  }
0x21d: {  	v11 =	vxor.u32 v4, v10;
	v10 =	vxor.u32 v15, v10;
	v3 =	vmul.f32 v3, v16  }
0x21e: {  	v4 =	vsub.f32 $1.000000000e+00, v2;
	v7 =	vmul.f32 v9, v12;
	v14 =	vmul.f32 v2, v5  }
0x21f: {  	v13 =	vxor.u32 v15, v17;
	s28 =	sshra.s32 s30, $0x2;
	s30 =	sadd.s32 $0x40, s30;
	v12 =	vadd.s32 $0x30025795, v8;
	v9 =	vmul.f32 v9, v16  }
0x220: {  	v16 =	vxor.u32 v8, v11  }
0x221: {  	v15 =	vld [tilespmem:s28+$0x0];
	[tilespmem:s29+$0x2200] =	vst v14;
	v17 =	vxor.u32 v8, v10;
	v45 =	vxor.u32 v12, v11;
	v18 =	vxor.u32 v8, v6  }
0x222: {  	v46 =	vxor.u32 v8, v13;
	v47 =	vxor.u32 v12, v10;
	v20 =	vmul.f32 v4, v7;
	v14 =	vld [tilespmem:s28+$0x200]  }
0x223: {  	v48 =	vxor.u32 v6, v12;
	v5 =	vmul.f32 v4, v5;
	v51 =	vmul.f32 v7, v2;
	v19 =	vld [tilespmem:s28+$0x400]  }
0x224: {  	v49 =	vxor.u32 v13, v12;
	v54 =	vmul.f32 v4, v3;
	v50 =	vmul.f32 v4, v9  }
0x225: {  	v16 =	vand.u32 $0x7FFFF, v16;
	v17 =	vand.u32 $0x7FFFF, v17;
	v52 =	vmul.f32 v9, v2  }
0x226: {  	v11 =	vand.u32 $0x7FFFF, v45;
	v57 =	vand.u32 $0x7FFFF, v18;
	v15 =	vmul.f32 v15, v1  }
0x227: {  	v2 =	vmul.f32 v2, v3;
	v58 =	vand.u32 $0x7FFFF, v47;
	v8 =	vand.u32 $0x7FFFF, v46  }
0x228: {  	v14 =	vmul.f32 v14, v1;
	v1 =	vmul.f32 v19, v1;
	v15 =	vadd.f32 $5.000000000e-01, v15  }
0x229: {  	v6 =	vand.u32 $0x7FFFF, v48;
	v23 =	vand.u32 $0x7FFFF, v49;
	[tilespmem:s29+$0x1600] =	vst v20;
	v61 =	vadd.s32 v0, v16  }
0x22a: {  	[tilespmem:s29+$0x1A00] =	vst v5;
	v53 =	vadd.f32 $5.000000000e-01, v14;
	v1 =	vadd.f32 $5.000000000e-01, v1;
	v55 =	vtrunc.f32 v15  }
0x22b: {  	[tilespmem:s29+$0x1E00] =	vst v51;
	v63 =	vadd.s32 v0, v17;
	v18 =	vadd.s32 v0, v11;
	v5 =	vcvt.f32.s32 v55  }
0x22c: {  	[tilespmem:s29+$0x1C00] =	vst v54;
	v7 =	vadd.s32 v0, v58;
	v56 =	vtrunc.f32 v53;
	v60 =	vtrunc.f32 v1  }
0x22d: {  	v21 =	vadd.s32 v0, v57;
	[tilespmem:s29+$0x2400] =	vst v2;
	v3 =	vcvt.f32.s32 v56;
	v2 =	vcvt.f32.s32 v60  }
0x22e: {  	v8 =	vadd.s32 v0, v8;
	v6 =	vadd.s32 v0, v6;
	[tilespmem:s29+$0x1800] =	vst v50;
	v59 =	vcvt.s32.f32 v5  }
0x22f: {  	v11 =	vadd.s32 v0, v23;
	[tilespmem:s29+$0x2000] =	vst v52;
	v62 =	vcvt.s32.f32 v3;
	v19 =	vcvt.s32.f32 v2  }
0x230: {  	[tilespmem:s29+$0xA00] =	vst v61;
	v3 =	vmul.u32 $0x9E3779B1, v3;
	v2 =	vmul.u32 $0x30025795, v2;
	v4 =	vsub.f32 v15, v59  }
0x231: {  	[tilespmem:s29+$0xC00] =	vst v63;
	v29 =	vadd.s32 $0x1, v5;
	v9 =	vsub.f32 v53, v62;
	v1 =	vsub.f32 v1, v19  }
0x232: {  	[tilespmem:s29+$0x1200] =	vst v18;
	v30 =	vadd.s32 $0x9E3779B1, v3;
	v32 =	vxor.u32 v5, v3;
	v34 =	vadd.s32 $0x30025795, v2  }
0x233: {  	[tilespmem:s29+$0x1400] =	vst v7;
	v3 =	vxor.u32 v29, v3;
	v20 =	vsub.f32 $1.000000000e+00, v4;
	v5 =	vxor.u32 v5, v30  }
0x234: {  	[tilespmem:s29+$0x600] =	vst v21;
	v33 =	vxor.u32 v29, v30;
	v38 =	vxor.u32 v2, v32;
	v22 =	vsub.f32 $1.000000000e+00, v9  }
0x235: {  	[tilespmem:s29+$0x800] =	vst v8;
	v35 =	vxor.u32 v2, v5;
	v36 =	vxor.u32 v2, v33;
	v5 =	vxor.u32 v34, v5  }
0x236: {  	[tilespmem:s29+$0xE00] =	vst v6;
	v2 =	vxor.u32 v2, v3;
	v24 =	vmul.f32 v9, v20;
	v5 =	vand.u32 $0x7FFFF, v5  }
0x237: {  	[tilespmem:s29+$0x1000] =	vst v11;
	v25 =	vsub.f32 $1.000000000e+00, v1;
	v2 =	vand.u32 $0x7FFFF, v2;
	v5 =	vadd.s32 v0, v5  }
0x238: {  	v10 =	vmul.f32 v22, v20;
	v2 =	vadd.s32 v0, v2;
	v26 =	vmul.f32 v1, v24;
	[tilespmem:s28+$0x1200] =	vst v5  }
0x239: {  	v7 =	vmul.f32 v22, v4;
	v12 =	vmul.f32 v25, v24;
	[tilespmem:s28+$0x800] =	vst v2  }
0x23a: {  	v27 =	vmul.f32 v25, v10;
	[tilespmem:s28+$0x2200] =	vst v26  }
0x23b: {  	v28 =	vmul.f32 v25, v7;
	[tilespmem:s28+$0x1A00] =	vst v12  }
0x23c: {  	v4 =	vmul.f32 v9, v4;
	v31 =	vmul.f32 v10, v1;
	[tilespmem:s28+$0x1600] =	vst v27  }
0x23d: {  	v7 =	vmul.f32 v7, v1;
	[tilespmem:s28+$0x1800] =	vst v28  }
0x23e: {  	v8 =	vmul.f32 v25, v4;
	[tilespmem:s28+$0x1E00] =	vst v31  }
0x23f: {  	v1 =	vmul.f32 v1, v4;
	[tilespmem:s28+$0x2000] =	vst v7  }
0x240: {  	v4 =	vand.u32 $0x7FFFF, v36;
	[tilespmem:s28+$0x1C00] =	vst v8  }
0x241: {  	v37 =	vand.u32 $0x7FFFF, v35;
	v4 =	vadd.s32 v0, v4;
	[tilespmem:s28+$0x2400] =	vst v1;
	v1 =	vxor.u32 v34, v33  }
0x242: {  	v7 =	vadd.s32 v0, v37;
	[tilespmem:s28+$0xC00] =	vst v4;
	v1 =	vand.u32 $0x7FFFF, v1  }
0x243: {  	v40 =	vxor.u32 v32, v34;
	v39 =	vand.u32 $0x7FFFF, v38;
	[tilespmem:s28+$0xA00] =	vst v7;
	v1 =	vadd.s32 v0, v1  }
0x244: {  	v4 =	vadd.s32 v0, v39;
	[tilespmem:s28+$0x1400] =	vst v1;
	v1 =	vxor.u32 v3, v34;
	v3 =	vand.u32 $0x7FFFF, v40  }
0x245: {  	[tilespmem:s28+$0x600] =	vst v4;
	v1 =	vand.u32 $0x7FFFF, v1;
	v3 =	vadd.s32 v0, v3  }
0x246: {  	v0 =	vadd.s32 v0, v1;
	[tilespmem:s28+$0xE00] =	vst v3  }
0x247: {  	[tilespmem:s28+$0x1000] =	vst v0  }
0x248: {  	[tilespmem:s18], [sflag:$0x1] =	stream.indirect.gather [hbm4b:s7+s16], $0x1, s17, s16, $0xb8;
	[tilespmem:$0x4A00] =	vst v63  }
0x249: {  	_ = 	snop  }
0x24a: {  	[tilespmem:s19], [sflag:$0x1] =	stream.indirect.gather [hbm4b:s8+s16], $0x1, s17, s16, $0xb8;
	[tilespmem:$0x4A00] =	vst v63  }
0x24b: {  	_ =	swait.ge [sflag:s20], $0x1000  }
0x24c: {  	[sflag:s20] =	ssyncset.done $0x0  }
0x24d: {  	[sflag:s20] =	ssyncadd.s32 $0xFFFFF000  }
0x24e: {  	_ =	swait.ge [sflag:s20], $0x1000  }
0x24f: {  	[sflag:s20] =	ssyncset.done $0x0  }
0x250: {  	s0 =	simm.s32 $0x3E00;
	[sflag:s20] =	ssyncadd.s32 $0xFFFFF000  }
0x251: {  	v0 =	vld [tilespmem:s0+$0x600]  }
0x252: {  	v1 =	vld [tilespmem:s0+$0x400]  }
0x253: {  	v2 =	vld [tilespmem:s0+$0x200]  }
0x254: {  	v3 =	vld [tilespmem:s0+$0x0]  }
0x255: {  	v41 =	vld [tilespmem:s0+$0xFFFFFE00]  }
0x256: {  	v42 =	vld [tilespmem:s0+$0xFFFFFA00]  }
0x257: {  	s28 =	simm.s32 $0x2E00;
	v43 =	vld [tilespmem:s0+$0xFFFFF800]  }
0x258: {  	s29 =	simm.s32 $0x1E00;
	v44 =	vld [tilespmem:s28+$0xFFFFF800]  }
0x259: {  	v45 =	vld [tilespmem:s29+$0xFFFFF800]  }
0x25a: {  	v46 =	vld [tilespmem:s28+$0xFFFFFA00]  }
0x25b: {  	v47 =	vld [tilespmem:s29+$0xFFFFFA00]  }
0x25c: {  	v48 =	vld [tilespmem:s0+$0xFFFFFC00]  }
0x25d: {  	v49 =	vld [tilespmem:s29+$0xFFFFFC00]  }
0x25e: {  	v50 =	vld [tilespmem:s28+$0xFFFFFC00];
	v6 =	vmul.f32 v43, v45  }
0x25f: {  	v51 =	vld [tilespmem:s29+$0xFFFFFE00];
	v7 =	vmul.f32 v44, v45  }
0x260: {  	v52 =	vld [tilespmem:s28+$0xFFFFFE00];
	v5 =	vmul.f32 v42, v47;
	v6 =	vadd.f32 $0.0e+00, v6  }
0x261: {  	v53 =	vld [tilespmem:s29+$0x0];
	v9 =	vmul.f32 v46, v47;
	v7 =	vadd.f32 $0.0e+00, v7  }
0x262: {  	v55 =	vld [tilespmem:s28+$0x0];
	v54 =	vmul.f32 v48, v49;
	v5 =	vadd.f32 v5, v6  }
0x263: {  	v57 =	vld [tilespmem:s29+$0x200];
	v56 =	vmul.f32 v50, v49;
	v7 =	vadd.f32 v9, v7  }
0x264: {  	v58 =	vld [tilespmem:s28+$0x200];
	v4 =	vmul.f32 v41, v51;
	v5 =	vadd.f32 v54, v5  }
0x265: {  	v59 =	vld [tilespmem:s29+$0x400];
	v8 =	vmul.f32 v52, v51;
	v7 =	vadd.f32 v56, v7  }
0x266: {  	v60 =	vld [tilespmem:s28+$0x400];
	v3 =	vmul.f32 v3, v53;
	v4 =	vadd.f32 v4, v5  }
0x267: {  	v62 =	vld [tilespmem:s29+$0x600];
	v61 =	vmul.f32 v55, v53;
	v7 =	vadd.f32 v8, v7  }
0x268: {  	v63 =	vld [tilespmem:s28+$0x600];
	v2 =	vmul.f32 v2, v57;
	v3 =	vadd.f32 v3, v4  }
0x269: {  	v6 =	vmul.f32 v58, v57;
	v7 =	vadd.f32 v61, v7  }
0x26a: {  	v1 =	vmul.f32 v1, v59;
	v2 =	vadd.f32 v2, v3  }
0x26b: {  	v5 =	vmul.f32 v60, v59;
	v3 =	vadd.f32 v6, v7  }
0x26c: {  	v0 =	vmul.f32 v0, v62;
	v1 =	vadd.f32 v1, v2  }
0x26d: {  	s30 =	simm.s32 $0x0;
	v2 =	vadd.f32 v5, v3;
	v3 =	vmul.f32 v63, v62  }
0x26e: {  	s12 =	sand.u32 $0x70, s30;
	s5 =	sand.u32 $0x300, s30;
	v1 =	vadd.f32 v0, v1  }
0x26f: {  	s31 =	simm.s32 $0x10;
	s5 =	sor.u32 s12, s5;
	s0 =	simm.s32 $0x3E10;
	v0 =	vadd.f32 v3, v2  }
.LBB2_18:
0x270: {  	[tilespmem:s5+$0x4680] =	vst v1;
	s30 =	sadd.s32 $0x20, s30;
	s28 =	sadd.s32 $0x10, s28;
	s29 =	sadd.s32 $0x10, s29  }
0x271: {  	p0 =	sne.s32 s31, $0x1F0;
	[tilespmem:s5+$0x4600] =	vst v0;
	s5 =	smov.u32 s31;
	s31 =	sadd.s32 $0x10, s31  }
0x272: {  	v0 =	vld [tilespmem:s0+$0x600]  }
0x273: {  	v1 =	vld [tilespmem:s0+$0x400]  }
0x274: {  	v2 =	vld [tilespmem:s0+$0x200]  }
0x275: {  	v3 =	vld [tilespmem:s0+$0x0]  }
0x276: {  	v4 =	vld [tilespmem:s0+$0xFFFFFE00]  }
0x277: {  	v5 =	vld [tilespmem:s0+$0xFFFFFA00]  }
0x278: {  	v6 =	vld [tilespmem:s0+$0xFFFFF800]  }
0x279: {  	v7 =	vld [tilespmem:s28+$0xFFFFF800]  }
0x27a: {  	v8 =	vld [tilespmem:s29+$0xFFFFF800]  }
0x27b: {  	v9 =	vld [tilespmem:s28+$0xFFFFFA00]  }
0x27c: {  	v10 =	vld [tilespmem:s29+$0xFFFFFA00]  }
0x27d: {  	v11 =	vld [tilespmem:s0+$0xFFFFFC00]  }
0x27e: {  	v12 =	vld [tilespmem:s29+$0xFFFFFC00]  }
0x27f: {  	v7 =	vmul.f32 v7, v8;
	v6 =	vmul.f32 v6, v8;
	v8 =	vld [tilespmem:s28+$0xFFFFFC00]  }
0x280: {  	v13 =	vld [tilespmem:s29+$0xFFFFFE00]  }
0x281: {  	v7 =	vadd.f32 $0.0e+00, v7;
	v6 =	vadd.f32 $0.0e+00, v6;
	v5 =	vmul.f32 v5, v10;
	v14 =	vld [tilespmem:s28+$0xFFFFFE00]  }
0x282: {  	v9 =	vmul.f32 v9, v10;
	v10 =	vld [tilespmem:s29+$0x0]  }
0x283: {  	v5 =	vadd.f32 v5, v6;
	v6 =	vmul.f32 v11, v12;
	v11 =	vld [tilespmem:s28+$0x0]  }
0x284: {  	v7 =	vadd.f32 v9, v7;
	v8 =	vmul.f32 v8, v12;
	v9 =	vld [tilespmem:s29+$0x200]  }
0x285: {  	v5 =	vadd.f32 v6, v5;
	v4 =	vmul.f32 v4, v13;
	v6 =	vld [tilespmem:s28+$0x200]  }
0x286: {  	v7 =	vadd.f32 v8, v7;
	v8 =	vmul.f32 v14, v13;
	v12 =	vld [tilespmem:s29+$0x400]  }
0x287: {  	v4 =	vadd.f32 v4, v5;
	v3 =	vmul.f32 v3, v10;
	v5 =	vld [tilespmem:s28+$0x400]  }
0x288: {  	v7 =	vadd.f32 v8, v7;
	v8 =	vmul.f32 v11, v10;
	v10 =	vld [tilespmem:s29+$0x600]  }
0x289: {  	v3 =	vadd.f32 v3, v4;
	v2 =	vmul.f32 v2, v9;
	v4 =	vld [tilespmem:s28+$0x600]  }
0x28a: {  	v7 =	vadd.f32 v8, v7;
	v6 =	vmul.f32 v6, v9  }
0x28b: {  	v2 =	vadd.f32 v2, v3;
	v1 =	vmul.f32 v1, v12  }
.Ltmp7:
0x28c: {  	v3 =	vadd.f32 v6, v7;
	v5 =	vmul.f32 v5, v12;
	(pc) =	sbr.rel @p0 .LBB2_18-.Ltmp7, $4  }
0x28d: {  	v1 =	vadd.f32 v1, v2;
	v0 =	vmul.f32 v0, v10  }
0x28e: {  	v2 =	vadd.f32 v5, v3;
	v3 =	vmul.f32 v4, v10  }
0x28f: {  	s12 =	sand.u32 $0x300, s30;
	s5 =	sand.u32 $0x70, s5;
	v1 =	vadd.f32 v0, v1  }
0x290: {  	s5 =	sor.u32 s5, s12;
	s0 =	sadd.s32 $0x10, s0;
	v0 =	vadd.f32 v3, v2  }
0x291: {  	s0 =	sshll.u32 s26, $0x5;
	s12 =	sshll.u32 s26, $0x10  }
0x292: {  	s26 =	sadd.s32 $0x1, s26;
	s12 =	sand.u32 $0xC0000, s12;
	s0 =	sand.u32 $0x60, s0  }
0x293: {  	[tilespmem:s5+$0x4680] =	vst v1;
	p0 =	sne.s32 s26, $0x10;
	s0 =	sor.u32 s0, s12  }
.Ltmp8:
0x294: {  	[tilespmem:s5+$0x4600] =	vst v0;
	s0 =	sadd.s32 s0, s25;
	(pc) =	sbr.rel @p0 .LBB2_15-.Ltmp8, $4  }
0x295: {  	[hbm4b:s0+s21] =	stream.strided.scatter [tilespmem:s22], [sflag:$0x2], $0x400, s15, s21, $0x38;
	[tilespmem:$0x4A00] =	vst v63  }
0x296: {  	_ =	swait.ge [sflag:s13], $0x400  }
0x297: {  	[sflag:s13] =	ssyncset.done $0x0  }
0x298: {  	[sflag:s13] =	ssyncadd.s32 $0xFFFFFC00  }
0x299: {  	s24 =	sadd.s32 $0x1, s24  }
0x29a: {  	p0 =	sne.s32 s24, $0x10  }
.Ltmp9:
0x29b: {  	_ = 	snop;
	(pc) =	sbr.rel @p0 .LBB2_2-.Ltmp9, $1  }
0x29c: {  	_ =	sdelay $0x3  }
0x29d: {  	s2 =	sadd.s32 $0x1, s2;
	s0 =	rddreg [dreg:$0x3]  }
0x29e: {  	p0 =	sne.s32 s2, s0  }
.Ltmp10:
0x29f: {  	_ = 	snop;
	(pc) =	sbr.rel @p0 .LBB2_1-.Ltmp10, $1  }
0x2a0: {  	_ =	sdelay $0x3  }
0x2a1: {  	_ =	sfence.sel $0x180000  }
0x2a2: {  	[bflag:$0x0] =	sbarrier.arrive $0xFFFF  }
0x2a3: {  	_ =	strace $0x90000047  }
0x2a4: {  	s0 =	stileid.u32;
	[bflag:$0x2] =	sbarrier.arrive $0xFFFF  }
0x2a5: {  	p0 =	sne.s32 s0, $0x0;
	s0 =	rddreg [dreg:$0x2]  }
0x2a6: {  	s0 =	sadd.s32 @!p0 $0x100000, s0  }
0x2a7: {  	[sflag:s0] =	ssyncadd.tile.s32 @!p0 $0x1;
	_ =	shalt  }
.Lfunc_end2:
_tile_overlayer_lowered:
.L_overlay_start_2:
0x2a8: {  	(tag) =	ssettag $0x2  }
0x2a9: {  	s0 =	rddreg [dreg:$0x0];
	s2 =	stileid.u32  }
0x2aa: {  	s1 =	rddreg [dreg:$0x1];
	p0 =	sne.s32 s2, $0x0  }
0x2ab: {  	s3 =	rddreg [dreg:$0x2];
	[bflag:$0x3] =	sbarrier.arrive $0xFFFF;
	s2 =	simm.s32 @!p0 $0x1C02  }
0x2ac: {  	[timem:s3], [sflag:s2] =	dma.local @!p0 [hbm:s0], s1  }
0x2ad: {  	s0 =	simm.s32 @!p0 $0x2  }
0x2ae: {  	_ =	swait.ge @!p0 [sflag:s0], s1  }
0x2af: {  	s1 =	ssub.s32 @!p0 $0x0, s1;
	[sflag:s0] =	ssyncset.done @!p0 $0x0  }
0x2b0: {  	[sflag:s0] =	ssyncadd.s32 @!p0 s1  }
0x2b1: {  	[bflag:$0x3] =	sbarrier.arrive $0xFFFF  }
0x2b2: {  	_ =	shalt  }

</sc_bundles>
